<compile_context>
chip_gen: v7x
topology: tpu7x:2x2x1
jax: 0.10.2.dev20260603
libtpu: 0.0.44.dev20260713+nightly
codegen_flags: <defaults>
</compile_context>

<pallas_src>
import functools

import jax
import jax.numpy as jnp
from jax import lax
from jax.experimental import pallas as pl
from jax.experimental.pallas import tpu as pltpu
from jax.experimental.pallas import tpu_sc as plsc

N = 10000
E = 320000
D = 128
H1, O1 = 8, 8
H2, O2 = 1, 7

K = 128
CPW = 80
E_PAD = 32 * CPW * K
NP = 10240
RPT = 624

C1 = 80
C2 = 16

_BLK = 512
_GRID = (N + _BLK - 1) // _BLK


def _bcast_idx(c):
    return (lax.broadcasted_iota(jnp.int32, (16,), 0) >> 3) + 2 * c


_GDN = lax.GatherDimensionNumbers(
    offset_dims=(), collapsed_slice_dims=(0,), start_index_map=(0,))


def _lane_gather(v, idx):
    return lax.gather(v, idx[:, None], _GDN, (1,),
                      mode=lax.GatherScatterMode.PROMISE_IN_BOUNDS)


def _acc_zero(pay, acc, sid, cols):
    def zb(i, _):
        for j in range(cols // 16):
            pay[i, pl.ds(16 * j, 16)] = jnp.zeros((16,), jnp.float32)
        return 0
    lax.fori_loop(0, K, zb, 0)
    base = sid * RPT
    for t in range(4):
        pltpu.sync_copy(pay, acc.at[pl.ds(base + K * t, K)])
    pltpu.sync_copy(pay.at[pl.ds(0, RPT - 4 * K)],
                    acc.at[pl.ds(base + 4 * K, RPT - 4 * K)])

    @pl.when(sid == 15)
    def _():
        pltpu.sync_copy(pay, acc.at[pl.ds(base + RPT, K)])
        pltpu.sync_copy(pay, acc.at[pl.ds(base + RPT + K, K)])


def _acc_out(acc, out_hbm, cid, sid):
    base = sid * RPT
    pltpu.sync_copy(acc.at[pl.ds(base, RPT)],
                    out_hbm.at[cid, pl.ds(base, RPT)])

    @pl.when(sid == 15)
    def _():
        pltpu.sync_copy(acc.at[pl.ds(base + RPT, 16)],
                        out_hbm.at[cid, pl.ds(base + RPT, 16)])


def _edge_pipeline(ps_hbm, pd_hbm, src_hbm, dst_hbm,
                   sbuf, dbuf, sg, dg, pay, acc, gs, gd, ss,
                   cid, sid, compute_chunk):
    wid = sid * 2 + cid
    lo = wid * CPW
    pltpu.sync_copy(src_hbm.at[pl.ds(lo, CPW)], sbuf)
    pltpu.sync_copy(dst_hbm.at[pl.ds(lo, CPW)], dbuf)

    def start_gather(j, b):
        pltpu.async_copy(ps_hbm.at[sbuf.at[j]], sg[b], gs[b])
        pltpu.async_copy(pd_hbm.at[dbuf.at[j]], dg[b], gd[b])

    def wait_gather(b):
        pltpu.make_async_copy(ps_hbm.at[sbuf.at[0]], sg[b], gs[b]).wait()
        pltpu.make_async_copy(pd_hbm.at[dbuf.at[0]], dg[b], gd[b]).wait()

    def wait_scatter(b):
        pltpu.make_async_copy(pay[b], acc.at[dbuf.at[0]], ss[b]).wait()

    start_gather(0, 0)

    def pair(p, _):
        for b in range(2):
            j = p * 2 + b
            wait_gather(b)

            @pl.when(j + 1 < CPW)
            def _(j=j, b=b):
                start_gather(j + 1, 1 - b)

            @pl.when(j >= 2)
            def _(b=b):
                wait_scatter(b)
            compute_chunk(sg[b], dg[b], pay[b])
            pltpu.async_copy(pay[b], acc.at[dbuf.at[j]], ss[b], add=True)
        return 0
    lax.fori_loop(0, CPW // 2, pair, 0)

    for b in range(2):
        wait_scatter(b)


def _sc_edge1(ps_hbm, pd_hbm, src_hbm, dst_hbm, out_hbm,
              sbuf, dbuf, sg0, sg1, dg0, dg1, pay0, pay1,
              acc, gs0, gs1, gd0, gd1, ss0, ss1):
    cid = lax.axis_index("c")
    sid = lax.axis_index("s")
    _acc_zero(pay0, acc, sid, C1)
    plsc.subcore_barrier()

    def compute(sg, dg, pay):
        @plsc.parallel_loop(0, K, unroll=4)
        def edge(k):
            t = sg[k, pl.ds(64, 16)] + dg[k]
            w = jnp.exp(jnp.maximum(t, 0.2 * t))
            pay[k, pl.ds(64, 16)] = w
            for c in range(4):
                we = _lane_gather(w, _bcast_idx(c))
                pay[k, pl.ds(16 * c, 16)] = sg[k, pl.ds(16 * c, 16)] * we

    _edge_pipeline(ps_hbm, pd_hbm, src_hbm, dst_hbm,
                   sbuf, dbuf, [sg0, sg1], [dg0, dg1],
                   [pay0, pay1], acc, [gs0, gs1], [gd0, gd1], [ss0, ss1],
                   cid, sid, compute)

    plsc.subcore_barrier()
    _acc_out(acc, out_hbm, cid, sid)


def _sc_edge2(ps_hbm, pd_hbm, src_hbm, dst_hbm, out_hbm,
              sbuf, dbuf, sg0, sg1, dg0, dg1, pay0, pay1,
              acc, gs0, gs1, gd0, gd1, ss0, ss1):
    cid = lax.axis_index("c")
    sid = lax.axis_index("s")
    _acc_zero(pay0, acc, sid, C2)
    plsc.subcore_barrier()

    idx8 = jnp.full((16,), 8, jnp.int32)

    def compute(sg, dg, pay):
        @plsc.parallel_loop(0, K, unroll=8)
        def edge(k):
            s = sg[k]
            t = s + dg[k]
            u = jnp.exp(jnp.maximum(t, 0.2 * t))
            w2 = _lane_gather(u, idx8)
            pay[k] = s * w2

    _edge_pipeline(ps_hbm, pd_hbm, src_hbm, dst_hbm,
                   sbuf, dbuf, [sg0, sg1], [dg0, dg1],
                   [pay0, pay1], acc, [gs0, gs1], [gd0, gd1], [ss0, ss1],
                   cid, sid, compute)

    plsc.subcore_barrier()
    _acc_out(acc, out_hbm, cid, sid)


_SC_MESH = plsc.VectorSubcoreMesh(core_axis_name="c", subcore_axis_name="s")


def _make_edge_pass(body, c):
    return pl.kernel(
        body,
        out_type=jax.ShapeDtypeStruct((2, N, c), jnp.float32),
        mesh=_SC_MESH,
        compiler_params=pltpu.CompilerParams(use_tc_tiling_on_sc=False),
        scratch_types=(
            [pltpu.VMEM((CPW, K), jnp.int32)] * 2
            + [pltpu.VMEM((K, c), jnp.float32)] * 2
            + [pltpu.VMEM((K, 16), jnp.float32)] * 2
            + [pltpu.VMEM((K, c), jnp.float32)] * 2
            + [pltpu.VMEM_SHARED((NP, c), jnp.float32)]
            + [pltpu.SemaphoreType.DMA] * 6
        ),
    )


def _row_mask(i):
    rows = i * _BLK + lax.broadcasted_iota(jnp.int32, (_BLK, 1), 0)
    return (rows < N).astype(jnp.float32)


def _dense1_body(x_ref, wp_ref, wd_ref, ps_ref, pd_ref):
    m = _row_mask(pl.program_id(0))
    xb = x_ref[...] * m
    ps_ref[...] = jnp.dot(xb, wp_ref[...], preferred_element_type=jnp.float32)
    pd_ref[...] = jnp.dot(xb, wd_ref[...], preferred_element_type=jnp.float32)


def _dense2_body(a0_ref, a1_ref, r_ref, b1_ref, w2p_ref, w2d_ref, e7_ref,
                 ps2_ref, pd2_ref):
    m = _row_mask(pl.program_id(0))
    a = (a0_ref[...] + a1_ref[...]) * m
    num = a[:, :64]
    den = a[:, 64:72]
    rep = jnp.dot(1.0 / (den + 1e-16), r_ref[...],
                  preferred_element_type=jnp.float32)
    o1 = (num * rep + b1_ref[...]) * m
    o1 = jnp.where(o1 > 0, o1, jnp.exp(jnp.minimum(o1, 0.0)) - 1.0)
    ps2_ref[...] = jnp.dot(o1, w2p_ref[...],
                           preferred_element_type=jnp.float32) + e7_ref[...]
    pd2_ref[...] = jnp.dot(o1, w2d_ref[...],
                           preferred_element_type=jnp.float32)


def _dense3_body(a0_ref, a1_ref, b2_ref, out_ref):
    a = a0_ref[...] + a1_ref[...]
    o = a[:, :7] / (a[:, 7:8] + 1e-16) + b2_ref[...]
    m = jnp.max(o, axis=1, keepdims=True)
    s = o - m
    out_ref[...] = s - jnp.log(jnp.sum(jnp.exp(s), axis=1, keepdims=True))


def _full(shape):
    return pl.BlockSpec(shape, lambda i: (0,) * len(shape))


def kernel(x, edge_index, W1, a_src1, a_dst1, b1, W2, a_src2, a_dst2, b2):
    npad = E_PAD - E
    pad_s = N + (jnp.arange(npad, dtype=jnp.int32) % 224)
    pad_d = N + (jnp.arange(npad, dtype=jnp.int32) % 224)
    src = jnp.concatenate([edge_index[0].astype(jnp.int32), pad_s]
                          ).reshape(32 * CPW, K)
    dst = jnp.concatenate([edge_index[1].astype(jnp.int32), pad_d]
                          ).reshape(32 * CPW, K)

    Asrc = (a_src1[:, :, None] * jnp.eye(H1, dtype=jnp.float32)[:, None, :]
            ).reshape(H1 * O1, H1)
    Adst = (a_dst1[:, :, None] * jnp.eye(H1, dtype=jnp.float32)[:, None, :]
            ).reshape(H1 * O1, H1)
    P = jnp.concatenate([jnp.eye(64, dtype=jnp.float32), Asrc, Asrc], axis=1)
    W1P = W1 @ P
    W1D = W1 @ jnp.concatenate([Adst, Adst], axis=1)
    R = jnp.kron(jnp.eye(8, dtype=jnp.float32),
                 jnp.ones((1, 8), jnp.float32))
    s2 = W2 @ a_src2.reshape(O2, 1)
    d2 = W2 @ a_dst2.reshape(O2, 1)
    W2P = jnp.concatenate(
        [W2, jnp.zeros((64, 1), jnp.float32), s2 @ jnp.ones((1, 8), jnp.float32)],
        axis=1)
    W2D = d2 @ jnp.ones((1, 16), jnp.float32)
    e7 = jnp.zeros((1, 16), jnp.float32).at[0, 7].set(1.0)
    b1r = b1.reshape(1, 64)
    b2r = b2.reshape(1, O2)

    ps1, pd1 = pl.pallas_call(
        _dense1_body,
        grid=(_GRID,),
        in_specs=[pl.BlockSpec((_BLK, D), lambda i: (i, 0)),
                  _full((D, C1)), _full((D, C2))],
        out_specs=[pl.BlockSpec((_BLK, C1), lambda i: (i, 0)),
                   pl.BlockSpec((_BLK, C2), lambda i: (i, 0))],
        out_shape=[jax.ShapeDtypeStruct((NP, C1), jnp.float32),
                   jax.ShapeDtypeStruct((NP, C2), jnp.float32)],
    )(x, W1P, W1D)

    acc1 = _make_edge_pass(_sc_edge1, C1)(ps1, pd1, src, dst)

    ps2, pd2 = pl.pallas_call(
        _dense2_body,
        grid=(_GRID,),
        in_specs=[pl.BlockSpec((_BLK, C1), lambda i: (i, 0)),
                  pl.BlockSpec((_BLK, C1), lambda i: (i, 0)),
                  _full((H1, 64)), _full((1, 64)),
                  _full((64, C2)), _full((64, C2)), _full((1, C2))],
        out_specs=[pl.BlockSpec((_BLK, C2), lambda i: (i, 0)),
                   pl.BlockSpec((_BLK, C2), lambda i: (i, 0))],
        out_shape=[jax.ShapeDtypeStruct((NP, C2), jnp.float32),
                   jax.ShapeDtypeStruct((NP, C2), jnp.float32)],
    )(acc1[0], acc1[1], R, b1r, W2P, W2D, e7)

    acc2 = _make_edge_pass(_sc_edge2, C2)(ps2, pd2, src, dst)

    out = pl.pallas_call(
        _dense3_body,
        grid=(_GRID,),
        in_specs=[pl.BlockSpec((_BLK, C2), lambda i: (i, 0)),
                  pl.BlockSpec((_BLK, C2), lambda i: (i, 0)),
                  _full((1, O2))],
        out_specs=pl.BlockSpec((_BLK, O2), lambda i: (i, 0)),
        out_shape=jax.ShapeDtypeStruct((N, O2), jnp.float32),
    )(acc2[0], acc2[1], b2r)
    return out

# --- scband reference (transcript-rebuilt; emitter-appended) ---
"""Pipeline reference for scband-gat-net-class-35880156791104 (READ-ONLY COPY).

The authoritative reference and input builder live on the scoring server;
editing this copy changes nothing except your own understanding.
"""

import jax, jax.numpy as jnp
import numpy as np

N = 10000
E = 320000
D = 128
H1, O1 = 8, 8
H2, O2 = 1, 7


def setup_inputs(seed: int = 0) -> dict:
    key = jax.random.key(seed)
    ks = jax.random.split(key, 12)
    x = jax.random.normal(ks[0], (N, D), dtype=jnp.float32)
    edge_index = jax.random.randint(ks[1], (2, E), 0, N)
    W1 = jax.random.normal(ks[2], (D, H1 * O1), dtype=jnp.float32) * (1.0 / np.sqrt(D))
    a_src1 = jax.random.normal(ks[3], (H1, O1), dtype=jnp.float32) * 0.1
    a_dst1 = jax.random.normal(ks[4], (H1, O1), dtype=jnp.float32) * 0.1
    b1 = jnp.zeros((H1 * O1,), dtype=jnp.float32)
    W2 = jax.random.normal(ks[5], (H1 * O1, H2 * O2), dtype=jnp.float32) * (1.0 / np.sqrt(H1 * O1))
    a_src2 = jax.random.normal(ks[6], (H2, O2), dtype=jnp.float32) * 0.1
    a_dst2 = jax.random.normal(ks[7], (H2, O2), dtype=jnp.float32) * 0.1
    b2 = jnp.zeros((H2 * O2,), dtype=jnp.float32)
    return {"x": x, "edge_index": edge_index, "W1": W1, "a_src1": a_src1,
            "a_dst1": a_dst1, "b1": b1, "W2": W2, "a_src2": a_src2,
            "a_dst2": a_dst2, "b2": b2}


def _gat_layer(x, edge_index, W, a_src, a_dst, b, heads, out_dim, n_nodes):
    h = (x @ W).reshape(n_nodes, heads, out_dim)
    src = edge_index[0]
    dst = edge_index[1]
    alpha_src = jnp.sum(h * a_src[None, :, :], axis=-1)  # [N, H]
    alpha_dst = jnp.sum(h * a_dst[None, :, :], axis=-1)  # [N, H]
    e = alpha_src[src] + alpha_dst[dst]                   # [E, H]
    e = jax.nn.leaky_relu(e, negative_slope=0.2)
    e_max = jax.ops.segment_max(e, dst, num_segments=n_nodes)
    e_max = jnp.where(jnp.isfinite(e_max), e_max, 0.0)
    e_exp = jnp.exp(e - e_max[dst])
    denom = jax.ops.segment_sum(e_exp, dst, num_segments=n_nodes)
    attn = e_exp / (denom[dst] + 1e-16)                   # softmax per dst node
    msg = h[src] * attn[:, :, None]                       # [E, H, O]
    out = jax.ops.segment_sum(msg, dst, num_segments=n_nodes)
    return out.reshape(n_nodes, heads * out_dim) + b[None, :]


def reference(x, edge_index, W1, a_src1, a_dst1, b1, W2, a_src2, a_dst2, b2):
    # eval mode: dropout(p=0.6) is identity
    h = _gat_layer(x, edge_index, W1, a_src1, a_dst1, b1, H1, O1, N)
    h = jax.nn.elu(h)
    h = _gat_layer(h, edge_index, W2, a_src2, a_dst2, b2, H2, O2, N)
    return jax.nn.log_softmax(h, axis=1)

if __name__ == "__main__":
    import jax
    _d = setup_inputs()
    print(jax.jit(kernel)(*tuple(_d.values())))

</pallas_src>

<mosaic_0001>
#map = affine_map<(d0, d1) -> (0, 0)>
#map1 = affine_map<(d0, d1) -> (0, 0, 0)>
module attributes {stable_mosaic.version = 14 : i64} {
  func.func @_sc_edge1(%arg0: i32, %arg1: i32, %arg2: memref<10240x80xf32, #tpu.memory_space<hbm>>, %arg3: memref<10240x16xf32, #tpu.memory_space<hbm>>, %arg4: memref<2560x128xi32, #tpu.memory_space<hbm>>, %arg5: memref<2560x128xi32, #tpu.memory_space<hbm>>, %arg6: memref<2x10000x80xf32, #tpu.memory_space<hbm>>, %arg7: memref<80x128xi32, #tpu.memory_space<vmem>>, %arg8: memref<80x128xi32, #tpu.memory_space<vmem>>, %arg9: memref<128x80xf32, #tpu.memory_space<vmem>>, %arg10: memref<128x80xf32, #tpu.memory_space<vmem>>, %arg11: memref<128x16xf32, #tpu.memory_space<vmem>>, %arg12: memref<128x16xf32, #tpu.memory_space<vmem>>, %arg13: memref<128x80xf32, #tpu.memory_space<vmem>>, %arg14: memref<128x80xf32, #tpu.memory_space<vmem>>, %arg15: memref<10240x80xf32, #tpu.memory_space<vmem_shared>>, %arg16: memref<!tpu.dma_semaphore, #tpu.memory_space<semaphore_mem>>, %arg17: memref<!tpu.dma_semaphore, #tpu.memory_space<semaphore_mem>>, %arg18: memref<!tpu.dma_semaphore, #tpu.memory_space<semaphore_mem>>, %arg19: memref<!tpu.dma_semaphore, #tpu.memory_space<semaphore_mem>>, %arg20: memref<!tpu.dma_semaphore, #tpu.memory_space<semaphore_mem>>, %arg21: memref<!tpu.dma_semaphore, #tpu.memory_space<semaphore_mem>>) attributes {dimension_semantics = [#tpu.dimension_semantics<core_parallel>, #tpu.dimension_semantics<subcore_parallel>], iteration_bounds = array<i64: 2, 16>, scalar_prefetch = 0 : i64, scratch_operands = 15 : i64, tpu.core_type = #tpu.core_type<sc_vector_subcore>, window_params = [{transform_indices = #map}, {transform_indices = #map}, {transform_indices = #map}, {transform_indices = #map}, {transform_indices = #map1}]} {
    %scan3A = arith.constant 0 : i32
    %scan3A_0 = arith.constant 0 : i32
    %scan3A_1 = arith.constant 128 : i32
    %scan3A_2 = arith.addi %scan3A_0, %scan3A_1 : i32
    %scan3A_3 = arith.constant 1 : i32
    %scan3A_4 = scf.for %scan3A_64 = %scan3A_0 to %scan3A_2 step %scan3A_3 iter_args(%scan3A_65 = %scan3A) -> (i32)  : i32 {
      %broadcast_in_dim3A = arith.constant 0.000000e+00 : f32
      %broadcast_in_dim3A_66 = vector.broadcast %broadcast_in_dim3A : f32 to vector<16xf32>
      %swap3A = arith.index_cast %scan3A_64 : i32 to index
      %swap3A_67 = arith.constant 0 : index
      %swap3A_68 = tpu.vector_load %arg13[%swap3A, %swap3A_67] {strides = array<i32>} : memref<128x80xf32, #tpu.memory_space<vmem>>, vector<1x16xf32>,
      %swap3A_69 = vector.shape_cast %swap3A_68 : vector<1x16xf32> to vector<16xf32>
      %swap3A_70 = vector.shape_cast %broadcast_in_dim3A_66 : vector<16xf32> to vector<1x16xf32>
      tpu.vector_store %arg13[%swap3A, %swap3A_67], %swap3A_70 {strides = array<i32>} : memref<128x80xf32, #tpu.memory_space<vmem>>, vector<1x16xf32>,
      %broadcast_in_dim3A_71 = arith.constant 0.000000e+00 : f32
      %broadcast_in_dim3A_72 = vector.broadcast %broadcast_in_dim3A_71 : f32 to vector<16xf32>
      %swap3A_73 = arith.index_cast %scan3A_64 : i32 to index
      %swap3A_74 = arith.constant 16 : index
      %swap3A_75 = tpu.vector_load %arg13[%swap3A_73, %swap3A_74] {strides = array<i32>} : memref<128x80xf32, #tpu.memory_space<vmem>>, vector<1x16xf32>,
      %swap3A_76 = vector.shape_cast %swap3A_75 : vector<1x16xf32> to vector<16xf32>
      %swap3A_77 = vector.shape_cast %broadcast_in_dim3A_72 : vector<16xf32> to vector<1x16xf32>
      tpu.vector_store %arg13[%swap3A_73, %swap3A_74], %swap3A_77 {strides = array<i32>} : memref<128x80xf32, #tpu.memory_space<vmem>>, vector<1x16xf32>,
      %broadcast_in_dim3A_78 = arith.constant 0.000000e+00 : f32
      %broadcast_in_dim3A_79 = vector.broadcast %broadcast_in_dim3A_78 : f32 to vector<16xf32>
      %swap3A_80 = arith.index_cast %scan3A_64 : i32 to index
      %swap3A_81 = arith.constant 32 : index
      %swap3A_82 = tpu.vector_load %arg13[%swap3A_80, %swap3A_81] {strides = array<i32>} : memref<128x80xf32, #tpu.memory_space<vmem>>, vector<1x16xf32>,
      %swap3A_83 = vector.shape_cast %swap3A_82 : vector<1x16xf32> to vector<16xf32>
      %swap3A_84 = vector.shape_cast %broadcast_in_dim3A_79 : vector<16xf32> to vector<1x16xf32>
      tpu.vector_store %arg13[%swap3A_80, %swap3A_81], %swap3A_84 {strides = array<i32>} : memref<128x80xf32, #tpu.memory_space<vmem>>, vector<1x16xf32>,
      %broadcast_in_dim3A_85 = arith.constant 0.000000e+00 : f32
      %broadcast_in_dim3A_86 = vector.broadcast %broadcast_in_dim3A_85 : f32 to vector<16xf32>
      %swap3A_87 = arith.index_cast %scan3A_64 : i32 to index
      %swap3A_88 = arith.constant 48 : index
      %swap3A_89 = tpu.vector_load %arg13[%swap3A_87, %swap3A_88] {strides = array<i32>} : memref<128x80xf32, #tpu.memory_space<vmem>>, vector<1x16xf32>,
      %swap3A_90 = vector.shape_cast %swap3A_89 : vector<1x16xf32> to vector<16xf32>
      %swap3A_91 = vector.shape_cast %broadcast_in_dim3A_86 : vector<16xf32> to vector<1x16xf32>
      tpu.vector_store %arg13[%swap3A_87, %swap3A_88], %swap3A_91 {strides = array<i32>} : memref<128x80xf32, #tpu.memory_space<vmem>>, vector<1x16xf32>,
      %broadcast_in_dim3A_92 = arith.constant 0.000000e+00 : f32
      %broadcast_in_dim3A_93 = vector.broadcast %broadcast_in_dim3A_92 : f32 to vector<16xf32>
      %swap3A_94 = arith.index_cast %scan3A_64 : i32 to index
      %swap3A_95 = arith.constant 64 : index
      %swap3A_96 = tpu.vector_load %arg13[%swap3A_94, %swap3A_95] {strides = array<i32>} : memref<128x80xf32, #tpu.memory_space<vmem>>, vector<1x16xf32>,
      %swap3A_97 = vector.shape_cast %swap3A_96 : vector<1x16xf32> to vector<16xf32>
      %swap3A_98 = vector.shape_cast %broadcast_in_dim3A_93 : vector<16xf32> to vector<1x16xf32>
      tpu.vector_store %arg13[%swap3A_94, %swap3A_95], %swap3A_98 {strides = array<i32>} : memref<128x80xf32, #tpu.memory_space<vmem>>, vector<1x16xf32>,
      %scan3A_99 = arith.constant 0 : i32
      scf.yield %scan3A_99 : i32
    }
    %scan3A_5 = arith.constant 128 : i32
    %mul3A = arith.constant 624 : i32
    %mul3A_6 = arith.muli %arg1, %mul3A : i32
    %add3A = arith.constant 0 : i32
    %add3A_7 = arith.addi %mul3A_6, %add3A : i32
    "tpu.region"() ({
      %run_scoped3A = tpu.sem_alloc : memref<!tpu.dma_semaphore, #tpu.memory_space<semaphore_mem>>
      %dma_start3A_64 = arith.constant 0 : i32
      %dma_start3A_65 = tpu.memref_slice %arg15[%add3A_7, %dma_start3A_64] : memref<10240x80xf32, #tpu.memory_space<vmem_shared>> -> memref<128x80xf32, #tpu.memory_space<vmem_shared>>
      %dma_start3A_66 = arith.constant 0 : i32
      %dma_start3A_67 = tpu.memref_slice %arg15[%add3A_7, %dma_start3A_66] : memref<10240x80xf32, #tpu.memory_space<vmem_shared>> -> memref<128x80xf32, #tpu.memory_space<vmem_shared>>
      tpu.enqueue_dma source(%arg13 : memref<128x80xf32, #tpu.memory_space<vmem>>) target(%dma_start3A_67 : memref<128x80xf32, #tpu.memory_space<vmem_shared>>) target_semaphore(%run_scoped3A : memref<!tpu.dma_semaphore, #tpu.memory_space<semaphore_mem>>)
      %dma_wait3A_68 = arith.constant 0 : i32
      %dma_wait3A_69 = tpu.memref_slice %arg15[%add3A_7, %dma_wait3A_68] : memref<10240x80xf32, #tpu.memory_space<vmem_shared>> -> memref<128x80xf32, #tpu.memory_space<vmem_shared>>
      %dma_wait3A_70 = arith.constant 0 : i32
      %dma_wait3A_71 = tpu.memref_slice %arg15[%add3A_7, %dma_wait3A_70] : memref<10240x80xf32, #tpu.memory_space<vmem_shared>> -> memref<128x80xf32, #tpu.memory_space<vmem_shared>>
      tpu.wait_dma2 semaphore(%run_scoped3A : memref<!tpu.dma_semaphore, #tpu.memory_space<semaphore_mem>>) src(%arg13 : memref<128x80xf32, #tpu.memory_space<vmem>>) dst(%dma_wait3A_71 : memref<128x80xf32, #tpu.memory_space<vmem_shared>>)
      tpu.yield
    }) : () -> ()
    %add3A_8 = arith.constant 128 : i32
    %add3A_9 = arith.addi %mul3A_6, %add3A_8 : i32
    "tpu.region"() ({
      %run_scoped3A = tpu.sem_alloc : memref<!tpu.dma_semaphore, #tpu.memory_space<semaphore_mem>>
      %dma_start3A_64 = arith.constant 0 : i32
      %dma_start3A_65 = tpu.memref_slice %arg15[%add3A_9, %dma_start3A_64] : memref<10240x80xf32, #tpu.memory_space<vmem_shared>> -> memref<128x80xf32, #tpu.memory_space<vmem_shared>>
      %dma_start3A_66 = arith.constant 0 : i32
      %dma_start3A_67 = tpu.memref_slice %arg15[%add3A_9, %dma_start3A_66] : memref<10240x80xf32, #tpu.memory_space<vmem_shared>> -> memref<128x80xf32, #tpu.memory_space<vmem_shared>>
      tpu.enqueue_dma source(%arg13 : memref<128x80xf32, #tpu.memory_space<vmem>>) target(%dma_start3A_67 : memref<128x80xf32, #tpu.memory_space<vmem_shared>>) target_semaphore(%run_scoped3A : memref<!tpu.dma_semaphore, #tpu.memory_space<semaphore_mem>>)
      %dma_wait3A_68 = arith.constant 0 : i32
      %dma_wait3A_69 = tpu.memref_slice %arg15[%add3A_9, %dma_wait3A_68] : memref<10240x80xf32, #tpu.memory_space<vmem_shared>> -> memref<128x80xf32, #tpu.memory_space<vmem_shared>>
      %dma_wait3A_70 = arith.constant 0 : i32
      %dma_wait3A_71 = tpu.memref_slice %arg15[%add3A_9, %dma_wait3A_70] : memref<10240x80xf32, #tpu.memory_space<vmem_shared>> -> memref<128x80xf32, #tpu.memory_space<vmem_shared>>
      tpu.wait_dma2 semaphore(%run_scoped3A : memref<!tpu.dma_semaphore, #tpu.memory_space<semaphore_mem>>) src(%arg13 : memref<128x80xf32, #tpu.memory_space<vmem>>) dst(%dma_wait3A_71 : memref<128x80xf32, #tpu.memory_space<vmem_shared>>)
      tpu.yield
    }) : () -> ()
    %add3A_10 = arith.constant 256 : i32
    %add3A_11 = arith.addi %mul3A_6, %add3A_10 : i32
    "tpu.region"() ({
      %run_scoped3A = tpu.sem_alloc : memref<!tpu.dma_semaphore, #tpu.memory_space<semaphore_mem>>
      %dma_start3A_64 = arith.constant 0 : i32
      %dma_start3A_65 = tpu.memref_slice %arg15[%add3A_11, %dma_start3A_64] : memref<10240x80xf32, #tpu.memory_space<vmem_shared>> -> memref<128x80xf32, #tpu.memory_space<vmem_shared>>
      %dma_start3A_66 = arith.constant 0 : i32
      %dma_start3A_67 = tpu.memref_slice %arg15[%add3A_11, %dma_start3A_66] : memref<10240x80xf32, #tpu.memory_space<vmem_shared>> -> memref<128x80xf32, #tpu.memory_space<vmem_shared>>
      tpu.enqueue_dma source(%arg13 : memref<128x80xf32, #tpu.memory_space<vmem>>) target(%dma_start3A_67 : memref<128x80xf32, #tpu.memory_space<vmem_shared>>) target_semaphore(%run_scoped3A : memref<!tpu.dma_semaphore, #tpu.memory_space<semaphore_mem>>)
      %dma_wait3A_68 = arith.constant 0 : i32
      %dma_wait3A_69 = tpu.memref_slice %arg15[%add3A_11, %dma_wait3A_68] : memref<10240x80xf32, #tpu.memory_space<vmem_shared>> -> memref<128x80xf32, #tpu.memory_space<vmem_shared>>
      %dma_wait3A_70 = arith.constant 0 : i32
      %dma_wait3A_71 = tpu.memref_slice %arg15[%add3A_11, %dma_wait3A_70] : memref<10240x80xf32, #tpu.memory_space<vmem_shared>> -> memref<128x80xf32, #tpu.memory_space<vmem_shared>>
      tpu.wait_dma2 semaphore(%run_scoped3A : memref<!tpu.dma_semaphore, #tpu.memory_space<semaphore_mem>>) src(%arg13 : memref<128x80xf32, #tpu.memory_space<vmem>>) dst(%dma_wait3A_71 : memref<128x80xf32, #tpu.memory_space<vmem_shared>>)
      tpu.yield
    }) : () -> ()
    %add3A_12 = arith.constant 384 : i32
    %add3A_13 = arith.addi %mul3A_6, %add3A_12 : i32
    "tpu.region"() ({
      %run_scoped3A = tpu.sem_alloc : memref<!tpu.dma_semaphore, #tpu.memory_space<semaphore_mem>>
      %dma_start3A_64 = arith.constant 0 : i32
      %dma_start3A_65 = tpu.memref_slice %arg15[%add3A_13, %dma_start3A_64] : memref<10240x80xf32, #tpu.memory_space<vmem_shared>> -> memref<128x80xf32, #tpu.memory_space<vmem_shared>>
      %dma_start3A_66 = arith.constant 0 : i32
      %dma_start3A_67 = tpu.memref_slice %arg15[%add3A_13, %dma_start3A_66] : memref<10240x80xf32, #tpu.memory_space<vmem_shared>> -> memref<128x80xf32, #tpu.memory_space<vmem_shared>>
      tpu.enqueue_dma source(%arg13 : memref<128x80xf32, #tpu.memory_space<vmem>>) target(%dma_start3A_67 : memref<128x80xf32, #tpu.memory_space<vmem_shared>>) target_semaphore(%run_scoped3A : memref<!tpu.dma_semaphore, #tpu.memory_space<semaphore_mem>>)
      %dma_wait3A_68 = arith.constant 0 : i32
      %dma_wait3A_69 = tpu.memref_slice %arg15[%add3A_13, %dma_wait3A_68] : memref<10240x80xf32, #tpu.memory_space<vmem_shared>> -> memref<128x80xf32, #tpu.memory_space<vmem_shared>>
      %dma_wait3A_70 = arith.constant 0 : i32
      %dma_wait3A_71 = tpu.memref_slice %arg15[%add3A_13, %dma_wait3A_70] : memref<10240x80xf32, #tpu.memory_space<vmem_shared>> -> memref<128x80xf32, #tpu.memory_space<vmem_shared>>
      tpu.wait_dma2 semaphore(%run_scoped3A : memref<!tpu.dma_semaphore, #tpu.memory_space<semaphore_mem>>) src(%arg13 : memref<128x80xf32, #tpu.memory_space<vmem>>) dst(%dma_wait3A_71 : memref<128x80xf32, #tpu.memory_space<vmem_shared>>)
      tpu.yield
    }) : () -> ()
    %add3A_14 = arith.constant 512 : i32
    %add3A_15 = arith.addi %mul3A_6, %add3A_14 : i32
    "tpu.region"() ({
      %run_scoped3A = tpu.sem_alloc : memref<!tpu.dma_semaphore, #tpu.memory_space<semaphore_mem>>
      %dma_start3A_64 = arith.constant 0 : i32
      %dma_start3A_65 = arith.constant 0 : i32
      %dma_start3A_66 = tpu.memref_slice %arg13[%dma_start3A_64, %dma_start3A_65] : memref<128x80xf32, #tpu.memory_space<vmem>> -> memref<112x80xf32, #tpu.memory_space<vmem>>
      %dma_start3A_67 = arith.constant 0 : i32
      %dma_start3A_68 = tpu.memref_slice %arg15[%add3A_15, %dma_start3A_67] : memref<10240x80xf32, #tpu.memory_space<vmem_shared>> -> memref<112x80xf32, #tpu.memory_space<vmem_shared>>
      %dma_start3A_69 = arith.constant 0 : i32
      %dma_start3A_70 = tpu.memref_slice %arg15[%add3A_15, %dma_start3A_69] : memref<10240x80xf32, #tpu.memory_space<vmem_shared>> -> memref<112x80xf32, #tpu.memory_space<vmem_shared>>
      %dma_start3A_71 = arith.constant 0 : i32
      %dma_start3A_72 = arith.constant 0 : i32
      %dma_start3A_73 = tpu.memref_slice %arg13[%dma_start3A_71, %dma_start3A_72] : memref<128x80xf32, #tpu.memory_space<vmem>> -> memref<112x80xf32, #tpu.memory_space<vmem>>
      tpu.enqueue_dma source(%dma_start3A_73 : memref<112x80xf32, #tpu.memory_space<vmem>>) target(%dma_start3A_70 : memref<112x80xf32, #tpu.memory_space<vmem_shared>>) target_semaphore(%run_scoped3A : memref<!tpu.dma_semaphore, #tpu.memory_space<semaphore_mem>>)
      %dma_wait3A_74 = arith.constant 0 : i32
      %dma_wait3A_75 = arith.constant 0 : i32
      %dma_wait3A_76 = tpu.memref_slice %arg13[%dma_wait3A_74, %dma_wait3A_75] : memref<128x80xf32, #tpu.memory_space<vmem>> -> memref<112x80xf32, #tpu.memory_space<vmem>>
      %dma_wait3A_77 = arith.constant 0 : i32
      %dma_wait3A_78 = tpu.memref_slice %arg15[%add3A_15, %dma_wait3A_77] : memref<10240x80xf32, #tpu.memory_space<vmem_shared>> -> memref<112x80xf32, #tpu.memory_space<vmem_shared>>
      %dma_wait3A_79 = arith.constant 0 : i32
      %dma_wait3A_80 = tpu.memref_slice %arg15[%add3A_15, %dma_wait3A_79] : memref<10240x80xf32, #tpu.memory_space<vmem_shared>> -> memref<112x80xf32, #tpu.memory_space<vmem_shared>>
      %dma_wait3A_81 = arith.constant 0 : i32
      %dma_wait3A_82 = arith.constant 0 : i32
      %dma_wait3A_83 = tpu.memref_slice %arg13[%dma_wait3A_81, %dma_wait3A_82] : memref<128x80xf32, #tpu.memory_space<vmem>> -> memref<112x80xf32, #tpu.memory_space<vmem>>
      tpu.wait_dma2 semaphore(%run_scoped3A : memref<!tpu.dma_semaphore, #tpu.memory_space<semaphore_mem>>) src(%dma_wait3A_83 : memref<112x80xf32, #tpu.memory_space<vmem>>) dst(%dma_wait3A_80 : memref<112x80xf32, #tpu.memory_space<vmem_shared>>)
      tpu.yield
    }) : () -> ()
    %eq3A = arith.constant 15 : i32
    %eq3A_16 = arith.cmpi eq, %arg1, %eq3A : i32
    %convert_element_type3A = arith.extui %eq3A_16 : i1 to i32
    %cond3A = arith.constant 0 : i32
    %cond3A_17 = arith.cmpi ne, %convert_element_type3A, %cond3A : i32
    scf.if %cond3A_17 {
      %add3A_64 = arith.constant 624 : i32
      %add3A_65 = arith.addi %mul3A_6, %add3A_64 : i32
      "tpu.region"() ({
        %run_scoped3A = tpu.sem_alloc : memref<!tpu.dma_semaphore, #tpu.memory_space<semaphore_mem>>
        %dma_start3A_70 = arith.constant 0 : i32
        %dma_start3A_71 = tpu.memref_slice %arg15[%add3A_65, %dma_start3A_70] : memref<10240x80xf32, #tpu.memory_space<vmem_shared>> -> memref<128x80xf32, #tpu.memory_space<vmem_shared>>
        %dma_start3A_72 = arith.constant 0 : i32
        %dma_start3A_73 = tpu.memref_slice %arg15[%add3A_65, %dma_start3A_72] : memref<10240x80xf32, #tpu.memory_space<vmem_shared>> -> memref<128x80xf32, #tpu.memory_space<vmem_shared>>
        tpu.enqueue_dma source(%arg13 : memref<128x80xf32, #tpu.memory_space<vmem>>) target(%dma_start3A_73 : memref<128x80xf32, #tpu.memory_space<vmem_shared>>) target_semaphore(%run_scoped3A : memref<!tpu.dma_semaphore, #tpu.memory_space<semaphore_mem>>)
        %dma_wait3A_74 = arith.constant 0 : i32
        %dma_wait3A_75 = tpu.memref_slice %arg15[%add3A_65, %dma_wait3A_74] : memref<10240x80xf32, #tpu.memory_space<vmem_shared>> -> memref<128x80xf32, #tpu.memory_space<vmem_shared>>
        %dma_wait3A_76 = arith.constant 0 : i32
        %dma_wait3A_77 = tpu.memref_slice %arg15[%add3A_65, %dma_wait3A_76] : memref<10240x80xf32, #tpu.memory_space<vmem_shared>> -> memref<128x80xf32, #tpu.memory_space<vmem_shared>>
        tpu.wait_dma2 semaphore(%run_scoped3A : memref<!tpu.dma_semaphore, #tpu.memory_space<semaphore_mem>>) src(%arg13 : memref<128x80xf32, #tpu.memory_space<vmem>>) dst(%dma_wait3A_77 : memref<128x80xf32, #tpu.memory_space<vmem_shared>>)
        tpu.yield
      }) : () -> ()
      %add3A_66 = arith.constant 624 : i32
      %add3A_67 = arith.addi %mul3A_6, %add3A_66 : i32
      %add3A_68 = arith.constant 128 : i32
      %add3A_69 = arith.addi %add3A_67, %add3A_68 : i32
      "tpu.region"() ({
        %run_scoped3A = tpu.sem_alloc : memref<!tpu.dma_semaphore, #tpu.memory_space<semaphore_mem>>
        %dma_start3A_70 = arith.constant 0 : i32
        %dma_start3A_71 = tpu.memref_slice %arg15[%add3A_69, %dma_start3A_70] : memref<10240x80xf32, #tpu.memory_space<vmem_shared>> -> memref<128x80xf32, #tpu.memory_space<vmem_shared>>
        %dma_start3A_72 = arith.constant 0 : i32
        %dma_start3A_73 = tpu.memref_slice %arg15[%add3A_69, %dma_start3A_72] : memref<10240x80xf32, #tpu.memory_space<vmem_shared>> -> memref<128x80xf32, #tpu.memory_space<vmem_shared>>
        tpu.enqueue_dma source(%arg13 : memref<128x80xf32, #tpu.memory_space<vmem>>) target(%dma_start3A_73 : memref<128x80xf32, #tpu.memory_space<vmem_shared>>) target_semaphore(%run_scoped3A : memref<!tpu.dma_semaphore, #tpu.memory_space<semaphore_mem>>)
        %dma_wait3A_74 = arith.constant 0 : i32
        %dma_wait3A_75 = tpu.memref_slice %arg15[%add3A_69, %dma_wait3A_74] : memref<10240x80xf32, #tpu.memory_space<vmem_shared>> -> memref<128x80xf32, #tpu.memory_space<vmem_shared>>
        %dma_wait3A_76 = arith.constant 0 : i32
        %dma_wait3A_77 = tpu.memref_slice %arg15[%add3A_69, %dma_wait3A_76] : memref<10240x80xf32, #tpu.memory_space<vmem_shared>> -> memref<128x80xf32, #tpu.memory_space<vmem_shared>>
        tpu.wait_dma2 semaphore(%run_scoped3A : memref<!tpu.dma_semaphore, #tpu.memory_space<semaphore_mem>>) src(%arg13 : memref<128x80xf32, #tpu.memory_space<vmem>>) dst(%dma_wait3A_77 : memref<128x80xf32, #tpu.memory_space<vmem_shared>>)
        tpu.yield
      }) : () -> ()
    } else {
    }
    %barrier3A = arith.constant 0 : index
    tpu.barrier barrier_id(%barrier3A)
    %mul3A_18 = arith.constant 2 : i32
    %mul3A_19 = arith.muli %arg1, %mul3A_18 : i32
    %add3A_20 = arith.addi %mul3A_19, %arg0 : i32
    %mul3A_21 = arith.constant 80 : i32
    %mul3A_22 = arith.muli %add3A_20, %mul3A_21 : i32
    "tpu.region"() ({
      %run_scoped3A = tpu.sem_alloc : memref<!tpu.dma_semaphore, #tpu.memory_space<semaphore_mem>>
      %dma_start3A_64 = arith.constant 0 : i32
      %dma_start3A_65 = tpu.memref_slice %arg4[%mul3A_22, %dma_start3A_64] : memref<2560x128xi32, #tpu.memory_space<hbm>> -> memref<80x128xi32, #tpu.memory_space<hbm>>
      %dma_start3A_66 = arith.constant 0 : i32
      %dma_start3A_67 = tpu.memref_slice %arg4[%mul3A_22, %dma_start3A_66] : memref<2560x128xi32, #tpu.memory_space<hbm>> -> memref<80x128xi32, #tpu.memory_space<hbm>>
      tpu.enqueue_dma source(%dma_start3A_67 : memref<80x128xi32, #tpu.memory_space<hbm>>) target(%arg7 : memref<80x128xi32, #tpu.memory_space<vmem>>) target_semaphore(%run_scoped3A : memref<!tpu.dma_semaphore, #tpu.memory_space<semaphore_mem>>)
      %dma_wait3A_68 = arith.constant 0 : i32
      %dma_wait3A_69 = tpu.memref_slice %arg4[%mul3A_22, %dma_wait3A_68] : memref<2560x128xi32, #tpu.memory_space<hbm>> -> memref<80x128xi32, #tpu.memory_space<hbm>>
      %dma_wait3A_70 = arith.constant 0 : i32
      %dma_wait3A_71 = tpu.memref_slice %arg4[%mul3A_22, %dma_wait3A_70] : memref<2560x128xi32, #tpu.memory_space<hbm>> -> memref<80x128xi32, #tpu.memory_space<hbm>>
      tpu.wait_dma2 semaphore(%run_scoped3A : memref<!tpu.dma_semaphore, #tpu.memory_space<semaphore_mem>>) src(%dma_wait3A_71 : memref<80x128xi32, #tpu.memory_space<hbm>>) dst(%arg7 : memref<80x128xi32, #tpu.memory_space<vmem>>)
      tpu.yield
    }) : () -> ()
    "tpu.region"() ({
      %run_scoped3A = tpu.sem_alloc : memref<!tpu.dma_semaphore, #tpu.memory_space<semaphore_mem>>
      %dma_start3A_64 = arith.constant 0 : i32
      %dma_start3A_65 = tpu.memref_slice %arg5[%mul3A_22, %dma_start3A_64] : memref<2560x128xi32, #tpu.memory_space<hbm>> -> memref<80x128xi32, #tpu.memory_space<hbm>>
      %dma_start3A_66 = arith.constant 0 : i32
      %dma_start3A_67 = tpu.memref_slice %arg5[%mul3A_22, %dma_start3A_66] : memref<2560x128xi32, #tpu.memory_space<hbm>> -> memref<80x128xi32, #tpu.memory_space<hbm>>
      tpu.enqueue_dma source(%dma_start3A_67 : memref<80x128xi32, #tpu.memory_space<hbm>>) target(%arg8 : memref<80x128xi32, #tpu.memory_space<vmem>>) target_semaphore(%run_scoped3A : memref<!tpu.dma_semaphore, #tpu.memory_space<semaphore_mem>>)
      %dma_wait3A_68 = arith.constant 0 : i32
      %dma_wait3A_69 = tpu.memref_slice %arg5[%mul3A_22, %dma_wait3A_68] : memref<2560x128xi32, #tpu.memory_space<hbm>> -> memref<80x128xi32, #tpu.memory_space<hbm>>
      %dma_wait3A_70 = arith.constant 0 : i32
      %dma_wait3A_71 = tpu.memref_slice %arg5[%mul3A_22, %dma_wait3A_70] : memref<2560x128xi32, #tpu.memory_space<hbm>> -> memref<80x128xi32, #tpu.memory_space<hbm>>
      tpu.wait_dma2 semaphore(%run_scoped3A : memref<!tpu.dma_semaphore, #tpu.memory_space<semaphore_mem>>) src(%dma_wait3A_71 : memref<80x128xi32, #tpu.memory_space<hbm>>) dst(%arg8 : memref<80x128xi32, #tpu.memory_space<vmem>>)
      tpu.yield
    }) : () -> ()
    %dma_start3A = arith.constant 0 : i32
    %dma_start3A_23 = arith.constant 0 : i32
    %dma_start3A_24 = tpu.memref_slice %arg7[%dma_start3A, %dma_start3A_23] : memref<80x128xi32, #tpu.memory_space<vmem>> -> memref<1x128xi32, #tpu.memory_space<vmem>>
    %dma_start3A_25 = tpu.memref_squeeze %dma_start3A_24 : memref<1x128xi32, #tpu.memory_space<vmem>> -> memref<128xi32, #tpu.memory_space<vmem>>
    %dma_start3A_26 = arith.constant 0 : i32
    %dma_start3A_27 = arith.constant 0 : i32
    %dma_start3A_28 = tpu.memref_slice %arg2[%dma_start3A_26, %dma_start3A_27] : memref<10240x80xf32, #tpu.memory_space<hbm>> -> memref<10240x80xf32, #tpu.memory_space<hbm>>
    tpu.enqueue_indirect_dma source(%dma_start3A_28 : memref<10240x80xf32, #tpu.memory_space<hbm>>) target(%arg9 : memref<128x80xf32, #tpu.memory_space<vmem>>) offsets(%dma_start3A_25 : memref<128xi32, #tpu.memory_space<vmem>>) semaphore(%arg16 : memref<!tpu.dma_semaphore, #tpu.memory_space<semaphore_mem>>)
    %dma_start3A_29 = arith.constant 0 : i32
    %dma_start3A_30 = arith.constant 0 : i32
    %dma_start3A_31 = tpu.memref_slice %arg8[%dma_start3A_29, %dma_start3A_30] : memref<80x128xi32, #tpu.memory_space<vmem>> -> memref<1x128xi32, #tpu.memory_space<vmem>>
    %dma_start3A_32 = tpu.memref_squeeze %dma_start3A_31 : memref<1x128xi32, #tpu.memory_space<vmem>> -> memref<128xi32, #tpu.memory_space<vmem>>
    %dma_start3A_33 = arith.constant 0 : i32
    %dma_start3A_34 = arith.constant 0 : i32
    %dma_start3A_35 = tpu.memref_slice %arg3[%dma_start3A_33, %dma_start3A_34] : memref<10240x16xf32, #tpu.memory_space<hbm>> -> memref<10240x16xf32, #tpu.memory_space<hbm>>
    tpu.enqueue_indirect_dma source(%dma_start3A_35 : memref<10240x16xf32, #tpu.memory_space<hbm>>) target(%arg11 : memref<128x16xf32, #tpu.memory_space<vmem>>) offsets(%dma_start3A_32 : memref<128xi32, #tpu.memory_space<vmem>>) semaphore(%arg18 : memref<!tpu.dma_semaphore, #tpu.memory_space<semaphore_mem>>)
    %scan3A_36 = arith.constant 0 : i32
    %scan3A_37 = arith.constant 0 : i32
    %scan3A_38 = arith.constant 40 : i32
    %scan3A_39 = arith.addi %scan3A_37, %scan3A_38 : i32
    %scan3A_40 = arith.constant 1 : i32
    %scan3A_41 = scf.for %scan3A_64 = %scan3A_37 to %scan3A_39 step %scan3A_40 iter_args(%scan3A_65 = %scan3A_36) -> (i32)  : i32 {
      %mul3A_66 = arith.constant 2 : i32
      %mul3A_67 = arith.muli %scan3A_64, %mul3A_66 : i32
      %add3A_68 = arith.constant 0 : i32
      %add3A_69 = arith.addi %mul3A_67, %add3A_68 : i32
      %dma_wait3A_70 = arith.constant 0 : i32
      %dma_wait3A_71 = arith.constant 0 : i32
      %dma_wait3A_72 = tpu.memref_slice %arg7[%dma_wait3A_70, %dma_wait3A_71] : memref<80x128xi32, #tpu.memory_space<vmem>> -> memref<1x128xi32, #tpu.memory_space<vmem>>
      %dma_wait3A_73 = tpu.memref_squeeze %dma_wait3A_72 : memref<1x128xi32, #tpu.memory_space<vmem>> -> memref<128xi32, #tpu.memory_space<vmem>>
      %dma_wait3A_74 = arith.constant 0 : i32
      %dma_wait3A_75 = arith.constant 0 : i32
      %dma_wait3A_76 = tpu.memref_slice %arg2[%dma_wait3A_74, %dma_wait3A_75] : memref<10240x80xf32, #tpu.memory_space<hbm>> -> memref<10240x80xf32, #tpu.memory_space<hbm>>
      tpu.wait_indirect_dma semaphore(%arg16 : memref<!tpu.dma_semaphore, #tpu.memory_space<semaphore_mem>>) src(%dma_wait3A_76 : memref<10240x80xf32, #tpu.memory_space<hbm>>) dst(%arg9 : memref<128x80xf32, #tpu.memory_space<vmem>>)
      %dma_wait3A_77 = arith.constant 0 : i32
      %dma_wait3A_78 = arith.constant 0 : i32
      %dma_wait3A_79 = tpu.memref_slice %arg8[%dma_wait3A_77, %dma_wait3A_78] : memref<80x128xi32, #tpu.memory_space<vmem>> -> memref<1x128xi32, #tpu.memory_space<vmem>>
      %dma_wait3A_80 = tpu.memref_squeeze %dma_wait3A_79 : memref<1x128xi32, #tpu.memory_space<vmem>> -> memref<128xi32, #tpu.memory_space<vmem>>
      %dma_wait3A_81 = arith.constant 0 : i32
      %dma_wait3A_82 = arith.constant 0 : i32
      %dma_wait3A_83 = tpu.memref_slice %arg3[%dma_wait3A_81, %dma_wait3A_82] : memref<10240x16xf32, #tpu.memory_space<hbm>> -> memref<10240x16xf32, #tpu.memory_space<hbm>>
      tpu.wait_indirect_dma semaphore(%arg18 : memref<!tpu.dma_semaphore, #tpu.memory_space<semaphore_mem>>) src(%dma_wait3A_83 : memref<10240x16xf32, #tpu.memory_space<hbm>>) dst(%arg11 : memref<128x16xf32, #tpu.memory_space<vmem>>)
      %add3A_84 = arith.constant 1 : i32
      %add3A_85 = arith.addi %add3A_69, %add3A_84 : i32
      %lt3A = arith.constant 80 : i32
      %lt3A_86 = arith.cmpi slt, %add3A_85, %lt3A : i32
      %convert_element_type3A_87 = arith.extui %lt3A_86 : i1 to i32
      %cond3A_88 = arith.constant 0 : i32
      %cond3A_89 = arith.cmpi ne, %convert_element_type3A_87, %cond3A_88 : i32
      scf.if %cond3A_89 {
        %add3A_142 = arith.constant 1 : i32
        %add3A_143 = arith.addi %add3A_69, %add3A_142 : i32
        %dma_start3A_144 = arith.constant 0 : i32
        %dma_start3A_145 = tpu.memref_slice %arg7[%add3A_143, %dma_start3A_144] : memref<80x128xi32, #tpu.memory_space<vmem>> -> memref<1x128xi32, #tpu.memory_space<vmem>>
        %dma_start3A_146 = tpu.memref_squeeze %dma_start3A_145 : memref<1x128xi32, #tpu.memory_space<vmem>> -> memref<128xi32, #tpu.memory_space<vmem>>
        %dma_start3A_147 = arith.constant 0 : i32
        %dma_start3A_148 = arith.constant 0 : i32
        %dma_start3A_149 = tpu.memref_slice %arg2[%dma_start3A_147, %dma_start3A_148] : memref<10240x80xf32, #tpu.memory_space<hbm>> -> memref<10240x80xf32, #tpu.memory_space<hbm>>
        tpu.enqueue_indirect_dma source(%dma_start3A_149 : memref<10240x80xf32, #tpu.memory_space<hbm>>) target(%arg10 : memref<128x80xf32, #tpu.memory_space<vmem>>) offsets(%dma_start3A_146 : memref<128xi32, #tpu.memory_space<vmem>>) semaphore(%arg17 : memref<!tpu.dma_semaphore, #tpu.memory_space<semaphore_mem>>)
        %dma_start3A_150 = arith.constant 0 : i32
        %dma_start3A_151 = tpu.memref_slice %arg8[%add3A_143, %dma_start3A_150] : memref<80x128xi32, #tpu.memory_space<vmem>> -> memref<1x128xi32, #tpu.memory_space<vmem>>
        %dma_start3A_152 = tpu.memref_squeeze %dma_start3A_151 : memref<1x128xi32, #tpu.memory_space<vmem>> -> memref<128xi32, #tpu.memory_space<vmem>>
        %dma_start3A_153 = arith.constant 0 : i32
        %dma_start3A_154 = arith.constant 0 : i32
        %dma_start3A_155 = tpu.memref_slice %arg3[%dma_start3A_153, %dma_start3A_154] : memref<10240x16xf32, #tpu.memory_space<hbm>> -> memref<10240x16xf32, #tpu.memory_space<hbm>>
        tpu.enqueue_indirect_dma source(%dma_start3A_155 : memref<10240x16xf32, #tpu.memory_space<hbm>>) target(%arg12 : memref<128x16xf32, #tpu.memory_space<vmem>>) offsets(%dma_start3A_152 : memref<128xi32, #tpu.memory_space<vmem>>) semaphore(%arg19 : memref<!tpu.dma_semaphore, #tpu.memory_space<semaphore_mem>>)
      } else {
      }
      %ge3A = arith.constant 2 : i32
      %ge3A_90 = arith.cmpi sge, %add3A_69, %ge3A : i32
      %convert_element_type3A_91 = arith.extui %ge3A_90 : i1 to i32
      %cond3A_92 = arith.constant 0 : i32
      %cond3A_93 = arith.cmpi ne, %convert_element_type3A_91, %cond3A_92 : i32
      scf.if %cond3A_93 {
        %dma_wait3A_142 = arith.constant 0 : i32
        %dma_wait3A_143 = arith.constant 0 : i32
        %dma_wait3A_144 = tpu.memref_slice %arg8[%dma_wait3A_142, %dma_wait3A_143] : memref<80x128xi32, #tpu.memory_space<vmem>> -> memref<1x128xi32, #tpu.memory_space<vmem>>
        %dma_wait3A_145 = tpu.memref_squeeze %dma_wait3A_144 : memref<1x128xi32, #tpu.memory_space<vmem>> -> memref<128xi32, #tpu.memory_space<vmem>>
        %dma_wait3A_146 = arith.constant 0 : i32
        %dma_wait3A_147 = arith.constant 0 : i32
        %dma_wait3A_148 = tpu.memref_slice %arg15[%dma_wait3A_146, %dma_wait3A_147] : memref<10240x80xf32, #tpu.memory_space<vmem_shared>> -> memref<10240x80xf32, #tpu.memory_space<vmem_shared>>
        tpu.wait_indirect_dma semaphore(%arg20 : memref<!tpu.dma_semaphore, #tpu.memory_space<semaphore_mem>>) src(%arg13 : memref<128x80xf32, #tpu.memory_space<vmem>>) dst(%dma_wait3A_148 : memref<10240x80xf32, #tpu.memory_space<vmem_shared>>)
      } else {
      }
      %parallel_loop3A = arith.constant 0 : i32
      %parallel_loop3A_94 = arith.constant 128 : i32
      %parallel_loop3A_95 = arith.constant 1 : i32
      scf.for %parallel_loop3A_142 = %parallel_loop3A to %parallel_loop3A_94 step %parallel_loop3A_95  : i32 {
        %parallel_loop3A_143 = arith.index_cast %parallel_loop3A_142 : i32 to index
        %parallel_loop3A_144 = arith.constant 64 : index
        %parallel_loop3A_145 = tpu.vector_load %arg9[%parallel_loop3A_143, %parallel_loop3A_144] {strides = array<i32>} : memref<128x80xf32, #tpu.memory_space<vmem>>, vector<1x16xf32>,
        %parallel_loop3A_146 = vector.shape_cast %parallel_loop3A_145 : vector<1x16xf32> to vector<16xf32>
        %parallel_loop3A_147 = arith.index_cast %parallel_loop3A_142 : i32 to index
        %parallel_loop3A_148 = arith.constant 0 : index
        %parallel_loop3A_149 = tpu.vector_load %arg11[%parallel_loop3A_147, %parallel_loop3A_148] {strides = array<i32>} : memref<128x16xf32, #tpu.memory_space<vmem>>, vector<1x16xf32>,
        %parallel_loop3A_150 = vector.shape_cast %parallel_loop3A_149 : vector<1x16xf32> to vector<16xf32>
        %parallel_loop3A_151 = arith.addf %parallel_loop3A_146, %parallel_loop3A_150 : vector<16xf32>
        %parallel_loop3A_152 = arith.constant 2.000000e-01 : f32
        %parallel_loop3A_153 = vector.broadcast %parallel_loop3A_152 : f32 to vector<16xf32>
        %parallel_loop3A_154 = arith.mulf %parallel_loop3A_153, %parallel_loop3A_151 : vector<16xf32>
        %parallel_loop3A_155 = arith.maximumf %parallel_loop3A_151, %parallel_loop3A_154 : vector<16xf32>
        %parallel_loop3A_156 = math.exp %parallel_loop3A_155 : vector<16xf32>
        %parallel_loop3A_157 = arith.index_cast %parallel_loop3A_142 : i32 to index
        %parallel_loop3A_158 = arith.constant 64 : index
        %parallel_loop3A_159 = tpu.vector_load %arg13[%parallel_loop3A_157, %parallel_loop3A_158] {strides = array<i32>} : memref<128x80xf32, #tpu.memory_space<vmem>>, vector<1x16xf32>,
        %parallel_loop3A_160 = vector.shape_cast %parallel_loop3A_159 : vector<1x16xf32> to vector<16xf32>
        %parallel_loop3A_161 = vector.shape_cast %parallel_loop3A_156 : vector<16xf32> to vector<1x16xf32>
        tpu.vector_store %arg13[%parallel_loop3A_157, %parallel_loop3A_158], %parallel_loop3A_161 {strides = array<i32>} : memref<128x80xf32, #tpu.memory_space<vmem>>, vector<1x16xf32>,
        %parallel_loop3A_162 = tpu.iota {dimensions = array<i32: 0>} : vector<16xi32>
        %parallel_loop3A_163 = arith.constant 3 : i32
        %parallel_loop3A_164 = vector.broadcast %parallel_loop3A_163 : i32 to vector<16xi32>
        %parallel_loop3A_165 = arith.shrsi %parallel_loop3A_162, %parallel_loop3A_164 : vector<16xi32>
        %parallel_loop3A_166 = arith.constant 0 : i32
        %parallel_loop3A_167 = vector.broadcast %parallel_loop3A_166 : i32 to vector<16xi32>
        %parallel_loop3A_168 = arith.addi %parallel_loop3A_165, %parallel_loop3A_167 : vector<16xi32>
        %parallel_loop3A_169 = vector.shape_cast %parallel_loop3A_168 : vector<16xi32> to vector<16x1xi32>
        %parallel_loop3A_170 = vector.shape_cast %parallel_loop3A_169 : vector<16x1xi32> to vector<16xi32>
        %parallel_loop3A_171 = tpu.dynamic_gather %parallel_loop3A_156[%parallel_loop3A_170] in [0] : vector<16xf32>, vector<16xi32> -> vector<16xf32>
        %parallel_loop3A_172 = arith.index_cast %parallel_loop3A_142 : i32 to index
        %parallel_loop3A_173 = arith.constant 0 : index
        %parallel_loop3A_174 = tpu.vector_load %arg9[%parallel_loop3A_172, %parallel_loop3A_173] {strides = array<i32>} : memref<128x80xf32, #tpu.memory_space<vmem>>, vector<1x16xf32>,
        %parallel_loop3A_175 = vector.shape_cast %parallel_loop3A_174 : vector<1x16xf32> to vector<16xf32>
        %parallel_loop3A_176 = arith.mulf %parallel_loop3A_175, %parallel_loop3A_171 : vector<16xf32>
        %parallel_loop3A_177 = arith.index_cast %parallel_loop3A_142 : i32 to index
        %parallel_loop3A_178 = arith.constant 0 : index
        %parallel_loop3A_179 = tpu.vector_load %arg13[%parallel_loop3A_177, %parallel_loop3A_178] {strides = array<i32>} : memref<128x80xf32, #tpu.memory_space<vmem>>, vector<1x16xf32>,
        %parallel_loop3A_180 = vector.shape_cast %parallel_loop3A_179 : vector<1x16xf32> to vector<16xf32>
        %parallel_loop3A_181 = vector.shape_cast %parallel_loop3A_176 : vector<16xf32> to vector<1x16xf32>
        tpu.vector_store %arg13[%parallel_loop3A_177, %parallel_loop3A_178], %parallel_loop3A_181 {strides = array<i32>} : memref<128x80xf32, #tpu.memory_space<vmem>>, vector<1x16xf32>,
        %parallel_loop3A_182 = tpu.iota {dimensions = array<i32: 0>} : vector<16xi32>
        %parallel_loop3A_183 = arith.constant 3 : i32
        %parallel_loop3A_184 = vector.broadcast %parallel_loop3A_183 : i32 to vector<16xi32>
        %parallel_loop3A_185 = arith.shrsi %parallel_loop3A_182, %parallel_loop3A_184 : vector<16xi32>
        %parallel_loop3A_186 = arith.constant 2 : i32
        %parallel_loop3A_187 = vector.broadcast %parallel_loop3A_186 : i32 to vector<16xi32>
        %parallel_loop3A_188 = arith.addi %parallel_loop3A_185, %parallel_loop3A_187 : vector<16xi32>
        %parallel_loop3A_189 = vector.shape_cast %parallel_loop3A_188 : vector<16xi32> to vector<16x1xi32>
        %parallel_loop3A_190 = vector.shape_cast %parallel_loop3A_189 : vector<16x1xi32> to vector<16xi32>
        %parallel_loop3A_191 = tpu.dynamic_gather %parallel_loop3A_156[%parallel_loop3A_190] in [0] : vector<16xf32>, vector<16xi32> -> vector<16xf32>
        %parallel_loop3A_192 = arith.index_cast %parallel_loop3A_142 : i32 to index
        %parallel_loop3A_193 = arith.constant 16 : index
        %parallel_loop3A_194 = tpu.vector_load %arg9[%parallel_loop3A_192, %parallel_loop3A_193] {strides = array<i32>} : memref<128x80xf32, #tpu.memory_space<vmem>>, vector<1x16xf32>,
        %parallel_loop3A_195 = vector.shape_cast %parallel_loop3A_194 : vector<1x16xf32> to vector<16xf32>
        %parallel_loop3A_196 = arith.mulf %parallel_loop3A_195, %parallel_loop3A_191 : vector<16xf32>
        %parallel_loop3A_197 = arith.index_cast %parallel_loop3A_142 : i32 to index
        %parallel_loop3A_198 = arith.constant 16 : index
        %parallel_loop3A_199 = tpu.vector_load %arg13[%parallel_loop3A_197, %parallel_loop3A_198] {strides = array<i32>} : memref<128x80xf32, #tpu.memory_space<vmem>>, vector<1x16xf32>,
        %parallel_loop3A_200 = vector.shape_cast %parallel_loop3A_199 : vector<1x16xf32> to vector<16xf32>
        %parallel_loop3A_201 = vector.shape_cast %parallel_loop3A_196 : vector<16xf32> to vector<1x16xf32>
        tpu.vector_store %arg13[%parallel_loop3A_197, %parallel_loop3A_198], %parallel_loop3A_201 {strides = array<i32>} : memref<128x80xf32, #tpu.memory_space<vmem>>, vector<1x16xf32>,
        %parallel_loop3A_202 = tpu.iota {dimensions = array<i32: 0>} : vector<16xi32>
        %parallel_loop3A_203 = arith.constant 3 : i32
        %parallel_loop3A_204 = vector.broadcast %parallel_loop3A_203 : i32 to vector<16xi32>
        %parallel_loop3A_205 = arith.shrsi %parallel_loop3A_202, %parallel_loop3A_204 : vector<16xi32>
        %parallel_loop3A_206 = arith.constant 4 : i32
        %parallel_loop3A_207 = vector.broadcast %parallel_loop3A_206 : i32 to vector<16xi32>
        %parallel_loop3A_208 = arith.addi %parallel_loop3A_205, %parallel_loop3A_207 : vector<16xi32>
        %parallel_loop3A_209 = vector.shape_cast %parallel_loop3A_208 : vector<16xi32> to vector<16x1xi32>
        %parallel_loop3A_210 = vector.shape_cast %parallel_loop3A_209 : vector<16x1xi32> to vector<16xi32>
        %parallel_loop3A_211 = tpu.dynamic_gather %parallel_loop3A_156[%parallel_loop3A_210] in [0] : vector<16xf32>, vector<16xi32> -> vector<16xf32>
        %parallel_loop3A_212 = arith.index_cast %parallel_loop3A_142 : i32 to index
        %parallel_loop3A_213 = arith.constant 32 : index
        %parallel_loop3A_214 = tpu.vector_load %arg9[%parallel_loop3A_212, %parallel_loop3A_213] {strides = array<i32>} : memref<128x80xf32, #tpu.memory_space<vmem>>, vector<1x16xf32>,
        %parallel_loop3A_215 = vector.shape_cast %parallel_loop3A_214 : vector<1x16xf32> to vector<16xf32>
        %parallel_loop3A_216 = arith.mulf %parallel_loop3A_215, %parallel_loop3A_211 : vector<16xf32>
        %parallel_loop3A_217 = arith.index_cast %parallel_loop3A_142 : i32 to index
        %parallel_loop3A_218 = arith.constant 32 : index
        %parallel_loop3A_219 = tpu.vector_load %arg13[%parallel_loop3A_217, %parallel_loop3A_218] {strides = array<i32>} : memref<128x80xf32, #tpu.memory_space<vmem>>, vector<1x16xf32>,
        %parallel_loop3A_220 = vector.shape_cast %parallel_loop3A_219 : vector<1x16xf32> to vector<16xf32>
        %parallel_loop3A_221 = vector.shape_cast %parallel_loop3A_216 : vector<16xf32> to vector<1x16xf32>
        tpu.vector_store %arg13[%parallel_loop3A_217, %parallel_loop3A_218], %parallel_loop3A_221 {strides = array<i32>} : memref<128x80xf32, #tpu.memory_space<vmem>>, vector<1x16xf32>,
        %parallel_loop3A_222 = tpu.iota {dimensions = array<i32: 0>} : vector<16xi32>
        %parallel_loop3A_223 = arith.constant 3 : i32
        %parallel_loop3A_224 = vector.broadcast %parallel_loop3A_223 : i32 to vector<16xi32>
        %parallel_loop3A_225 = arith.shrsi %parallel_loop3A_222, %parallel_loop3A_224 : vector<16xi32>
        %parallel_loop3A_226 = arith.constant 6 : i32
        %parallel_loop3A_227 = vector.broadcast %parallel_loop3A_226 : i32 to vector<16xi32>
        %parallel_loop3A_228 = arith.addi %parallel_loop3A_225, %parallel_loop3A_227 : vector<16xi32>
        %parallel_loop3A_229 = vector.shape_cast %parallel_loop3A_228 : vector<16xi32> to vector<16x1xi32>
        %parallel_loop3A_230 = vector.shape_cast %parallel_loop3A_229 : vector<16x1xi32> to vector<16xi32>
        %parallel_loop3A_231 = tpu.dynamic_gather %parallel_loop3A_156[%parallel_loop3A_230] in [0] : vector<16xf32>, vector<16xi32> -> vector<16xf32>
        %parallel_loop3A_232 = arith.index_cast %parallel_loop3A_142 : i32 to index
        %parallel_loop3A_233 = arith.constant 48 : index
        %parallel_loop3A_234 = tpu.vector_load %arg9[%parallel_loop3A_232, %parallel_loop3A_233] {strides = array<i32>} : memref<128x80xf32, #tpu.memory_space<vmem>>, vector<1x16xf32>,
        %parallel_loop3A_235 = vector.shape_cast %parallel_loop3A_234 : vector<1x16xf32> to vector<16xf32>
        %parallel_loop3A_236 = arith.mulf %parallel_loop3A_235, %parallel_loop3A_231 : vector<16xf32>
        %parallel_loop3A_237 = arith.index_cast %parallel_loop3A_142 : i32 to index
        %parallel_loop3A_238 = arith.constant 48 : index
        %parallel_loop3A_239 = tpu.vector_load %arg13[%parallel_loop3A_237, %parallel_loop3A_238] {strides = array<i32>} : memref<128x80xf32, #tpu.memory_space<vmem>>, vector<1x16xf32>,
        %parallel_loop3A_240 = vector.shape_cast %parallel_loop3A_239 : vector<1x16xf32> to vector<16xf32>
        %parallel_loop3A_241 = vector.shape_cast %parallel_loop3A_236 : vector<16xf32> to vector<1x16xf32>
        tpu.vector_store %arg13[%parallel_loop3A_237, %parallel_loop3A_238], %parallel_loop3A_241 {strides = array<i32>} : memref<128x80xf32, #tpu.memory_space<vmem>>, vector<1x16xf32>,
      } {sc.loop_unroll_factor = 4 : i64, sc.parallel_access}
      %dma_start3A_96 = arith.constant 0 : i32
      %dma_start3A_97 = tpu.memref_slice %arg8[%add3A_69, %dma_start3A_96] : memref<80x128xi32, #tpu.memory_space<vmem>> -> memref<1x128xi32, #tpu.memory_space<vmem>>
      %dma_start3A_98 = tpu.memref_squeeze %dma_start3A_97 : memref<1x128xi32, #tpu.memory_space<vmem>> -> memref<128xi32, #tpu.memory_space<vmem>>
      %dma_start3A_99 = arith.constant 0 : i32
      %dma_start3A_100 = arith.constant 0 : i32
      %dma_start3A_101 = tpu.memref_slice %arg15[%dma_start3A_99, %dma_start3A_100] : memref<10240x80xf32, #tpu.memory_space<vmem_shared>> -> memref<10240x80xf32, #tpu.memory_space<vmem_shared>>
      tpu.enqueue_indirect_dma source(%arg13 : memref<128x80xf32, #tpu.memory_space<vmem>>) target(%dma_start3A_101 : memref<10240x80xf32, #tpu.memory_space<vmem_shared>>) offsets(%dma_start3A_98 : memref<128xi32, #tpu.memory_space<vmem>>) semaphore(%arg20 : memref<!tpu.dma_semaphore, #tpu.memory_space<semaphore_mem>>) {add = true}
      %mul3A_102 = arith.constant 2 : i32
      %mul3A_103 = arith.muli %scan3A_64, %mul3A_102 : i32
      %add3A_104 = arith.constant 1 : i32
      %add3A_105 = arith.addi %mul3A_103, %add3A_104 : i32
      %dma_wait3A_106 = arith.constant 0 : i32
      %dma_wait3A_107 = arith.constant 0 : i32
      %dma_wait3A_108 = tpu.memref_slice %arg7[%dma_wait3A_106, %dma_wait3A_107] : memref<80x128xi32, #tpu.memory_space<vmem>> -> memref<1x128xi32, #tpu.memory_space<vmem>>
      %dma_wait3A_109 = tpu.memref_squeeze %dma_wait3A_108 : memref<1x128xi32, #tpu.memory_space<vmem>> -> memref<128xi32, #tpu.memory_space<vmem>>
      %dma_wait3A_110 = arith.constant 0 : i32
      %dma_wait3A_111 = arith.constant 0 : i32
      %dma_wait3A_112 = tpu.memref_slice %arg2[%dma_wait3A_110, %dma_wait3A_111] : memref<10240x80xf32, #tpu.memory_space<hbm>> -> memref<10240x80xf32, #tpu.memory_space<hbm>>
      tpu.wait_indirect_dma semaphore(%arg17 : memref<!tpu.dma_semaphore, #tpu.memory_space<semaphore_mem>>) src(%dma_wait3A_112 : memref<10240x80xf32, #tpu.memory_space<hbm>>) dst(%arg10 : memref<128x80xf32, #tpu.memory_space<vmem>>)
      %dma_wait3A_113 = arith.constant 0 : i32
      %dma_wait3A_114 = arith.constant 0 : i32
      %dma_wait3A_115 = tpu.memref_slice %arg8[%dma_wait3A_113, %dma_wait3A_114] : memref<80x128xi32, #tpu.memory_space<vmem>> -> memref<1x128xi32, #tpu.memory_space<vmem>>
      %dma_wait3A_116 = tpu.memref_squeeze %dma_wait3A_115 : memref<1x128xi32, #tpu.memory_space<vmem>> -> memref<128xi32, #tpu.memory_space<vmem>>
      %dma_wait3A_117 = arith.constant 0 : i32
      %dma_wait3A_118 = arith.constant 0 : i32
      %dma_wait3A_119 = tpu.memref_slice %arg3[%dma_wait3A_117, %dma_wait3A_118] : memref<10240x16xf32, #tpu.memory_space<hbm>> -> memref<10240x16xf32, #tpu.memory_space<hbm>>
      tpu.wait_indirect_dma semaphore(%arg19 : memref<!tpu.dma_semaphore, #tpu.memory_space<semaphore_mem>>) src(%dma_wait3A_119 : memref<10240x16xf32, #tpu.memory_space<hbm>>) dst(%arg12 : memref<128x16xf32, #tpu.memory_space<vmem>>)
      %add3A_120 = arith.constant 1 : i32
      %add3A_121 = arith.addi %add3A_105, %add3A_120 : i32
      %lt3A_122 = arith.constant 80 : i32
      %lt3A_123 = arith.cmpi slt, %add3A_121, %lt3A_122 : i32
      %convert_element_type3A_124 = arith.extui %lt3A_123 : i1 to i32
      %cond3A_125 = arith.constant 0 : i32
      %cond3A_126 = arith.cmpi ne, %convert_element_type3A_124, %cond3A_125 : i32
      scf.if %cond3A_126 {
        %add3A_142 = arith.constant 1 : i32
        %add3A_143 = arith.addi %add3A_105, %add3A_142 : i32
        %dma_start3A_144 = arith.constant 0 : i32
        %dma_start3A_145 = tpu.memref_slice %arg7[%add3A_143, %dma_start3A_144] : memref<80x128xi32, #tpu.memory_space<vmem>> -> memref<1x128xi32, #tpu.memory_space<vmem>>
        %dma_start3A_146 = tpu.memref_squeeze %dma_start3A_145 : memref<1x128xi32, #tpu.memory_space<vmem>> -> memref<128xi32, #tpu.memory_space<vmem>>
        %dma_start3A_147 = arith.constant 0 : i32
        %dma_start3A_148 = arith.constant 0 : i32
        %dma_start3A_149 = tpu.memref_slice %arg2[%dma_start3A_147, %dma_start3A_148] : memref<10240x80xf32, #tpu.memory_space<hbm>> -> memref<10240x80xf32, #tpu.memory_space<hbm>>
        tpu.enqueue_indirect_dma source(%dma_start3A_149 : memref<10240x80xf32, #tpu.memory_space<hbm>>) target(%arg9 : memref<128x80xf32, #tpu.memory_space<vmem>>) offsets(%dma_start3A_146 : memref<128xi32, #tpu.memory_space<vmem>>) semaphore(%arg16 : memref<!tpu.dma_semaphore, #tpu.memory_space<semaphore_mem>>)
        %dma_start3A_150 = arith.constant 0 : i32
        %dma_start3A_151 = tpu.memref_slice %arg8[%add3A_143, %dma_start3A_150] : memref<80x128xi32, #tpu.memory_space<vmem>> -> memref<1x128xi32, #tpu.memory_space<vmem>>
        %dma_start3A_152 = tpu.memref_squeeze %dma_start3A_151 : memref<1x128xi32, #tpu.memory_space<vmem>> -> memref<128xi32, #tpu.memory_space<vmem>>
        %dma_start3A_153 = arith.constant 0 : i32
        %dma_start3A_154 = arith.constant 0 : i32
        %dma_start3A_155 = tpu.memref_slice %arg3[%dma_start3A_153, %dma_start3A_154] : memref<10240x16xf32, #tpu.memory_space<hbm>> -> memref<10240x16xf32, #tpu.memory_space<hbm>>
        tpu.enqueue_indirect_dma source(%dma_start3A_155 : memref<10240x16xf32, #tpu.memory_space<hbm>>) target(%arg11 : memref<128x16xf32, #tpu.memory_space<vmem>>) offsets(%dma_start3A_152 : memref<128xi32, #tpu.memory_space<vmem>>) semaphore(%arg18 : memref<!tpu.dma_semaphore, #tpu.memory_space<semaphore_mem>>)
      } else {
      }
      %ge3A_127 = arith.constant 2 : i32
      %ge3A_128 = arith.cmpi sge, %add3A_105, %ge3A_127 : i32
      %convert_element_type3A_129 = arith.extui %ge3A_128 : i1 to i32
      %cond3A_130 = arith.constant 0 : i32
      %cond3A_131 = arith.cmpi ne, %convert_element_type3A_129, %cond3A_130 : i32
      scf.if %cond3A_131 {
        %dma_wait3A_142 = arith.constant 0 : i32
        %dma_wait3A_143 = arith.constant 0 : i32
        %dma_wait3A_144 = tpu.memref_slice %arg8[%dma_wait3A_142, %dma_wait3A_143] : memref<80x128xi32, #tpu.memory_space<vmem>> -> memref<1x128xi32, #tpu.memory_space<vmem>>
        %dma_wait3A_145 = tpu.memref_squeeze %dma_wait3A_144 : memref<1x128xi32, #tpu.memory_space<vmem>> -> memref<128xi32, #tpu.memory_space<vmem>>
        %dma_wait3A_146 = arith.constant 0 : i32
        %dma_wait3A_147 = arith.constant 0 : i32
        %dma_wait3A_148 = tpu.memref_slice %arg15[%dma_wait3A_146, %dma_wait3A_147] : memref<10240x80xf32, #tpu.memory_space<vmem_shared>> -> memref<10240x80xf32, #tpu.memory_space<vmem_shared>>
        tpu.wait_indirect_dma semaphore(%arg21 : memref<!tpu.dma_semaphore, #tpu.memory_space<semaphore_mem>>) src(%arg14 : memref<128x80xf32, #tpu.memory_space<vmem>>) dst(%dma_wait3A_148 : memref<10240x80xf32, #tpu.memory_space<vmem_shared>>)
      } else {
      }
      %parallel_loop3A_132 = arith.constant 0 : i32
      %parallel_loop3A_133 = arith.constant 128 : i32
      %parallel_loop3A_134 = arith.constant 1 : i32
      scf.for %parallel_loop3A_142 = %parallel_loop3A_132 to %parallel_loop3A_133 step %parallel_loop3A_134  : i32 {
        %parallel_loop3A_143 = arith.index_cast %parallel_loop3A_142 : i32 to index
        %parallel_loop3A_144 = arith.constant 64 : index
        %parallel_loop3A_145 = tpu.vector_load %arg10[%parallel_loop3A_143, %parallel_loop3A_144] {strides = array<i32>} : memref<128x80xf32, #tpu.memory_space<vmem>>, vector<1x16xf32>,
        %parallel_loop3A_146 = vector.shape_cast %parallel_loop3A_145 : vector<1x16xf32> to vector<16xf32>
        %parallel_loop3A_147 = arith.index_cast %parallel_loop3A_142 : i32 to index
        %parallel_loop3A_148 = arith.constant 0 : index
        %parallel_loop3A_149 = tpu.vector_load %arg12[%parallel_loop3A_147, %parallel_loop3A_148] {strides = array<i32>} : memref<128x16xf32, #tpu.memory_space<vmem>>, vector<1x16xf32>,
        %parallel_loop3A_150 = vector.shape_cast %parallel_loop3A_149 : vector<1x16xf32> to vector<16xf32>
        %parallel_loop3A_151 = arith.addf %parallel_loop3A_146, %parallel_loop3A_150 : vector<16xf32>
        %parallel_loop3A_152 = arith.constant 2.000000e-01 : f32
        %parallel_loop3A_153 = vector.broadcast %parallel_loop3A_152 : f32 to vector<16xf32>
        %parallel_loop3A_154 = arith.mulf %parallel_loop3A_153, %parallel_loop3A_151 : vector<16xf32>
        %parallel_loop3A_155 = arith.maximumf %parallel_loop3A_151, %parallel_loop3A_154 : vector<16xf32>
        %parallel_loop3A_156 = math.exp %parallel_loop3A_155 : vector<16xf32>
        %parallel_loop3A_157 = arith.index_cast %parallel_loop3A_142 : i32 to index
        %parallel_loop3A_158 = arith.constant 64 : index
        %parallel_loop3A_159 = tpu.vector_load %arg14[%parallel_loop3A_157, %parallel_loop3A_158] {strides = array<i32>} : memref<128x80xf32, #tpu.memory_space<vmem>>, vector<1x16xf32>,
        %parallel_loop3A_160 = vector.shape_cast %parallel_loop3A_159 : vector<1x16xf32> to vector<16xf32>
        %parallel_loop3A_161 = vector.shape_cast %parallel_loop3A_156 : vector<16xf32> to vector<1x16xf32>
        tpu.vector_store %arg14[%parallel_loop3A_157, %parallel_loop3A_158], %parallel_loop3A_161 {strides = array<i32>} : memref<128x80xf32, #tpu.memory_space<vmem>>, vector<1x16xf32>,
        %parallel_loop3A_162 = tpu.iota {dimensions = array<i32: 0>} : vector<16xi32>
        %parallel_loop3A_163 = arith.constant 3 : i32
        %parallel_loop3A_164 = vector.broadcast %parallel_loop3A_163 : i32 to vector<16xi32>
        %parallel_loop3A_165 = arith.shrsi %parallel_loop3A_162, %parallel_loop3A_164 : vector<16xi32>
        %parallel_loop3A_166 = arith.constant 0 : i32
        %parallel_loop3A_167 = vector.broadcast %parallel_loop3A_166 : i32 to vector<16xi32>
        %parallel_loop3A_168 = arith.addi %parallel_loop3A_165, %parallel_loop3A_167 : vector<16xi32>
        %parallel_loop3A_169 = vector.shape_cast %parallel_loop3A_168 : vector<16xi32> to vector<16x1xi32>
        %parallel_loop3A_170 = vector.shape_cast %parallel_loop3A_169 : vector<16x1xi32> to vector<16xi32>
        %parallel_loop3A_171 = tpu.dynamic_gather %parallel_loop3A_156[%parallel_loop3A_170] in [0] : vector<16xf32>, vector<16xi32> -> vector<16xf32>
        %parallel_loop3A_172 = arith.index_cast %parallel_loop3A_142 : i32 to index
        %parallel_loop3A_173 = arith.constant 0 : index
        %parallel_loop3A_174 = tpu.vector_load %arg10[%parallel_loop3A_172, %parallel_loop3A_173] {strides = array<i32>} : memref<128x80xf32, #tpu.memory_space<vmem>>, vector<1x16xf32>,
        %parallel_loop3A_175 = vector.shape_cast %parallel_loop3A_174 : vector<1x16xf32> to vector<16xf32>
        %parallel_loop3A_176 = arith.mulf %parallel_loop3A_175, %parallel_loop3A_171 : vector<16xf32>
        %parallel_loop3A_177 = arith.index_cast %parallel_loop3A_142 : i32 to index
        %parallel_loop3A_178 = arith.constant 0 : index
        %parallel_loop3A_179 = tpu.vector_load %arg14[%parallel_loop3A_177, %parallel_loop3A_178] {strides = array<i32>} : memref<128x80xf32, #tpu.memory_space<vmem>>, vector<1x16xf32>,
        %parallel_loop3A_180 = vector.shape_cast %parallel_loop3A_179 : vector<1x16xf32> to vector<16xf32>
        %parallel_loop3A_181 = vector.shape_cast %parallel_loop3A_176 : vector<16xf32> to vector<1x16xf32>
        tpu.vector_store %arg14[%parallel_loop3A_177, %parallel_loop3A_178], %parallel_loop3A_181 {strides = array<i32>} : memref<128x80xf32, #tpu.memory_space<vmem>>, vector<1x16xf32>,
        %parallel_loop3A_182 = tpu.iota {dimensions = array<i32: 0>} : vector<16xi32>
        %parallel_loop3A_183 = arith.constant 3 : i32
        %parallel_loop3A_184 = vector.broadcast %parallel_loop3A_183 : i32 to vector<16xi32>
        %parallel_loop3A_185 = arith.shrsi %parallel_loop3A_182, %parallel_loop3A_184 : vector<16xi32>
        %parallel_loop3A_186 = arith.constant 2 : i32
        %parallel_loop3A_187 = vector.broadcast %parallel_loop3A_186 : i32 to vector<16xi32>
        %parallel_loop3A_188 = arith.addi %parallel_loop3A_185, %parallel_loop3A_187 : vector<16xi32>
        %parallel_loop3A_189 = vector.shape_cast %parallel_loop3A_188 : vector<16xi32> to vector<16x1xi32>
        %parallel_loop3A_190 = vector.shape_cast %parallel_loop3A_189 : vector<16x1xi32> to vector<16xi32>
        %parallel_loop3A_191 = tpu.dynamic_gather %parallel_loop3A_156[%parallel_loop3A_190] in [0] : vector<16xf32>, vector<16xi32> -> vector<16xf32>
        %parallel_loop3A_192 = arith.index_cast %parallel_loop3A_142 : i32 to index
        %parallel_loop3A_193 = arith.constant 16 : index
        %parallel_loop3A_194 = tpu.vector_load %arg10[%parallel_loop3A_192, %parallel_loop3A_193] {strides = array<i32>} : memref<128x80xf32, #tpu.memory_space<vmem>>, vector<1x16xf32>,
        %parallel_loop3A_195 = vector.shape_cast %parallel_loop3A_194 : vector<1x16xf32> to vector<16xf32>
        %parallel_loop3A_196 = arith.mulf %parallel_loop3A_195, %parallel_loop3A_191 : vector<16xf32>
        %parallel_loop3A_197 = arith.index_cast %parallel_loop3A_142 : i32 to index
        %parallel_loop3A_198 = arith.constant 16 : index
        %parallel_loop3A_199 = tpu.vector_load %arg14[%parallel_loop3A_197, %parallel_loop3A_198] {strides = array<i32>} : memref<128x80xf32, #tpu.memory_space<vmem>>, vector<1x16xf32>,
        %parallel_loop3A_200 = vector.shape_cast %parallel_loop3A_199 : vector<1x16xf32> to vector<16xf32>
        %parallel_loop3A_201 = vector.shape_cast %parallel_loop3A_196 : vector<16xf32> to vector<1x16xf32>
        tpu.vector_store %arg14[%parallel_loop3A_197, %parallel_loop3A_198], %parallel_loop3A_201 {strides = array<i32>} : memref<128x80xf32, #tpu.memory_space<vmem>>, vector<1x16xf32>,
        %parallel_loop3A_202 = tpu.iota {dimensions = array<i32: 0>} : vector<16xi32>
        %parallel_loop3A_203 = arith.constant 3 : i32
        %parallel_loop3A_204 = vector.broadcast %parallel_loop3A_203 : i32 to vector<16xi32>
        %parallel_loop3A_205 = arith.shrsi %parallel_loop3A_202, %parallel_loop3A_204 : vector<16xi32>
        %parallel_loop3A_206 = arith.constant 4 : i32
        %parallel_loop3A_207 = vector.broadcast %parallel_loop3A_206 : i32 to vector<16xi32>
        %parallel_loop3A_208 = arith.addi %parallel_loop3A_205, %parallel_loop3A_207 : vector<16xi32>
        %parallel_loop3A_209 = vector.shape_cast %parallel_loop3A_208 : vector<16xi32> to vector<16x1xi32>
        %parallel_loop3A_210 = vector.shape_cast %parallel_loop3A_209 : vector<16x1xi32> to vector<16xi32>
        %parallel_loop3A_211 = tpu.dynamic_gather %parallel_loop3A_156[%parallel_loop3A_210] in [0] : vector<16xf32>, vector<16xi32> -> vector<16xf32>
        %parallel_loop3A_212 = arith.index_cast %parallel_loop3A_142 : i32 to index
        %parallel_loop3A_213 = arith.constant 32 : index
        %parallel_loop3A_214 = tpu.vector_load %arg10[%parallel_loop3A_212, %parallel_loop3A_213] {strides = array<i32>} : memref<128x80xf32, #tpu.memory_space<vmem>>, vector<1x16xf32>,
        %parallel_loop3A_215 = vector.shape_cast %parallel_loop3A_214 : vector<1x16xf32> to vector<16xf32>
        %parallel_loop3A_216 = arith.mulf %parallel_loop3A_215, %parallel_loop3A_211 : vector<16xf32>
        %parallel_loop3A_217 = arith.index_cast %parallel_loop3A_142 : i32 to index
        %parallel_loop3A_218 = arith.constant 32 : index
        %parallel_loop3A_219 = tpu.vector_load %arg14[%parallel_loop3A_217, %parallel_loop3A_218] {strides = array<i32>} : memref<128x80xf32, #tpu.memory_space<vmem>>, vector<1x16xf32>,
        %parallel_loop3A_220 = vector.shape_cast %parallel_loop3A_219 : vector<1x16xf32> to vector<16xf32>
        %parallel_loop3A_221 = vector.shape_cast %parallel_loop3A_216 : vector<16xf32> to vector<1x16xf32>
        tpu.vector_store %arg14[%parallel_loop3A_217, %parallel_loop3A_218], %parallel_loop3A_221 {strides = array<i32>} : memref<128x80xf32, #tpu.memory_space<vmem>>, vector<1x16xf32>,
        %parallel_loop3A_222 = tpu.iota {dimensions = array<i32: 0>} : vector<16xi32>
        %parallel_loop3A_223 = arith.constant 3 : i32
        %parallel_loop3A_224 = vector.broadcast %parallel_loop3A_223 : i32 to vector<16xi32>
        %parallel_loop3A_225 = arith.shrsi %parallel_loop3A_222, %parallel_loop3A_224 : vector<16xi32>
        %parallel_loop3A_226 = arith.constant 6 : i32
        %parallel_loop3A_227 = vector.broadcast %parallel_loop3A_226 : i32 to vector<16xi32>
        %parallel_loop3A_228 = arith.addi %parallel_loop3A_225, %parallel_loop3A_227 : vector<16xi32>
        %parallel_loop3A_229 = vector.shape_cast %parallel_loop3A_228 : vector<16xi32> to vector<16x1xi32>
        %parallel_loop3A_230 = vector.shape_cast %parallel_loop3A_229 : vector<16x1xi32> to vector<16xi32>
        %parallel_loop3A_231 = tpu.dynamic_gather %parallel_loop3A_156[%parallel_loop3A_230] in [0] : vector<16xf32>, vector<16xi32> -> vector<16xf32>
        %parallel_loop3A_232 = arith.index_cast %parallel_loop3A_142 : i32 to index
        %parallel_loop3A_233 = arith.constant 48 : index
        %parallel_loop3A_234 = tpu.vector_load %arg10[%parallel_loop3A_232, %parallel_loop3A_233] {strides = array<i32>} : memref<128x80xf32, #tpu.memory_space<vmem>>, vector<1x16xf32>,
        %parallel_loop3A_235 = vector.shape_cast %parallel_loop3A_234 : vector<1x16xf32> to vector<16xf32>
        %parallel_loop3A_236 = arith.mulf %parallel_loop3A_235, %parallel_loop3A_231 : vector<16xf32>
        %parallel_loop3A_237 = arith.index_cast %parallel_loop3A_142 : i32 to index
        %parallel_loop3A_238 = arith.constant 48 : index
        %parallel_loop3A_239 = tpu.vector_load %arg14[%parallel_loop3A_237, %parallel_loop3A_238] {strides = array<i32>} : memref<128x80xf32, #tpu.memory_space<vmem>>, vector<1x16xf32>,
        %parallel_loop3A_240 = vector.shape_cast %parallel_loop3A_239 : vector<1x16xf32> to vector<16xf32>
        %parallel_loop3A_241 = vector.shape_cast %parallel_loop3A_236 : vector<16xf32> to vector<1x16xf32>
        tpu.vector_store %arg14[%parallel_loop3A_237, %parallel_loop3A_238], %parallel_loop3A_241 {strides = array<i32>} : memref<128x80xf32, #tpu.memory_space<vmem>>, vector<1x16xf32>,
      } {sc.loop_unroll_factor = 4 : i64, sc.parallel_access}
      %dma_start3A_135 = arith.constant 0 : i32
      %dma_start3A_136 = tpu.memref_slice %arg8[%add3A_105, %dma_start3A_135] : memref<80x128xi32, #tpu.memory_space<vmem>> -> memref<1x128xi32, #tpu.memory_space<vmem>>
      %dma_start3A_137 = tpu.memref_squeeze %dma_start3A_136 : memref<1x128xi32, #tpu.memory_space<vmem>> -> memref<128xi32, #tpu.memory_space<vmem>>
      %dma_start3A_138 = arith.constant 0 : i32
      %dma_start3A_139 = arith.constant 0 : i32
      %dma_start3A_140 = tpu.memref_slice %arg15[%dma_start3A_138, %dma_start3A_139] : memref<10240x80xf32, #tpu.memory_space<vmem_shared>> -> memref<10240x80xf32, #tpu.memory_space<vmem_shared>>
      tpu.enqueue_indirect_dma source(%arg14 : memref<128x80xf32, #tpu.memory_space<vmem>>) target(%dma_start3A_140 : memref<10240x80xf32, #tpu.memory_space<vmem_shared>>) offsets(%dma_start3A_137 : memref<128xi32, #tpu.memory_space<vmem>>) semaphore(%arg21 : memref<!tpu.dma_semaphore, #tpu.memory_space<semaphore_mem>>) {add = true}
      %scan3A_141 = arith.constant 0 : i32
      scf.yield %scan3A_141 : i32
    }
    %scan3A_42 = arith.constant 40 : i32
    %dma_wait3A = arith.constant 0 : i32
    %dma_wait3A_43 = arith.constant 0 : i32
    %dma_wait3A_44 = tpu.memref_slice %arg8[%dma_wait3A, %dma_wait3A_43] : memref<80x128xi32, #tpu.memory_space<vmem>> -> memref<1x128xi32, #tpu.memory_space<vmem>>
    %dma_wait3A_45 = tpu.memref_squeeze %dma_wait3A_44 : memref<1x128xi32, #tpu.memory_space<vmem>> -> memref<128xi32, #tpu.memory_space<vmem>>
    %dma_wait3A_46 = arith.constant 0 : i32
    %dma_wait3A_47 = arith.constant 0 : i32
    %dma_wait3A_48 = tpu.memref_slice %arg15[%dma_wait3A_46, %dma_wait3A_47] : memref<10240x80xf32, #tpu.memory_space<vmem_shared>> -> memref<10240x80xf32, #tpu.memory_space<vmem_shared>>
    tpu.wait_indirect_dma semaphore(%arg20 : memref<!tpu.dma_semaphore, #tpu.memory_space<semaphore_mem>>) src(%arg13 : memref<128x80xf32, #tpu.memory_space<vmem>>) dst(%dma_wait3A_48 : memref<10240x80xf32, #tpu.memory_space<vmem_shared>>)
    %dma_wait3A_49 = arith.constant 0 : i32
    %dma_wait3A_50 = arith.constant 0 : i32
    %dma_wait3A_51 = tpu.memref_slice %arg8[%dma_wait3A_49, %dma_wait3A_50] : memref<80x128xi32, #tpu.memory_space<vmem>> -> memref<1x128xi32, #tpu.memory_space<vmem>>
    %dma_wait3A_52 = tpu.memref_squeeze %dma_wait3A_51 : memref<1x128xi32, #tpu.memory_space<vmem>> -> memref<128xi32, #tpu.memory_space<vmem>>
    %dma_wait3A_53 = arith.constant 0 : i32
    %dma_wait3A_54 = arith.constant 0 : i32
    %dma_wait3A_55 = tpu.memref_slice %arg15[%dma_wait3A_53, %dma_wait3A_54] : memref<10240x80xf32, #tpu.memory_space<vmem_shared>> -> memref<10240x80xf32, #tpu.memory_space<vmem_shared>>
    tpu.wait_indirect_dma semaphore(%arg21 : memref<!tpu.dma_semaphore, #tpu.memory_space<semaphore_mem>>) src(%arg14 : memref<128x80xf32, #tpu.memory_space<vmem>>) dst(%dma_wait3A_55 : memref<10240x80xf32, #tpu.memory_space<vmem_shared>>)
    %barrier3A_56 = arith.constant 0 : index
    tpu.barrier barrier_id(%barrier3A_56)
    %mul3A_57 = arith.constant 624 : i32
    %mul3A_58 = arith.muli %arg1, %mul3A_57 : i32
    "tpu.region"() ({
      %run_scoped3A = tpu.sem_alloc : memref<!tpu.dma_semaphore, #tpu.memory_space<semaphore_mem>>
      %dma_start3A_64 = arith.constant 0 : i32
      %dma_start3A_65 = tpu.memref_slice %arg6[%arg0, %mul3A_58, %dma_start3A_64] : memref<2x10000x80xf32, #tpu.memory_space<hbm>> -> memref<1x624x80xf32, #tpu.memory_space<hbm>>
      %dma_start3A_66 = tpu.memref_squeeze %dma_start3A_65 : memref<1x624x80xf32, #tpu.memory_space<hbm>> -> memref<624x80xf32, #tpu.memory_space<hbm>>
      %dma_start3A_67 = arith.constant 0 : i32
      %dma_start3A_68 = tpu.memref_slice %arg15[%mul3A_58, %dma_start3A_67] : memref<10240x80xf32, #tpu.memory_space<vmem_shared>> -> memref<624x80xf32, #tpu.memory_space<vmem_shared>>
      tpu.enqueue_dma source(%dma_start3A_68 : memref<624x80xf32, #tpu.memory_space<vmem_shared>>) target(%dma_start3A_66 : memref<624x80xf32, #tpu.memory_space<hbm>>) target_semaphore(%run_scoped3A : memref<!tpu.dma_semaphore, #tpu.memory_space<semaphore_mem>>)
      %dma_wait3A_69 = arith.constant 0 : i32
      %dma_wait3A_70 = tpu.memref_slice %arg6[%arg0, %mul3A_58, %dma_wait3A_69] : memref<2x10000x80xf32, #tpu.memory_space<hbm>> -> memref<1x624x80xf32, #tpu.memory_space<hbm>>
      %dma_wait3A_71 = tpu.memref_squeeze %dma_wait3A_70 : memref<1x624x80xf32, #tpu.memory_space<hbm>> -> memref<624x80xf32, #tpu.memory_space<hbm>>
      %dma_wait3A_72 = arith.constant 0 : i32
      %dma_wait3A_73 = tpu.memref_slice %arg15[%mul3A_58, %dma_wait3A_72] : memref<10240x80xf32, #tpu.memory_space<vmem_shared>> -> memref<624x80xf32, #tpu.memory_space<vmem_shared>>
      tpu.wait_dma2 semaphore(%run_scoped3A : memref<!tpu.dma_semaphore, #tpu.memory_space<semaphore_mem>>) src(%dma_wait3A_73 : memref<624x80xf32, #tpu.memory_space<vmem_shared>>) dst(%dma_wait3A_71 : memref<624x80xf32, #tpu.memory_space<hbm>>)
      tpu.yield
    }) : () -> ()
    %eq3A_59 = arith.constant 15 : i32
    %eq3A_60 = arith.cmpi eq, %arg1, %eq3A_59 : i32
    %convert_element_type3A_61 = arith.extui %eq3A_60 : i1 to i32
    %cond3A_62 = arith.constant 0 : i32
    %cond3A_63 = arith.cmpi ne, %convert_element_type3A_61, %cond3A_62 : i32
    scf.if %cond3A_63 {
      %add3A_64 = arith.constant 624 : i32
      %add3A_65 = arith.addi %mul3A_58, %add3A_64 : i32
      %add3A_66 = arith.constant 624 : i32
      %add3A_67 = arith.addi %mul3A_58, %add3A_66 : i32
      "tpu.region"() ({
        %run_scoped3A = tpu.sem_alloc : memref<!tpu.dma_semaphore, #tpu.memory_space<semaphore_mem>>
        %dma_start3A_68 = arith.constant 0 : i32
        %dma_start3A_69 = tpu.memref_slice %arg6[%arg0, %add3A_67, %dma_start3A_68] : memref<2x10000x80xf32, #tpu.memory_space<hbm>> -> memref<1x16x80xf32, #tpu.memory_space<hbm>>
        %dma_start3A_70 = tpu.memref_squeeze %dma_start3A_69 : memref<1x16x80xf32, #tpu.memory_space<hbm>> -> memref<16x80xf32, #tpu.memory_space<hbm>>
        %dma_start3A_71 = arith.constant 0 : i32
        %dma_start3A_72 = tpu.memref_slice %arg15[%add3A_65, %dma_start3A_71] : memref<10240x80xf32, #tpu.memory_space<vmem_shared>> -> memref<16x80xf32, #tpu.memory_space<vmem_shared>>
        tpu.enqueue_dma source(%dma_start3A_72 : memref<16x80xf32, #tpu.memory_space<vmem_shared>>) target(%dma_start3A_70 : memref<16x80xf32, #tpu.memory_space<hbm>>) target_semaphore(%run_scoped3A : memref<!tpu.dma_semaphore, #tpu.memory_space<semaphore_mem>>)
        %dma_wait3A_73 = arith.constant 0 : i32
        %dma_wait3A_74 = tpu.memref_slice %arg6[%arg0, %add3A_67, %dma_wait3A_73] : memref<2x10000x80xf32, #tpu.memory_space<hbm>> -> memref<1x16x80xf32, #tpu.memory_space<hbm>>
        %dma_wait3A_75 = tpu.memref_squeeze %dma_wait3A_74 : memref<1x16x80xf32, #tpu.memory_space<hbm>> -> memref<16x80xf32, #tpu.memory_space<hbm>>
        %dma_wait3A_76 = arith.constant 0 : i32
        %dma_wait3A_77 = tpu.memref_slice %arg15[%add3A_65, %dma_wait3A_76] : memref<10240x80xf32, #tpu.memory_space<vmem_shared>> -> memref<16x80xf32, #tpu.memory_space<vmem_shared>>
        tpu.wait_dma2 semaphore(%run_scoped3A : memref<!tpu.dma_semaphore, #tpu.memory_space<semaphore_mem>>) src(%dma_wait3A_77 : memref<16x80xf32, #tpu.memory_space<vmem_shared>>) dst(%dma_wait3A_75 : memref<16x80xf32, #tpu.memory_space<hbm>>)
        tpu.yield
      }) : () -> ()
    } else {
    }
    return
  }
}

#map = affine_map<(d0, d1) -> (0, 0)>
#map1 = affine_map<(d0, d1) -> (0, 0, 0)>
module attributes {stable_mosaic.version = 14 : i64} {
  func.func @_sc_edge2(%arg0: i32, %arg1: i32, %arg2: memref<10240x16xf32, #tpu.memory_space<hbm>>, %arg3: memref<10240x16xf32, #tpu.memory_space<hbm>>, %arg4: memref<2560x128xi32, #tpu.memory_space<hbm>>, %arg5: memref<2560x128xi32, #tpu.memory_space<hbm>>, %arg6: memref<2x10000x16xf32, #tpu.memory_space<hbm>>, %arg7: memref<80x128xi32, #tpu.memory_space<vmem>>, %arg8: memref<80x128xi32, #tpu.memory_space<vmem>>, %arg9: memref<128x16xf32, #tpu.memory_space<vmem>>, %arg10: memref<128x16xf32, #tpu.memory_space<vmem>>, %arg11: memref<128x16xf32, #tpu.memory_space<vmem>>, %arg12: memref<128x16xf32, #tpu.memory_space<vmem>>, %arg13: memref<128x16xf32, #tpu.memory_space<vmem>>, %arg14: memref<128x16xf32, #tpu.memory_space<vmem>>, %arg15: memref<10240x16xf32, #tpu.memory_space<vmem_shared>>, %arg16: memref<!tpu.dma_semaphore, #tpu.memory_space<semaphore_mem>>, %arg17: memref<!tpu.dma_semaphore, #tpu.memory_space<semaphore_mem>>, %arg18: memref<!tpu.dma_semaphore, #tpu.memory_space<semaphore_mem>>, %arg19: memref<!tpu.dma_semaphore, #tpu.memory_space<semaphore_mem>>, %arg20: memref<!tpu.dma_semaphore, #tpu.memory_space<semaphore_mem>>, %arg21: memref<!tpu.dma_semaphore, #tpu.memory_space<semaphore_mem>>) attributes {dimension_semantics = [#tpu.dimension_semantics<core_parallel>, #tpu.dimension_semantics<subcore_parallel>], iteration_bounds = array<i64: 2, 16>, scalar_prefetch = 0 : i64, scratch_operands = 15 : i64, tpu.core_type = #tpu.core_type<sc_vector_subcore>, window_params = [{transform_indices = #map}, {transform_indices = #map}, {transform_indices = #map}, {transform_indices = #map}, {transform_indices = #map1}]} {
    %scan3A = arith.constant 0 : i32
    %scan3A_0 = arith.constant 0 : i32
    %scan3A_1 = arith.constant 128 : i32
    %scan3A_2 = arith.addi %scan3A_0, %scan3A_1 : i32
    %scan3A_3 = arith.constant 1 : i32
    %scan3A_4 = scf.for %scan3A_65 = %scan3A_0 to %scan3A_2 step %scan3A_3 iter_args(%scan3A_66 = %scan3A) -> (i32)  : i32 {
      %broadcast_in_dim3A_67 = arith.constant 0.000000e+00 : f32
      %broadcast_in_dim3A_68 = vector.broadcast %broadcast_in_dim3A_67 : f32 to vector<16xf32>
      %swap3A = arith.index_cast %scan3A_65 : i32 to index
      %swap3A_69 = arith.constant 0 : index
      %swap3A_70 = tpu.vector_load %arg13[%swap3A, %swap3A_69] {strides = array<i32>} : memref<128x16xf32, #tpu.memory_space<vmem>>, vector<1x16xf32>,
      %swap3A_71 = vector.shape_cast %swap3A_70 : vector<1x16xf32> to vector<16xf32>
      %swap3A_72 = vector.shape_cast %broadcast_in_dim3A_68 : vector<16xf32> to vector<1x16xf32>
      tpu.vector_store %arg13[%swap3A, %swap3A_69], %swap3A_72 {strides = array<i32>} : memref<128x16xf32, #tpu.memory_space<vmem>>, vector<1x16xf32>,
      %scan3A_73 = arith.constant 0 : i32
      scf.yield %scan3A_73 : i32
    }
    %scan3A_5 = arith.constant 128 : i32
    %mul3A = arith.constant 624 : i32
    %mul3A_6 = arith.muli %arg1, %mul3A : i32
    %add3A = arith.constant 0 : i32
    %add3A_7 = arith.addi %mul3A_6, %add3A : i32
    "tpu.region"() ({
      %run_scoped3A = tpu.sem_alloc : memref<!tpu.dma_semaphore, #tpu.memory_space<semaphore_mem>>
      %dma_start3A_65 = arith.constant 0 : i32
      %dma_start3A_66 = tpu.memref_slice %arg15[%add3A_7, %dma_start3A_65] : memref<10240x16xf32, #tpu.memory_space<vmem_shared>> -> memref<128x16xf32, #tpu.memory_space<vmem_shared>>
      %dma_start3A_67 = arith.constant 0 : i32
      %dma_start3A_68 = tpu.memref_slice %arg15[%add3A_7, %dma_start3A_67] : memref<10240x16xf32, #tpu.memory_space<vmem_shared>> -> memref<128x16xf32, #tpu.memory_space<vmem_shared>>
      tpu.enqueue_dma source(%arg13 : memref<128x16xf32, #tpu.memory_space<vmem>>) target(%dma_start3A_68 : memref<128x16xf32, #tpu.memory_space<vmem_shared>>) target_semaphore(%run_scoped3A : memref<!tpu.dma_semaphore, #tpu.memory_space<semaphore_mem>>)
      %dma_wait3A_69 = arith.constant 0 : i32
      %dma_wait3A_70 = tpu.memref_slice %arg15[%add3A_7, %dma_wait3A_69] : memref<10240x16xf32, #tpu.memory_space<vmem_shared>> -> memref<128x16xf32, #tpu.memory_space<vmem_shared>>
      %dma_wait3A_71 = arith.constant 0 : i32
      %dma_wait3A_72 = tpu.memref_slice %arg15[%add3A_7, %dma_wait3A_71] : memref<10240x16xf32, #tpu.memory_space<vmem_shared>> -> memref<128x16xf32, #tpu.memory_space<vmem_shared>>
      tpu.wait_dma2 semaphore(%run_scoped3A : memref<!tpu.dma_semaphore, #tpu.memory_space<semaphore_mem>>) src(%arg13 : memref<128x16xf32, #tpu.memory_space<vmem>>) dst(%dma_wait3A_72 : memref<128x16xf32, #tpu.memory_space<vmem_shared>>)
      tpu.yield
    }) : () -> ()
    %add3A_8 = arith.constant 128 : i32
    %add3A_9 = arith.addi %mul3A_6, %add3A_8 : i32
    "tpu.region"() ({
      %run_scoped3A = tpu.sem_alloc : memref<!tpu.dma_semaphore, #tpu.memory_space<semaphore_mem>>
      %dma_start3A_65 = arith.constant 0 : i32
      %dma_start3A_66 = tpu.memref_slice %arg15[%add3A_9, %dma_start3A_65] : memref<10240x16xf32, #tpu.memory_space<vmem_shared>> -> memref<128x16xf32, #tpu.memory_space<vmem_shared>>
      %dma_start3A_67 = arith.constant 0 : i32
      %dma_start3A_68 = tpu.memref_slice %arg15[%add3A_9, %dma_start3A_67] : memref<10240x16xf32, #tpu.memory_space<vmem_shared>> -> memref<128x16xf32, #tpu.memory_space<vmem_shared>>
      tpu.enqueue_dma source(%arg13 : memref<128x16xf32, #tpu.memory_space<vmem>>) target(%dma_start3A_68 : memref<128x16xf32, #tpu.memory_space<vmem_shared>>) target_semaphore(%run_scoped3A : memref<!tpu.dma_semaphore, #tpu.memory_space<semaphore_mem>>)
      %dma_wait3A_69 = arith.constant 0 : i32
      %dma_wait3A_70 = tpu.memref_slice %arg15[%add3A_9, %dma_wait3A_69] : memref<10240x16xf32, #tpu.memory_space<vmem_shared>> -> memref<128x16xf32, #tpu.memory_space<vmem_shared>>
      %dma_wait3A_71 = arith.constant 0 : i32
      %dma_wait3A_72 = tpu.memref_slice %arg15[%add3A_9, %dma_wait3A_71] : memref<10240x16xf32, #tpu.memory_space<vmem_shared>> -> memref<128x16xf32, #tpu.memory_space<vmem_shared>>
      tpu.wait_dma2 semaphore(%run_scoped3A : memref<!tpu.dma_semaphore, #tpu.memory_space<semaphore_mem>>) src(%arg13 : memref<128x16xf32, #tpu.memory_space<vmem>>) dst(%dma_wait3A_72 : memref<128x16xf32, #tpu.memory_space<vmem_shared>>)
      tpu.yield
    }) : () -> ()
    %add3A_10 = arith.constant 256 : i32
    %add3A_11 = arith.addi %mul3A_6, %add3A_10 : i32
    "tpu.region"() ({
      %run_scoped3A = tpu.sem_alloc : memref<!tpu.dma_semaphore, #tpu.memory_space<semaphore_mem>>
      %dma_start3A_65 = arith.constant 0 : i32
      %dma_start3A_66 = tpu.memref_slice %arg15[%add3A_11, %dma_start3A_65] : memref<10240x16xf32, #tpu.memory_space<vmem_shared>> -> memref<128x16xf32, #tpu.memory_space<vmem_shared>>
      %dma_start3A_67 = arith.constant 0 : i32
      %dma_start3A_68 = tpu.memref_slice %arg15[%add3A_11, %dma_start3A_67] : memref<10240x16xf32, #tpu.memory_space<vmem_shared>> -> memref<128x16xf32, #tpu.memory_space<vmem_shared>>
      tpu.enqueue_dma source(%arg13 : memref<128x16xf32, #tpu.memory_space<vmem>>) target(%dma_start3A_68 : memref<128x16xf32, #tpu.memory_space<vmem_shared>>) target_semaphore(%run_scoped3A : memref<!tpu.dma_semaphore, #tpu.memory_space<semaphore_mem>>)
      %dma_wait3A_69 = arith.constant 0 : i32
      %dma_wait3A_70 = tpu.memref_slice %arg15[%add3A_11, %dma_wait3A_69] : memref<10240x16xf32, #tpu.memory_space<vmem_shared>> -> memref<128x16xf32, #tpu.memory_space<vmem_shared>>
      %dma_wait3A_71 = arith.constant 0 : i32
      %dma_wait3A_72 = tpu.memref_slice %arg15[%add3A_11, %dma_wait3A_71] : memref<10240x16xf32, #tpu.memory_space<vmem_shared>> -> memref<128x16xf32, #tpu.memory_space<vmem_shared>>
      tpu.wait_dma2 semaphore(%run_scoped3A : memref<!tpu.dma_semaphore, #tpu.memory_space<semaphore_mem>>) src(%arg13 : memref<128x16xf32, #tpu.memory_space<vmem>>) dst(%dma_wait3A_72 : memref<128x16xf32, #tpu.memory_space<vmem_shared>>)
      tpu.yield
    }) : () -> ()
    %add3A_12 = arith.constant 384 : i32
    %add3A_13 = arith.addi %mul3A_6, %add3A_12 : i32
    "tpu.region"() ({
      %run_scoped3A = tpu.sem_alloc : memref<!tpu.dma_semaphore, #tpu.memory_space<semaphore_mem>>
      %dma_start3A_65 = arith.constant 0 : i32
      %dma_start3A_66 = tpu.memref_slice %arg15[%add3A_13, %dma_start3A_65] : memref<10240x16xf32, #tpu.memory_space<vmem_shared>> -> memref<128x16xf32, #tpu.memory_space<vmem_shared>>
      %dma_start3A_67 = arith.constant 0 : i32
      %dma_start3A_68 = tpu.memref_slice %arg15[%add3A_13, %dma_start3A_67] : memref<10240x16xf32, #tpu.memory_space<vmem_shared>> -> memref<128x16xf32, #tpu.memory_space<vmem_shared>>
      tpu.enqueue_dma source(%arg13 : memref<128x16xf32, #tpu.memory_space<vmem>>) target(%dma_start3A_68 : memref<128x16xf32, #tpu.memory_space<vmem_shared>>) target_semaphore(%run_scoped3A : memref<!tpu.dma_semaphore, #tpu.memory_space<semaphore_mem>>)
      %dma_wait3A_69 = arith.constant 0 : i32
      %dma_wait3A_70 = tpu.memref_slice %arg15[%add3A_13, %dma_wait3A_69] : memref<10240x16xf32, #tpu.memory_space<vmem_shared>> -> memref<128x16xf32, #tpu.memory_space<vmem_shared>>
      %dma_wait3A_71 = arith.constant 0 : i32
      %dma_wait3A_72 = tpu.memref_slice %arg15[%add3A_13, %dma_wait3A_71] : memref<10240x16xf32, #tpu.memory_space<vmem_shared>> -> memref<128x16xf32, #tpu.memory_space<vmem_shared>>
      tpu.wait_dma2 semaphore(%run_scoped3A : memref<!tpu.dma_semaphore, #tpu.memory_space<semaphore_mem>>) src(%arg13 : memref<128x16xf32, #tpu.memory_space<vmem>>) dst(%dma_wait3A_72 : memref<128x16xf32, #tpu.memory_space<vmem_shared>>)
      tpu.yield
    }) : () -> ()
    %add3A_14 = arith.constant 512 : i32
    %add3A_15 = arith.addi %mul3A_6, %add3A_14 : i32
    "tpu.region"() ({
      %run_scoped3A = tpu.sem_alloc : memref<!tpu.dma_semaphore, #tpu.memory_space<semaphore_mem>>
      %dma_start3A_65 = arith.constant 0 : i32
      %dma_start3A_66 = arith.constant 0 : i32
      %dma_start3A_67 = tpu.memref_slice %arg13[%dma_start3A_65, %dma_start3A_66] : memref<128x16xf32, #tpu.memory_space<vmem>> -> memref<112x16xf32, #tpu.memory_space<vmem>>
      %dma_start3A_68 = arith.constant 0 : i32
      %dma_start3A_69 = tpu.memref_slice %arg15[%add3A_15, %dma_start3A_68] : memref<10240x16xf32, #tpu.memory_space<vmem_shared>> -> memref<112x16xf32, #tpu.memory_space<vmem_shared>>
      %dma_start3A_70 = arith.constant 0 : i32
      %dma_start3A_71 = tpu.memref_slice %arg15[%add3A_15, %dma_start3A_70] : memref<10240x16xf32, #tpu.memory_space<vmem_shared>> -> memref<112x16xf32, #tpu.memory_space<vmem_shared>>
      %dma_start3A_72 = arith.constant 0 : i32
      %dma_start3A_73 = arith.constant 0 : i32
      %dma_start3A_74 = tpu.memref_slice %arg13[%dma_start3A_72, %dma_start3A_73] : memref<128x16xf32, #tpu.memory_space<vmem>> -> memref<112x16xf32, #tpu.memory_space<vmem>>
      tpu.enqueue_dma source(%dma_start3A_74 : memref<112x16xf32, #tpu.memory_space<vmem>>) target(%dma_start3A_71 : memref<112x16xf32, #tpu.memory_space<vmem_shared>>) target_semaphore(%run_scoped3A : memref<!tpu.dma_semaphore, #tpu.memory_space<semaphore_mem>>)
      %dma_wait3A_75 = arith.constant 0 : i32
      %dma_wait3A_76 = arith.constant 0 : i32
      %dma_wait3A_77 = tpu.memref_slice %arg13[%dma_wait3A_75, %dma_wait3A_76] : memref<128x16xf32, #tpu.memory_space<vmem>> -> memref<112x16xf32, #tpu.memory_space<vmem>>
      %dma_wait3A_78 = arith.constant 0 : i32
      %dma_wait3A_79 = tpu.memref_slice %arg15[%add3A_15, %dma_wait3A_78] : memref<10240x16xf32, #tpu.memory_space<vmem_shared>> -> memref<112x16xf32, #tpu.memory_space<vmem_shared>>
      %dma_wait3A_80 = arith.constant 0 : i32
      %dma_wait3A_81 = tpu.memref_slice %arg15[%add3A_15, %dma_wait3A_80] : memref<10240x16xf32, #tpu.memory_space<vmem_shared>> -> memref<112x16xf32, #tpu.memory_space<vmem_shared>>
      %dma_wait3A_82 = arith.constant 0 : i32
      %dma_wait3A_83 = arith.constant 0 : i32
      %dma_wait3A_84 = tpu.memref_slice %arg13[%dma_wait3A_82, %dma_wait3A_83] : memref<128x16xf32, #tpu.memory_space<vmem>> -> memref<112x16xf32, #tpu.memory_space<vmem>>
      tpu.wait_dma2 semaphore(%run_scoped3A : memref<!tpu.dma_semaphore, #tpu.memory_space<semaphore_mem>>) src(%dma_wait3A_84 : memref<112x16xf32, #tpu.memory_space<vmem>>) dst(%dma_wait3A_81 : memref<112x16xf32, #tpu.memory_space<vmem_shared>>)
      tpu.yield
    }) : () -> ()
    %eq3A = arith.constant 15 : i32
    %eq3A_16 = arith.cmpi eq, %arg1, %eq3A : i32
    %convert_element_type3A = arith.extui %eq3A_16 : i1 to i32
    %cond3A = arith.constant 0 : i32
    %cond3A_17 = arith.cmpi ne, %convert_element_type3A, %cond3A : i32
    scf.if %cond3A_17 {
      %add3A_65 = arith.constant 624 : i32
      %add3A_66 = arith.addi %mul3A_6, %add3A_65 : i32
      "tpu.region"() ({
        %run_scoped3A = tpu.sem_alloc : memref<!tpu.dma_semaphore, #tpu.memory_space<semaphore_mem>>
        %dma_start3A_71 = arith.constant 0 : i32
        %dma_start3A_72 = tpu.memref_slice %arg15[%add3A_66, %dma_start3A_71] : memref<10240x16xf32, #tpu.memory_space<vmem_shared>> -> memref<128x16xf32, #tpu.memory_space<vmem_shared>>
        %dma_start3A_73 = arith.constant 0 : i32
        %dma_start3A_74 = tpu.memref_slice %arg15[%add3A_66, %dma_start3A_73] : memref<10240x16xf32, #tpu.memory_space<vmem_shared>> -> memref<128x16xf32, #tpu.memory_space<vmem_shared>>
        tpu.enqueue_dma source(%arg13 : memref<128x16xf32, #tpu.memory_space<vmem>>) target(%dma_start3A_74 : memref<128x16xf32, #tpu.memory_space<vmem_shared>>) target_semaphore(%run_scoped3A : memref<!tpu.dma_semaphore, #tpu.memory_space<semaphore_mem>>)
        %dma_wait3A_75 = arith.constant 0 : i32
        %dma_wait3A_76 = tpu.memref_slice %arg15[%add3A_66, %dma_wait3A_75] : memref<10240x16xf32, #tpu.memory_space<vmem_shared>> -> memref<128x16xf32, #tpu.memory_space<vmem_shared>>
        %dma_wait3A_77 = arith.constant 0 : i32
        %dma_wait3A_78 = tpu.memref_slice %arg15[%add3A_66, %dma_wait3A_77] : memref<10240x16xf32, #tpu.memory_space<vmem_shared>> -> memref<128x16xf32, #tpu.memory_space<vmem_shared>>
        tpu.wait_dma2 semaphore(%run_scoped3A : memref<!tpu.dma_semaphore, #tpu.memory_space<semaphore_mem>>) src(%arg13 : memref<128x16xf32, #tpu.memory_space<vmem>>) dst(%dma_wait3A_78 : memref<128x16xf32, #tpu.memory_space<vmem_shared>>)
        tpu.yield
      }) : () -> ()
      %add3A_67 = arith.constant 624 : i32
      %add3A_68 = arith.addi %mul3A_6, %add3A_67 : i32
      %add3A_69 = arith.constant 128 : i32
      %add3A_70 = arith.addi %add3A_68, %add3A_69 : i32
      "tpu.region"() ({
        %run_scoped3A = tpu.sem_alloc : memref<!tpu.dma_semaphore, #tpu.memory_space<semaphore_mem>>
        %dma_start3A_71 = arith.constant 0 : i32
        %dma_start3A_72 = tpu.memref_slice %arg15[%add3A_70, %dma_start3A_71] : memref<10240x16xf32, #tpu.memory_space<vmem_shared>> -> memref<128x16xf32, #tpu.memory_space<vmem_shared>>
        %dma_start3A_73 = arith.constant 0 : i32
        %dma_start3A_74 = tpu.memref_slice %arg15[%add3A_70, %dma_start3A_73] : memref<10240x16xf32, #tpu.memory_space<vmem_shared>> -> memref<128x16xf32, #tpu.memory_space<vmem_shared>>
        tpu.enqueue_dma source(%arg13 : memref<128x16xf32, #tpu.memory_space<vmem>>) target(%dma_start3A_74 : memref<128x16xf32, #tpu.memory_space<vmem_shared>>) target_semaphore(%run_scoped3A : memref<!tpu.dma_semaphore, #tpu.memory_space<semaphore_mem>>)
        %dma_wait3A_75 = arith.constant 0 : i32
        %dma_wait3A_76 = tpu.memref_slice %arg15[%add3A_70, %dma_wait3A_75] : memref<10240x16xf32, #tpu.memory_space<vmem_shared>> -> memref<128x16xf32, #tpu.memory_space<vmem_shared>>
        %dma_wait3A_77 = arith.constant 0 : i32
        %dma_wait3A_78 = tpu.memref_slice %arg15[%add3A_70, %dma_wait3A_77] : memref<10240x16xf32, #tpu.memory_space<vmem_shared>> -> memref<128x16xf32, #tpu.memory_space<vmem_shared>>
        tpu.wait_dma2 semaphore(%run_scoped3A : memref<!tpu.dma_semaphore, #tpu.memory_space<semaphore_mem>>) src(%arg13 : memref<128x16xf32, #tpu.memory_space<vmem>>) dst(%dma_wait3A_78 : memref<128x16xf32, #tpu.memory_space<vmem_shared>>)
        tpu.yield
      }) : () -> ()
    } else {
    }
    %barrier3A = arith.constant 0 : index
    tpu.barrier barrier_id(%barrier3A)
    %broadcast_in_dim3A = arith.constant 8 : i32
    %broadcast_in_dim3A_18 = vector.broadcast %broadcast_in_dim3A : i32 to vector<16xi32>
    %mul3A_19 = arith.constant 2 : i32
    %mul3A_20 = arith.muli %arg1, %mul3A_19 : i32
    %add3A_21 = arith.addi %mul3A_20, %arg0 : i32
    %mul3A_22 = arith.constant 80 : i32
    %mul3A_23 = arith.muli %add3A_21, %mul3A_22 : i32
    "tpu.region"() ({
      %run_scoped3A = tpu.sem_alloc : memref<!tpu.dma_semaphore, #tpu.memory_space<semaphore_mem>>
      %dma_start3A_65 = arith.constant 0 : i32
      %dma_start3A_66 = tpu.memref_slice %arg4[%mul3A_23, %dma_start3A_65] : memref<2560x128xi32, #tpu.memory_space<hbm>> -> memref<80x128xi32, #tpu.memory_space<hbm>>
      %dma_start3A_67 = arith.constant 0 : i32
      %dma_start3A_68 = tpu.memref_slice %arg4[%mul3A_23, %dma_start3A_67] : memref<2560x128xi32, #tpu.memory_space<hbm>> -> memref<80x128xi32, #tpu.memory_space<hbm>>
      tpu.enqueue_dma source(%dma_start3A_68 : memref<80x128xi32, #tpu.memory_space<hbm>>) target(%arg7 : memref<80x128xi32, #tpu.memory_space<vmem>>) target_semaphore(%run_scoped3A : memref<!tpu.dma_semaphore, #tpu.memory_space<semaphore_mem>>)
      %dma_wait3A_69 = arith.constant 0 : i32
      %dma_wait3A_70 = tpu.memref_slice %arg4[%mul3A_23, %dma_wait3A_69] : memref<2560x128xi32, #tpu.memory_space<hbm>> -> memref<80x128xi32, #tpu.memory_space<hbm>>
      %dma_wait3A_71 = arith.constant 0 : i32
      %dma_wait3A_72 = tpu.memref_slice %arg4[%mul3A_23, %dma_wait3A_71] : memref<2560x128xi32, #tpu.memory_space<hbm>> -> memref<80x128xi32, #tpu.memory_space<hbm>>
      tpu.wait_dma2 semaphore(%run_scoped3A : memref<!tpu.dma_semaphore, #tpu.memory_space<semaphore_mem>>) src(%dma_wait3A_72 : memref<80x128xi32, #tpu.memory_space<hbm>>) dst(%arg7 : memref<80x128xi32, #tpu.memory_space<vmem>>)
      tpu.yield
    }) : () -> ()
    "tpu.region"() ({
      %run_scoped3A = tpu.sem_alloc : memref<!tpu.dma_semaphore, #tpu.memory_space<semaphore_mem>>
      %dma_start3A_65 = arith.constant 0 : i32
      %dma_start3A_66 = tpu.memref_slice %arg5[%mul3A_23, %dma_start3A_65] : memref<2560x128xi32, #tpu.memory_space<hbm>> -> memref<80x128xi32, #tpu.memory_space<hbm>>
      %dma_start3A_67 = arith.constant 0 : i32
      %dma_start3A_68 = tpu.memref_slice %arg5[%mul3A_23, %dma_start3A_67] : memref<2560x128xi32, #tpu.memory_space<hbm>> -> memref<80x128xi32, #tpu.memory_space<hbm>>
      tpu.enqueue_dma source(%dma_start3A_68 : memref<80x128xi32, #tpu.memory_space<hbm>>) target(%arg8 : memref<80x128xi32, #tpu.memory_space<vmem>>) target_semaphore(%run_scoped3A : memref<!tpu.dma_semaphore, #tpu.memory_space<semaphore_mem>>)
      %dma_wait3A_69 = arith.constant 0 : i32
      %dma_wait3A_70 = tpu.memref_slice %arg5[%mul3A_23, %dma_wait3A_69] : memref<2560x128xi32, #tpu.memory_space<hbm>> -> memref<80x128xi32, #tpu.memory_space<hbm>>
      %dma_wait3A_71 = arith.constant 0 : i32
      %dma_wait3A_72 = tpu.memref_slice %arg5[%mul3A_23, %dma_wait3A_71] : memref<2560x128xi32, #tpu.memory_space<hbm>> -> memref<80x128xi32, #tpu.memory_space<hbm>>
      tpu.wait_dma2 semaphore(%run_scoped3A : memref<!tpu.dma_semaphore, #tpu.memory_space<semaphore_mem>>) src(%dma_wait3A_72 : memref<80x128xi32, #tpu.memory_space<hbm>>) dst(%arg8 : memref<80x128xi32, #tpu.memory_space<vmem>>)
      tpu.yield
    }) : () -> ()
    %dma_start3A = arith.constant 0 : i32
    %dma_start3A_24 = arith.constant 0 : i32
    %dma_start3A_25 = tpu.memref_slice %arg7[%dma_start3A, %dma_start3A_24] : memref<80x128xi32, #tpu.memory_space<vmem>> -> memref<1x128xi32, #tpu.memory_space<vmem>>
    %dma_start3A_26 = tpu.memref_squeeze %dma_start3A_25 : memref<1x128xi32, #tpu.memory_space<vmem>> -> memref<128xi32, #tpu.memory_space<vmem>>
    %dma_start3A_27 = arith.constant 0 : i32
    %dma_start3A_28 = arith.constant 0 : i32
    %dma_start3A_29 = tpu.memref_slice %arg2[%dma_start3A_27, %dma_start3A_28] : memref<10240x16xf32, #tpu.memory_space<hbm>> -> memref<10240x16xf32, #tpu.memory_space<hbm>>
    tpu.enqueue_indirect_dma source(%dma_start3A_29 : memref<10240x16xf32, #tpu.memory_space<hbm>>) target(%arg9 : memref<128x16xf32, #tpu.memory_space<vmem>>) offsets(%dma_start3A_26 : memref<128xi32, #tpu.memory_space<vmem>>) semaphore(%arg16 : memref<!tpu.dma_semaphore, #tpu.memory_space<semaphore_mem>>)
    %dma_start3A_30 = arith.constant 0 : i32
    %dma_start3A_31 = arith.constant 0 : i32
    %dma_start3A_32 = tpu.memref_slice %arg8[%dma_start3A_30, %dma_start3A_31] : memref<80x128xi32, #tpu.memory_space<vmem>> -> memref<1x128xi32, #tpu.memory_space<vmem>>
    %dma_start3A_33 = tpu.memref_squeeze %dma_start3A_32 : memref<1x128xi32, #tpu.memory_space<vmem>> -> memref<128xi32, #tpu.memory_space<vmem>>
    %dma_start3A_34 = arith.constant 0 : i32
    %dma_start3A_35 = arith.constant 0 : i32
    %dma_start3A_36 = tpu.memref_slice %arg3[%dma_start3A_34, %dma_start3A_35] : memref<10240x16xf32, #tpu.memory_space<hbm>> -> memref<10240x16xf32, #tpu.memory_space<hbm>>
    tpu.enqueue_indirect_dma source(%dma_start3A_36 : memref<10240x16xf32, #tpu.memory_space<hbm>>) target(%arg11 : memref<128x16xf32, #tpu.memory_space<vmem>>) offsets(%dma_start3A_33 : memref<128xi32, #tpu.memory_space<vmem>>) semaphore(%arg18 : memref<!tpu.dma_semaphore, #tpu.memory_space<semaphore_mem>>)
    %scan3A_37 = arith.constant 0 : i32
    %scan3A_38 = arith.constant 0 : i32
    %scan3A_39 = arith.constant 40 : i32
    %scan3A_40 = arith.addi %scan3A_38, %scan3A_39 : i32
    %scan3A_41 = arith.constant 1 : i32
    %scan3A_42 = scf.for %scan3A_65 = %scan3A_38 to %scan3A_40 step %scan3A_41 iter_args(%scan3A_66 = %scan3A_37) -> (i32)  : i32 {
      %mul3A_67 = arith.constant 2 : i32
      %mul3A_68 = arith.muli %scan3A_65, %mul3A_67 : i32
      %add3A_69 = arith.constant 0 : i32
      %add3A_70 = arith.addi %mul3A_68, %add3A_69 : i32
      %dma_wait3A_71 = arith.constant 0 : i32
      %dma_wait3A_72 = arith.constant 0 : i32
      %dma_wait3A_73 = tpu.memref_slice %arg7[%dma_wait3A_71, %dma_wait3A_72] : memref<80x128xi32, #tpu.memory_space<vmem>> -> memref<1x128xi32, #tpu.memory_space<vmem>>
      %dma_wait3A_74 = tpu.memref_squeeze %dma_wait3A_73 : memref<1x128xi32, #tpu.memory_space<vmem>> -> memref<128xi32, #tpu.memory_space<vmem>>
      %dma_wait3A_75 = arith.constant 0 : i32
      %dma_wait3A_76 = arith.constant 0 : i32
      %dma_wait3A_77 = tpu.memref_slice %arg2[%dma_wait3A_75, %dma_wait3A_76] : memref<10240x16xf32, #tpu.memory_space<hbm>> -> memref<10240x16xf32, #tpu.memory_space<hbm>>
      tpu.wait_indirect_dma semaphore(%arg16 : memref<!tpu.dma_semaphore, #tpu.memory_space<semaphore_mem>>) src(%dma_wait3A_77 : memref<10240x16xf32, #tpu.memory_space<hbm>>) dst(%arg9 : memref<128x16xf32, #tpu.memory_space<vmem>>)
      %dma_wait3A_78 = arith.constant 0 : i32
      %dma_wait3A_79 = arith.constant 0 : i32
      %dma_wait3A_80 = tpu.memref_slice %arg8[%dma_wait3A_78, %dma_wait3A_79] : memref<80x128xi32, #tpu.memory_space<vmem>> -> memref<1x128xi32, #tpu.memory_space<vmem>>
      %dma_wait3A_81 = tpu.memref_squeeze %dma_wait3A_80 : memref<1x128xi32, #tpu.memory_space<vmem>> -> memref<128xi32, #tpu.memory_space<vmem>>
      %dma_wait3A_82 = arith.constant 0 : i32
      %dma_wait3A_83 = arith.constant 0 : i32
      %dma_wait3A_84 = tpu.memref_slice %arg3[%dma_wait3A_82, %dma_wait3A_83] : memref<10240x16xf32, #tpu.memory_space<hbm>> -> memref<10240x16xf32, #tpu.memory_space<hbm>>
      tpu.wait_indirect_dma semaphore(%arg18 : memref<!tpu.dma_semaphore, #tpu.memory_space<semaphore_mem>>) src(%dma_wait3A_84 : memref<10240x16xf32, #tpu.memory_space<hbm>>) dst(%arg11 : memref<128x16xf32, #tpu.memory_space<vmem>>)
      %add3A_85 = arith.constant 1 : i32
      %add3A_86 = arith.addi %add3A_70, %add3A_85 : i32
      %lt3A = arith.constant 80 : i32
      %lt3A_87 = arith.cmpi slt, %add3A_86, %lt3A : i32
      %convert_element_type3A_88 = arith.extui %lt3A_87 : i1 to i32
      %cond3A_89 = arith.constant 0 : i32
      %cond3A_90 = arith.cmpi ne, %convert_element_type3A_88, %cond3A_89 : i32
      scf.if %cond3A_90 {
        %add3A_143 = arith.constant 1 : i32
        %add3A_144 = arith.addi %add3A_70, %add3A_143 : i32
        %dma_start3A_145 = arith.constant 0 : i32
        %dma_start3A_146 = tpu.memref_slice %arg7[%add3A_144, %dma_start3A_145] : memref<80x128xi32, #tpu.memory_space<vmem>> -> memref<1x128xi32, #tpu.memory_space<vmem>>
        %dma_start3A_147 = tpu.memref_squeeze %dma_start3A_146 : memref<1x128xi32, #tpu.memory_space<vmem>> -> memref<128xi32, #tpu.memory_space<vmem>>
        %dma_start3A_148 = arith.constant 0 : i32
        %dma_start3A_149 = arith.constant 0 : i32
        %dma_start3A_150 = tpu.memref_slice %arg2[%dma_start3A_148, %dma_start3A_149] : memref<10240x16xf32, #tpu.memory_space<hbm>> -> memref<10240x16xf32, #tpu.memory_space<hbm>>
        tpu.enqueue_indirect_dma source(%dma_start3A_150 : memref<10240x16xf32, #tpu.memory_space<hbm>>) target(%arg10 : memref<128x16xf32, #tpu.memory_space<vmem>>) offsets(%dma_start3A_147 : memref<128xi32, #tpu.memory_space<vmem>>) semaphore(%arg17 : memref<!tpu.dma_semaphore, #tpu.memory_space<semaphore_mem>>)
        %dma_start3A_151 = arith.constant 0 : i32
        %dma_start3A_152 = tpu.memref_slice %arg8[%add3A_144, %dma_start3A_151] : memref<80x128xi32, #tpu.memory_space<vmem>> -> memref<1x128xi32, #tpu.memory_space<vmem>>
        %dma_start3A_153 = tpu.memref_squeeze %dma_start3A_152 : memref<1x128xi32, #tpu.memory_space<vmem>> -> memref<128xi32, #tpu.memory_space<vmem>>
        %dma_start3A_154 = arith.constant 0 : i32
        %dma_start3A_155 = arith.constant 0 : i32
        %dma_start3A_156 = tpu.memref_slice %arg3[%dma_start3A_154, %dma_start3A_155] : memref<10240x16xf32, #tpu.memory_space<hbm>> -> memref<10240x16xf32, #tpu.memory_space<hbm>>
        tpu.enqueue_indirect_dma source(%dma_start3A_156 : memref<10240x16xf32, #tpu.memory_space<hbm>>) target(%arg12 : memref<128x16xf32, #tpu.memory_space<vmem>>) offsets(%dma_start3A_153 : memref<128xi32, #tpu.memory_space<vmem>>) semaphore(%arg19 : memref<!tpu.dma_semaphore, #tpu.memory_space<semaphore_mem>>)
      } else {
      }
      %ge3A = arith.constant 2 : i32
      %ge3A_91 = arith.cmpi sge, %add3A_70, %ge3A : i32
      %convert_element_type3A_92 = arith.extui %ge3A_91 : i1 to i32
      %cond3A_93 = arith.constant 0 : i32
      %cond3A_94 = arith.cmpi ne, %convert_element_type3A_92, %cond3A_93 : i32
      scf.if %cond3A_94 {
        %dma_wait3A_143 = arith.constant 0 : i32
        %dma_wait3A_144 = arith.constant 0 : i32
        %dma_wait3A_145 = tpu.memref_slice %arg8[%dma_wait3A_143, %dma_wait3A_144] : memref<80x128xi32, #tpu.memory_space<vmem>> -> memref<1x128xi32, #tpu.memory_space<vmem>>
        %dma_wait3A_146 = tpu.memref_squeeze %dma_wait3A_145 : memref<1x128xi32, #tpu.memory_space<vmem>> -> memref<128xi32, #tpu.memory_space<vmem>>
        %dma_wait3A_147 = arith.constant 0 : i32
        %dma_wait3A_148 = arith.constant 0 : i32
        %dma_wait3A_149 = tpu.memref_slice %arg15[%dma_wait3A_147, %dma_wait3A_148] : memref<10240x16xf32, #tpu.memory_space<vmem_shared>> -> memref<10240x16xf32, #tpu.memory_space<vmem_shared>>
        tpu.wait_indirect_dma semaphore(%arg20 : memref<!tpu.dma_semaphore, #tpu.memory_space<semaphore_mem>>) src(%arg13 : memref<128x16xf32, #tpu.memory_space<vmem>>) dst(%dma_wait3A_149 : memref<10240x16xf32, #tpu.memory_space<vmem_shared>>)
      } else {
      }
      %parallel_loop3A = arith.constant 0 : i32
      %parallel_loop3A_95 = arith.constant 128 : i32
      %parallel_loop3A_96 = arith.constant 1 : i32
      scf.for %parallel_loop3A_143 = %parallel_loop3A to %parallel_loop3A_95 step %parallel_loop3A_96  : i32 {
        %parallel_loop3A_144 = arith.index_cast %parallel_loop3A_143 : i32 to index
        %parallel_loop3A_145 = arith.constant 0 : index
        %parallel_loop3A_146 = tpu.vector_load %arg9[%parallel_loop3A_144, %parallel_loop3A_145] {strides = array<i32>} : memref<128x16xf32, #tpu.memory_space<vmem>>, vector<1x16xf32>,
        %parallel_loop3A_147 = vector.shape_cast %parallel_loop3A_146 : vector<1x16xf32> to vector<16xf32>
        %parallel_loop3A_148 = arith.index_cast %parallel_loop3A_143 : i32 to index
        %parallel_loop3A_149 = arith.constant 0 : index
        %parallel_loop3A_150 = tpu.vector_load %arg11[%parallel_loop3A_148, %parallel_loop3A_149] {strides = array<i32>} : memref<128x16xf32, #tpu.memory_space<vmem>>, vector<1x16xf32>,
        %parallel_loop3A_151 = vector.shape_cast %parallel_loop3A_150 : vector<1x16xf32> to vector<16xf32>
        %parallel_loop3A_152 = arith.addf %parallel_loop3A_147, %parallel_loop3A_151 : vector<16xf32>
        %parallel_loop3A_153 = arith.constant 2.000000e-01 : f32
        %parallel_loop3A_154 = vector.broadcast %parallel_loop3A_153 : f32 to vector<16xf32>
        %parallel_loop3A_155 = arith.mulf %parallel_loop3A_154, %parallel_loop3A_152 : vector<16xf32>
        %parallel_loop3A_156 = arith.maximumf %parallel_loop3A_152, %parallel_loop3A_155 : vector<16xf32>
        %parallel_loop3A_157 = math.exp %parallel_loop3A_156 : vector<16xf32>
        %parallel_loop3A_158 = vector.shape_cast %broadcast_in_dim3A_18 : vector<16xi32> to vector<16x1xi32>
        %parallel_loop3A_159 = vector.shape_cast %parallel_loop3A_158 : vector<16x1xi32> to vector<16xi32>
        %parallel_loop3A_160 = tpu.dynamic_gather %parallel_loop3A_157[%parallel_loop3A_159] in [0] : vector<16xf32>, vector<16xi32> -> vector<16xf32>
        %parallel_loop3A_161 = arith.mulf %parallel_loop3A_147, %parallel_loop3A_160 : vector<16xf32>
        %parallel_loop3A_162 = arith.index_cast %parallel_loop3A_143 : i32 to index
        %parallel_loop3A_163 = arith.constant 0 : index
        %parallel_loop3A_164 = tpu.vector_load %arg13[%parallel_loop3A_162, %parallel_loop3A_163] {strides = array<i32>} : memref<128x16xf32, #tpu.memory_space<vmem>>, vector<1x16xf32>,
        %parallel_loop3A_165 = vector.shape_cast %parallel_loop3A_164 : vector<1x16xf32> to vector<16xf32>
        %parallel_loop3A_166 = vector.shape_cast %parallel_loop3A_161 : vector<16xf32> to vector<1x16xf32>
        tpu.vector_store %arg13[%parallel_loop3A_162, %parallel_loop3A_163], %parallel_loop3A_166 {strides = array<i32>} : memref<128x16xf32, #tpu.memory_space<vmem>>, vector<1x16xf32>,
      } {sc.loop_unroll_factor = 8 : i64, sc.parallel_access}
      %dma_start3A_97 = arith.constant 0 : i32
      %dma_start3A_98 = tpu.memref_slice %arg8[%add3A_70, %dma_start3A_97] : memref<80x128xi32, #tpu.memory_space<vmem>> -> memref<1x128xi32, #tpu.memory_space<vmem>>
      %dma_start3A_99 = tpu.memref_squeeze %dma_start3A_98 : memref<1x128xi32, #tpu.memory_space<vmem>> -> memref<128xi32, #tpu.memory_space<vmem>>
      %dma_start3A_100 = arith.constant 0 : i32
      %dma_start3A_101 = arith.constant 0 : i32
      %dma_start3A_102 = tpu.memref_slice %arg15[%dma_start3A_100, %dma_start3A_101] : memref<10240x16xf32, #tpu.memory_space<vmem_shared>> -> memref<10240x16xf32, #tpu.memory_space<vmem_shared>>
      tpu.enqueue_indirect_dma source(%arg13 : memref<128x16xf32, #tpu.memory_space<vmem>>) target(%dma_start3A_102 : memref<10240x16xf32, #tpu.memory_space<vmem_shared>>) offsets(%dma_start3A_99 : memref<128xi32, #tpu.memory_space<vmem>>) semaphore(%arg20 : memref<!tpu.dma_semaphore, #tpu.memory_space<semaphore_mem>>) {add = true}
      %mul3A_103 = arith.constant 2 : i32
      %mul3A_104 = arith.muli %scan3A_65, %mul3A_103 : i32
      %add3A_105 = arith.constant 1 : i32
      %add3A_106 = arith.addi %mul3A_104, %add3A_105 : i32
      %dma_wait3A_107 = arith.constant 0 : i32
      %dma_wait3A_108 = arith.constant 0 : i32
      %dma_wait3A_109 = tpu.memref_slice %arg7[%dma_wait3A_107, %dma_wait3A_108] : memref<80x128xi32, #tpu.memory_space<vmem>> -> memref<1x128xi32, #tpu.memory_space<vmem>>
      %dma_wait3A_110 = tpu.memref_squeeze %dma_wait3A_109 : memref<1x128xi32, #tpu.memory_space<vmem>> -> memref<128xi32, #tpu.memory_space<vmem>>
      %dma_wait3A_111 = arith.constant 0 : i32
      %dma_wait3A_112 = arith.constant 0 : i32
      %dma_wait3A_113 = tpu.memref_slice %arg2[%dma_wait3A_111, %dma_wait3A_112] : memref<10240x16xf32, #tpu.memory_space<hbm>> -> memref<10240x16xf32, #tpu.memory_space<hbm>>
      tpu.wait_indirect_dma semaphore(%arg17 : memref<!tpu.dma_semaphore, #tpu.memory_space<semaphore_mem>>) src(%dma_wait3A_113 : memref<10240x16xf32, #tpu.memory_space<hbm>>) dst(%arg10 : memref<128x16xf32, #tpu.memory_space<vmem>>)
      %dma_wait3A_114 = arith.constant 0 : i32
      %dma_wait3A_115 = arith.constant 0 : i32
      %dma_wait3A_116 = tpu.memref_slice %arg8[%dma_wait3A_114, %dma_wait3A_115] : memref<80x128xi32, #tpu.memory_space<vmem>> -> memref<1x128xi32, #tpu.memory_space<vmem>>
      %dma_wait3A_117 = tpu.memref_squeeze %dma_wait3A_116 : memref<1x128xi32, #tpu.memory_space<vmem>> -> memref<128xi32, #tpu.memory_space<vmem>>
      %dma_wait3A_118 = arith.constant 0 : i32
      %dma_wait3A_119 = arith.constant 0 : i32
      %dma_wait3A_120 = tpu.memref_slice %arg3[%dma_wait3A_118, %dma_wait3A_119] : memref<10240x16xf32, #tpu.memory_space<hbm>> -> memref<10240x16xf32, #tpu.memory_space<hbm>>
      tpu.wait_indirect_dma semaphore(%arg19 : memref<!tpu.dma_semaphore, #tpu.memory_space<semaphore_mem>>) src(%dma_wait3A_120 : memref<10240x16xf32, #tpu.memory_space<hbm>>) dst(%arg12 : memref<128x16xf32, #tpu.memory_space<vmem>>)
      %add3A_121 = arith.constant 1 : i32
      %add3A_122 = arith.addi %add3A_106, %add3A_121 : i32
      %lt3A_123 = arith.constant 80 : i32
      %lt3A_124 = arith.cmpi slt, %add3A_122, %lt3A_123 : i32
      %convert_element_type3A_125 = arith.extui %lt3A_124 : i1 to i32
      %cond3A_126 = arith.constant 0 : i32
      %cond3A_127 = arith.cmpi ne, %convert_element_type3A_125, %cond3A_126 : i32
      scf.if %cond3A_127 {
        %add3A_143 = arith.constant 1 : i32
        %add3A_144 = arith.addi %add3A_106, %add3A_143 : i32
        %dma_start3A_145 = arith.constant 0 : i32
        %dma_start3A_146 = tpu.memref_slice %arg7[%add3A_144, %dma_start3A_145] : memref<80x128xi32, #tpu.memory_space<vmem>> -> memref<1x128xi32, #tpu.memory_space<vmem>>
        %dma_start3A_147 = tpu.memref_squeeze %dma_start3A_146 : memref<1x128xi32, #tpu.memory_space<vmem>> -> memref<128xi32, #tpu.memory_space<vmem>>
        %dma_start3A_148 = arith.constant 0 : i32
        %dma_start3A_149 = arith.constant 0 : i32
        %dma_start3A_150 = tpu.memref_slice %arg2[%dma_start3A_148, %dma_start3A_149] : memref<10240x16xf32, #tpu.memory_space<hbm>> -> memref<10240x16xf32, #tpu.memory_space<hbm>>
        tpu.enqueue_indirect_dma source(%dma_start3A_150 : memref<10240x16xf32, #tpu.memory_space<hbm>>) target(%arg9 : memref<128x16xf32, #tpu.memory_space<vmem>>) offsets(%dma_start3A_147 : memref<128xi32, #tpu.memory_space<vmem>>) semaphore(%arg16 : memref<!tpu.dma_semaphore, #tpu.memory_space<semaphore_mem>>)
        %dma_start3A_151 = arith.constant 0 : i32
        %dma_start3A_152 = tpu.memref_slice %arg8[%add3A_144, %dma_start3A_151] : memref<80x128xi32, #tpu.memory_space<vmem>> -> memref<1x128xi32, #tpu.memory_space<vmem>>
        %dma_start3A_153 = tpu.memref_squeeze %dma_start3A_152 : memref<1x128xi32, #tpu.memory_space<vmem>> -> memref<128xi32, #tpu.memory_space<vmem>>
        %dma_start3A_154 = arith.constant 0 : i32
        %dma_start3A_155 = arith.constant 0 : i32
        %dma_start3A_156 = tpu.memref_slice %arg3[%dma_start3A_154, %dma_start3A_155] : memref<10240x16xf32, #tpu.memory_space<hbm>> -> memref<10240x16xf32, #tpu.memory_space<hbm>>
        tpu.enqueue_indirect_dma source(%dma_start3A_156 : memref<10240x16xf32, #tpu.memory_space<hbm>>) target(%arg11 : memref<128x16xf32, #tpu.memory_space<vmem>>) offsets(%dma_start3A_153 : memref<128xi32, #tpu.memory_space<vmem>>) semaphore(%arg18 : memref<!tpu.dma_semaphore, #tpu.memory_space<semaphore_mem>>)
      } else {
      }
      %ge3A_128 = arith.constant 2 : i32
      %ge3A_129 = arith.cmpi sge, %add3A_106, %ge3A_128 : i32
      %convert_element_type3A_130 = arith.extui %ge3A_129 : i1 to i32
      %cond3A_131 = arith.constant 0 : i32
      %cond3A_132 = arith.cmpi ne, %convert_element_type3A_130, %cond3A_131 : i32
      scf.if %cond3A_132 {
        %dma_wait3A_143 = arith.constant 0 : i32
        %dma_wait3A_144 = arith.constant 0 : i32
        %dma_wait3A_145 = tpu.memref_slice %arg8[%dma_wait3A_143, %dma_wait3A_144] : memref<80x128xi32, #tpu.memory_space<vmem>> -> memref<1x128xi32, #tpu.memory_space<vmem>>
        %dma_wait3A_146 = tpu.memref_squeeze %dma_wait3A_145 : memref<1x128xi32, #tpu.memory_space<vmem>> -> memref<128xi32, #tpu.memory_space<vmem>>
        %dma_wait3A_147 = arith.constant 0 : i32
        %dma_wait3A_148 = arith.constant 0 : i32
        %dma_wait3A_149 = tpu.memref_slice %arg15[%dma_wait3A_147, %dma_wait3A_148] : memref<10240x16xf32, #tpu.memory_space<vmem_shared>> -> memref<10240x16xf32, #tpu.memory_space<vmem_shared>>
        tpu.wait_indirect_dma semaphore(%arg21 : memref<!tpu.dma_semaphore, #tpu.memory_space<semaphore_mem>>) src(%arg14 : memref<128x16xf32, #tpu.memory_space<vmem>>) dst(%dma_wait3A_149 : memref<10240x16xf32, #tpu.memory_space<vmem_shared>>)
      } else {
      }
      %parallel_loop3A_133 = arith.constant 0 : i32
      %parallel_loop3A_134 = arith.constant 128 : i32
      %parallel_loop3A_135 = arith.constant 1 : i32
      scf.for %parallel_loop3A_143 = %parallel_loop3A_133 to %parallel_loop3A_134 step %parallel_loop3A_135  : i32 {
        %parallel_loop3A_144 = arith.index_cast %parallel_loop3A_143 : i32 to index
        %parallel_loop3A_145 = arith.constant 0 : index
        %parallel_loop3A_146 = tpu.vector_load %arg10[%parallel_loop3A_144, %parallel_loop3A_145] {strides = array<i32>} : memref<128x16xf32, #tpu.memory_space<vmem>>, vector<1x16xf32>,
        %parallel_loop3A_147 = vector.shape_cast %parallel_loop3A_146 : vector<1x16xf32> to vector<16xf32>
        %parallel_loop3A_148 = arith.index_cast %parallel_loop3A_143 : i32 to index
        %parallel_loop3A_149 = arith.constant 0 : index
        %parallel_loop3A_150 = tpu.vector_load %arg12[%parallel_loop3A_148, %parallel_loop3A_149] {strides = array<i32>} : memref<128x16xf32, #tpu.memory_space<vmem>>, vector<1x16xf32>,
        %parallel_loop3A_151 = vector.shape_cast %parallel_loop3A_150 : vector<1x16xf32> to vector<16xf32>
        %parallel_loop3A_152 = arith.addf %parallel_loop3A_147, %parallel_loop3A_151 : vector<16xf32>
        %parallel_loop3A_153 = arith.constant 2.000000e-01 : f32
        %parallel_loop3A_154 = vector.broadcast %parallel_loop3A_153 : f32 to vector<16xf32>
        %parallel_loop3A_155 = arith.mulf %parallel_loop3A_154, %parallel_loop3A_152 : vector<16xf32>
        %parallel_loop3A_156 = arith.maximumf %parallel_loop3A_152, %parallel_loop3A_155 : vector<16xf32>
        %parallel_loop3A_157 = math.exp %parallel_loop3A_156 : vector<16xf32>
        %parallel_loop3A_158 = vector.shape_cast %broadcast_in_dim3A_18 : vector<16xi32> to vector<16x1xi32>
        %parallel_loop3A_159 = vector.shape_cast %parallel_loop3A_158 : vector<16x1xi32> to vector<16xi32>
        %parallel_loop3A_160 = tpu.dynamic_gather %parallel_loop3A_157[%parallel_loop3A_159] in [0] : vector<16xf32>, vector<16xi32> -> vector<16xf32>
        %parallel_loop3A_161 = arith.mulf %parallel_loop3A_147, %parallel_loop3A_160 : vector<16xf32>
        %parallel_loop3A_162 = arith.index_cast %parallel_loop3A_143 : i32 to index
        %parallel_loop3A_163 = arith.constant 0 : index
        %parallel_loop3A_164 = tpu.vector_load %arg14[%parallel_loop3A_162, %parallel_loop3A_163] {strides = array<i32>} : memref<128x16xf32, #tpu.memory_space<vmem>>, vector<1x16xf32>,
        %parallel_loop3A_165 = vector.shape_cast %parallel_loop3A_164 : vector<1x16xf32> to vector<16xf32>
        %parallel_loop3A_166 = vector.shape_cast %parallel_loop3A_161 : vector<16xf32> to vector<1x16xf32>
        tpu.vector_store %arg14[%parallel_loop3A_162, %parallel_loop3A_163], %parallel_loop3A_166 {strides = array<i32>} : memref<128x16xf32, #tpu.memory_space<vmem>>, vector<1x16xf32>,
      } {sc.loop_unroll_factor = 8 : i64, sc.parallel_access}
      %dma_start3A_136 = arith.constant 0 : i32
      %dma_start3A_137 = tpu.memref_slice %arg8[%add3A_106, %dma_start3A_136] : memref<80x128xi32, #tpu.memory_space<vmem>> -> memref<1x128xi32, #tpu.memory_space<vmem>>
      %dma_start3A_138 = tpu.memref_squeeze %dma_start3A_137 : memref<1x128xi32, #tpu.memory_space<vmem>> -> memref<128xi32, #tpu.memory_space<vmem>>
      %dma_start3A_139 = arith.constant 0 : i32
      %dma_start3A_140 = arith.constant 0 : i32
      %dma_start3A_141 = tpu.memref_slice %arg15[%dma_start3A_139, %dma_start3A_140] : memref<10240x16xf32, #tpu.memory_space<vmem_shared>> -> memref<10240x16xf32, #tpu.memory_space<vmem_shared>>
      tpu.enqueue_indirect_dma source(%arg14 : memref<128x16xf32, #tpu.memory_space<vmem>>) target(%dma_start3A_141 : memref<10240x16xf32, #tpu.memory_space<vmem_shared>>) offsets(%dma_start3A_138 : memref<128xi32, #tpu.memory_space<vmem>>) semaphore(%arg21 : memref<!tpu.dma_semaphore, #tpu.memory_space<semaphore_mem>>) {add = true}
      %scan3A_142 = arith.constant 0 : i32
      scf.yield %scan3A_142 : i32
    }
    %scan3A_43 = arith.constant 40 : i32
    %dma_wait3A = arith.constant 0 : i32
    %dma_wait3A_44 = arith.constant 0 : i32
    %dma_wait3A_45 = tpu.memref_slice %arg8[%dma_wait3A, %dma_wait3A_44] : memref<80x128xi32, #tpu.memory_space<vmem>> -> memref<1x128xi32, #tpu.memory_space<vmem>>
    %dma_wait3A_46 = tpu.memref_squeeze %dma_wait3A_45 : memref<1x128xi32, #tpu.memory_space<vmem>> -> memref<128xi32, #tpu.memory_space<vmem>>
    %dma_wait3A_47 = arith.constant 0 : i32
    %dma_wait3A_48 = arith.constant 0 : i32
    %dma_wait3A_49 = tpu.memref_slice %arg15[%dma_wait3A_47, %dma_wait3A_48] : memref<10240x16xf32, #tpu.memory_space<vmem_shared>> -> memref<10240x16xf32, #tpu.memory_space<vmem_shared>>
    tpu.wait_indirect_dma semaphore(%arg20 : memref<!tpu.dma_semaphore, #tpu.memory_space<semaphore_mem>>) src(%arg13 : memref<128x16xf32, #tpu.memory_space<vmem>>) dst(%dma_wait3A_49 : memref<10240x16xf32, #tpu.memory_space<vmem_shared>>)
    %dma_wait3A_50 = arith.constant 0 : i32
    %dma_wait3A_51 = arith.constant 0 : i32
    %dma_wait3A_52 = tpu.memref_slice %arg8[%dma_wait3A_50, %dma_wait3A_51] : memref<80x128xi32, #tpu.memory_space<vmem>> -> memref<1x128xi32, #tpu.memory_space<vmem>>
    %dma_wait3A_53 = tpu.memref_squeeze %dma_wait3A_52 : memref<1x128xi32, #tpu.memory_space<vmem>> -> memref<128xi32, #tpu.memory_space<vmem>>
    %dma_wait3A_54 = arith.constant 0 : i32
    %dma_wait3A_55 = arith.constant 0 : i32
    %dma_wait3A_56 = tpu.memref_slice %arg15[%dma_wait3A_54, %dma_wait3A_55] : memref<10240x16xf32, #tpu.memory_space<vmem_shared>> -> memref<10240x16xf32, #tpu.memory_space<vmem_shared>>
    tpu.wait_indirect_dma semaphore(%arg21 : memref<!tpu.dma_semaphore, #tpu.memory_space<semaphore_mem>>) src(%arg14 : memref<128x16xf32, #tpu.memory_space<vmem>>) dst(%dma_wait3A_56 : memref<10240x16xf32, #tpu.memory_space<vmem_shared>>)
    %barrier3A_57 = arith.constant 0 : index
    tpu.barrier barrier_id(%barrier3A_57)
    %mul3A_58 = arith.constant 624 : i32
    %mul3A_59 = arith.muli %arg1, %mul3A_58 : i32
    "tpu.region"() ({
      %run_scoped3A = tpu.sem_alloc : memref<!tpu.dma_semaphore, #tpu.memory_space<semaphore_mem>>
      %dma_start3A_65 = arith.constant 0 : i32
      %dma_start3A_66 = tpu.memref_slice %arg6[%arg0, %mul3A_59, %dma_start3A_65] : memref<2x10000x16xf32, #tpu.memory_space<hbm>> -> memref<1x624x16xf32, #tpu.memory_space<hbm>>
      %dma_start3A_67 = tpu.memref_squeeze %dma_start3A_66 : memref<1x624x16xf32, #tpu.memory_space<hbm>> -> memref<624x16xf32, #tpu.memory_space<hbm>>
      %dma_start3A_68 = arith.constant 0 : i32
      %dma_start3A_69 = tpu.memref_slice %arg15[%mul3A_59, %dma_start3A_68] : memref<10240x16xf32, #tpu.memory_space<vmem_shared>> -> memref<624x16xf32, #tpu.memory_space<vmem_shared>>
      tpu.enqueue_dma source(%dma_start3A_69 : memref<624x16xf32, #tpu.memory_space<vmem_shared>>) target(%dma_start3A_67 : memref<624x16xf32, #tpu.memory_space<hbm>>) target_semaphore(%run_scoped3A : memref<!tpu.dma_semaphore, #tpu.memory_space<semaphore_mem>>)
      %dma_wait3A_70 = arith.constant 0 : i32
      %dma_wait3A_71 = tpu.memref_slice %arg6[%arg0, %mul3A_59, %dma_wait3A_70] : memref<2x10000x16xf32, #tpu.memory_space<hbm>> -> memref<1x624x16xf32, #tpu.memory_space<hbm>>
      %dma_wait3A_72 = tpu.memref_squeeze %dma_wait3A_71 : memref<1x624x16xf32, #tpu.memory_space<hbm>> -> memref<624x16xf32, #tpu.memory_space<hbm>>
      %dma_wait3A_73 = arith.constant 0 : i32
      %dma_wait3A_74 = tpu.memref_slice %arg15[%mul3A_59, %dma_wait3A_73] : memref<10240x16xf32, #tpu.memory_space<vmem_shared>> -> memref<624x16xf32, #tpu.memory_space<vmem_shared>>
      tpu.wait_dma2 semaphore(%run_scoped3A : memref<!tpu.dma_semaphore, #tpu.memory_space<semaphore_mem>>) src(%dma_wait3A_74 : memref<624x16xf32, #tpu.memory_space<vmem_shared>>) dst(%dma_wait3A_72 : memref<624x16xf32, #tpu.memory_space<hbm>>)
      tpu.yield
    }) : () -> ()
    %eq3A_60 = arith.constant 15 : i32
    %eq3A_61 = arith.cmpi eq, %arg1, %eq3A_60 : i32
    %convert_element_type3A_62 = arith.extui %eq3A_61 : i1 to i32
    %cond3A_63 = arith.constant 0 : i32
    %cond3A_64 = arith.cmpi ne, %convert_element_type3A_62, %cond3A_63 : i32
    scf.if %cond3A_64 {
      %add3A_65 = arith.constant 624 : i32
      %add3A_66 = arith.addi %mul3A_59, %add3A_65 : i32
      %add3A_67 = arith.constant 624 : i32
      %add3A_68 = arith.addi %mul3A_59, %add3A_67 : i32
      "tpu.region"() ({
        %run_scoped3A = tpu.sem_alloc : memref<!tpu.dma_semaphore, #tpu.memory_space<semaphore_mem>>
        %dma_start3A_69 = arith.constant 0 : i32
        %dma_start3A_70 = tpu.memref_slice %arg6[%arg0, %add3A_68, %dma_start3A_69] : memref<2x10000x16xf32, #tpu.memory_space<hbm>> -> memref<1x16x16xf32, #tpu.memory_space<hbm>>
        %dma_start3A_71 = tpu.memref_squeeze %dma_start3A_70 : memref<1x16x16xf32, #tpu.memory_space<hbm>> -> memref<16x16xf32, #tpu.memory_space<hbm>>
        %dma_start3A_72 = arith.constant 0 : i32
        %dma_start3A_73 = tpu.memref_slice %arg15[%add3A_66, %dma_start3A_72] : memref<10240x16xf32, #tpu.memory_space<vmem_shared>> -> memref<16x16xf32, #tpu.memory_space<vmem_shared>>
        tpu.enqueue_dma source(%dma_start3A_73 : memref<16x16xf32, #tpu.memory_space<vmem_shared>>) target(%dma_start3A_71 : memref<16x16xf32, #tpu.memory_space<hbm>>) target_semaphore(%run_scoped3A : memref<!tpu.dma_semaphore, #tpu.memory_space<semaphore_mem>>)
        %dma_wait3A_74 = arith.constant 0 : i32
        %dma_wait3A_75 = tpu.memref_slice %arg6[%arg0, %add3A_68, %dma_wait3A_74] : memref<2x10000x16xf32, #tpu.memory_space<hbm>> -> memref<1x16x16xf32, #tpu.memory_space<hbm>>
        %dma_wait3A_76 = tpu.memref_squeeze %dma_wait3A_75 : memref<1x16x16xf32, #tpu.memory_space<hbm>> -> memref<16x16xf32, #tpu.memory_space<hbm>>
        %dma_wait3A_77 = arith.constant 0 : i32
        %dma_wait3A_78 = tpu.memref_slice %arg15[%add3A_66, %dma_wait3A_77] : memref<10240x16xf32, #tpu.memory_space<vmem_shared>> -> memref<16x16xf32, #tpu.memory_space<vmem_shared>>
        tpu.wait_dma2 semaphore(%run_scoped3A : memref<!tpu.dma_semaphore, #tpu.memory_space<semaphore_mem>>) src(%dma_wait3A_78 : memref<16x16xf32, #tpu.memory_space<vmem_shared>>) dst(%dma_wait3A_76 : memref<16x16xf32, #tpu.memory_space<hbm>>)
        tpu.yield
      }) : () -> ()
    } else {
    }
    return
  }
}

module attributes {stable_mosaic.version = 14 : i64} {
  func.func @_dense1_body(%arg0: i32, %arg1: memref<512x128xf32, #tpu.memory_space<vmem>>, %arg2: memref<128x80xf32, #tpu.memory_space<vmem>>, %arg3: memref<128x16xf32, #tpu.memory_space<vmem>>, %arg4: memref<512x80xf32, #tpu.memory_space<vmem>>, %arg5: memref<512x16xf32, #tpu.memory_space<vmem>>) attributes {dimension_semantics = [#tpu.dimension_semantics<arbitrary>], iteration_bounds = array<i64: 20>, scalar_prefetch = 0 : i64, scratch_operands = 0 : i64, tpu.core_type = #tpu.core_type<tc>, window_params = [{transform_indices = @transform_0, window_bounds = array<i64: 512, 128>}, {pipeline_mode = #tpu.pipeline_mode<synchronous>, transform_indices = @transform_1, window_bounds = array<i64: 128, 80>}, {pipeline_mode = #tpu.pipeline_mode<synchronous>, transform_indices = @transform_2, window_bounds = array<i64: 128, 16>}, {transform_indices = @transform_3, window_bounds = array<i64: 512, 80>}, {transform_indices = @transform_4, window_bounds = array<i64: 512, 16>}]} {
    %mul3A = arith.constant 512 : i32
    %mul3A_0 = arith.muli %arg0, %mul3A : i32
    %iota3A = tpu.iota {dimensions = array<i32: 0>} : vector<512x1xi32>
    %add3A = vector.broadcast %mul3A_0 : i32 to vector<512x1xi32>
    %add3A_1 = arith.addi %add3A, %iota3A : vector<512x1xi32>
    %lt3A = arith.constant 10000 : i32
    %lt3A_2 = vector.broadcast %lt3A : i32 to vector<512x1xi32>
    %lt3A_3 = arith.cmpi slt, %add3A_1, %lt3A_2 : vector<512x1xi32>
    %convert_element_type3A = arith.extui %lt3A_3 : vector<512x1xi1> to vector<512x1xi32>
    %convert_element_type3A_4 = arith.sitofp %convert_element_type3A : vector<512x1xi32> to vector<512x1xf32>
    %get3A = arith.constant 0 : index
    %get3A_5 = arith.constant 0 : index
    %get3A_6 = vector.load %arg1[%get3A, %get3A_5] : memref<512x128xf32, #tpu.memory_space<vmem>>, vector<512x128xf32>
    %mul3A_7 = vector.broadcast %convert_element_type3A_4 : vector<512x1xf32> to vector<512x128xf32>
    %mul3A_8 = arith.mulf %get3A_6, %mul3A_7 : vector<512x128xf32>
    %get3A_9 = arith.constant 0 : index
    %get3A_10 = arith.constant 0 : index
    %get3A_11 = vector.load %arg2[%get3A_9, %get3A_10] : memref<128x80xf32, #tpu.memory_space<vmem>>, vector<128x80xf32>
    %dot_general3A = arith.constant dense<0.000000e+00> : vector<512x80xf32>
    %dot_general3A_12 = tpu.matmul %mul3A_8, %get3A_11, %dot_general3A {dimension_numbers = #tpu.dot_dimension_numbers<[1], [0], [0], [1], [0, 0, 1, 1], [], []>, transpose_lhs_hint = false} : vector<512x128xf32>, vector<128x80xf32>, vector<512x80xf32> -> vector<512x80xf32>
    %swap3A = arith.constant 0 : index
    %swap3A_13 = arith.constant 0 : index
    %swap3A_14 = vector.load %arg4[%swap3A, %swap3A_13] : memref<512x80xf32, #tpu.memory_space<vmem>>, vector<512x80xf32>
    tpu.vector_store %arg4[%swap3A, %swap3A_13], %dot_general3A_12 {strides = array<i32>} : memref<512x80xf32, #tpu.memory_space<vmem>>, vector<512x80xf32>,
    %get3A_15 = arith.constant 0 : index
    %get3A_16 = arith.constant 0 : index
    %get3A_17 = vector.load %arg3[%get3A_15, %get3A_16] : memref<128x16xf32, #tpu.memory_space<vmem>>, vector<128x16xf32>
    %dot_general3A_18 = arith.constant dense<0.000000e+00> : vector<512x16xf32>
    %dot_general3A_19 = tpu.matmul %mul3A_8, %get3A_17, %dot_general3A_18 {dimension_numbers = #tpu.dot_dimension_numbers<[1], [0], [0], [1], [0, 0, 1, 1], [], []>, transpose_lhs_hint = false} : vector<512x128xf32>, vector<128x16xf32>, vector<512x16xf32> -> vector<512x16xf32>
    %swap3A_20 = arith.constant 0 : index
    %swap3A_21 = arith.constant 0 : index
    %swap3A_22 = vector.load %arg5[%swap3A_20, %swap3A_21] : memref<512x16xf32, #tpu.memory_space<vmem>>, vector<512x16xf32>
    tpu.vector_store %arg5[%swap3A_20, %swap3A_21], %dot_general3A_19 {strides = array<i32>} : memref<512x16xf32, #tpu.memory_space<vmem>>, vector<512x16xf32>,
    return
  }
  func.func @transform_0(%arg0: i32) -> (i32, i32) {
    %c0_i32 = arith.constant 0 : i32
    %c0_i32_0 = arith.constant 0 : i32
    return %arg0, %c0_i32 : i32, i32
  }
  func.func @transform_1(%arg0: i32) -> (i32, i32) {
    %c0_i32 = arith.constant 0 : i32
    %c0_i32_0 = arith.constant 0 : i32
    %c0_i32_1 = arith.constant 0 : i32
    return %c0_i32, %c0_i32_0 : i32, i32
  }
  func.func @transform_2(%arg0: i32) -> (i32, i32) {
    %c0_i32 = arith.constant 0 : i32
    %c0_i32_0 = arith.constant 0 : i32
    %c0_i32_1 = arith.constant 0 : i32
    return %c0_i32, %c0_i32_0 : i32, i32
  }
  func.func @transform_3(%arg0: i32) -> (i32, i32) {
    %c0_i32 = arith.constant 0 : i32
    %c0_i32_0 = arith.constant 0 : i32
    return %arg0, %c0_i32 : i32, i32
  }
  func.func @transform_4(%arg0: i32) -> (i32, i32) {
    %c0_i32 = arith.constant 0 : i32
    %c0_i32_0 = arith.constant 0 : i32
    return %arg0, %c0_i32 : i32, i32
  }
}

module attributes {stable_mosaic.version = 14 : i64} {
  func.func @_dense2_body(%arg0: i32, %arg1: memref<512x80xf32, #tpu.memory_space<vmem>>, %arg2: memref<512x80xf32, #tpu.memory_space<vmem>>, %arg3: memref<8x64xf32, #tpu.memory_space<vmem>>, %arg4: memref<1x64xf32, #tpu.memory_space<vmem>>, %arg5: memref<64x16xf32, #tpu.memory_space<vmem>>, %arg6: memref<64x16xf32, #tpu.memory_space<vmem>>, %arg7: memref<1x16xf32, #tpu.memory_space<vmem>>, %arg8: memref<512x16xf32, #tpu.memory_space<vmem>>, %arg9: memref<512x16xf32, #tpu.memory_space<vmem>>) attributes {dimension_semantics = [#tpu.dimension_semantics<arbitrary>], iteration_bounds = array<i64: 20>, scalar_prefetch = 0 : i64, scratch_operands = 0 : i64, tpu.core_type = #tpu.core_type<tc>, window_params = [{transform_indices = @transform_0, window_bounds = array<i64: 512, 80>}, {transform_indices = @transform_1, window_bounds = array<i64: 512, 80>}, {pipeline_mode = #tpu.pipeline_mode<synchronous>, transform_indices = @transform_2, window_bounds = array<i64: 8, 64>}, {pipeline_mode = #tpu.pipeline_mode<synchronous>, transform_indices = @transform_3, window_bounds = array<i64: 1, 64>}, {pipeline_mode = #tpu.pipeline_mode<synchronous>, transform_indices = @transform_4, window_bounds = array<i64: 64, 16>}, {pipeline_mode = #tpu.pipeline_mode<synchronous>, transform_indices = @transform_5, window_bounds = array<i64: 64, 16>}, {pipeline_mode = #tpu.pipeline_mode<synchronous>, transform_indices = @transform_6, window_bounds = array<i64: 1, 16>}, {transform_indices = @transform_7, window_bounds = array<i64: 512, 16>}, {transform_indices = @transform_8, window_bounds = array<i64: 512, 16>}]} {
    %mul3A = arith.constant 512 : i32
    %mul3A_0 = arith.muli %arg0, %mul3A : i32
    %iota3A = tpu.iota {dimensions = array<i32: 0>} : vector<512x1xi32>
    %add3A = vector.broadcast %mul3A_0 : i32 to vector<512x1xi32>
    %add3A_1 = arith.addi %add3A, %iota3A : vector<512x1xi32>
    %lt3A = arith.constant 10000 : i32
    %lt3A_2 = vector.broadcast %lt3A : i32 to vector<512x1xi32>
    %lt3A_3 = arith.cmpi slt, %add3A_1, %lt3A_2 : vector<512x1xi32>
    %convert_element_type3A = arith.extui %lt3A_3 : vector<512x1xi1> to vector<512x1xi32>
    %convert_element_type3A_4 = arith.sitofp %convert_element_type3A : vector<512x1xi32> to vector<512x1xf32>
    %get3A = arith.constant 0 : index
    %get3A_5 = arith.constant 0 : index
    %get3A_6 = vector.load %arg1[%get3A, %get3A_5] : memref<512x80xf32, #tpu.memory_space<vmem>>, vector<512x80xf32>
    %get3A_7 = arith.constant 0 : index
    %get3A_8 = arith.constant 0 : index
    %get3A_9 = vector.load %arg2[%get3A_7, %get3A_8] : memref<512x80xf32, #tpu.memory_space<vmem>>, vector<512x80xf32>
    %add3A_10 = arith.addf %get3A_6, %get3A_9 : vector<512x80xf32>
    %mul3A_11 = vector.broadcast %convert_element_type3A_4 : vector<512x1xf32> to vector<512x80xf32>
    %mul3A_12 = arith.mulf %add3A_10, %mul3A_11 : vector<512x80xf32>
    %slice3A = vector.extract_strided_slice %mul3A_12 {offsets = [0, 0], sizes = [512, 64], strides = [1, 1]} : vector<512x80xf32> to vector<512x64xf32>
    %slice3A_13 = vector.extract_strided_slice %mul3A_12 {offsets = [0, 64], sizes = [512, 8], strides = [1, 1]} : vector<512x80xf32> to vector<512x8xf32>
    %add3A_14 = arith.constant 1.000000e-16 : f32
    %add3A_15 = vector.broadcast %add3A_14 : f32 to vector<512x8xf32>
    %add3A_16 = arith.addf %slice3A_13, %add3A_15 : vector<512x8xf32>
    %div3A = arith.constant 1.000000e+00 : f32
    %div3A_17 = vector.broadcast %div3A : f32 to vector<512x8xf32>
    %div3A_18 = arith.divf %div3A_17, %add3A_16 : vector<512x8xf32>
    %get3A_19 = arith.constant 0 : index
    %get3A_20 = arith.constant 0 : index
    %get3A_21 = vector.load %arg3[%get3A_19, %get3A_20] : memref<8x64xf32, #tpu.memory_space<vmem>>, vector<8x64xf32>
    %dot_general3A = arith.constant dense<0.000000e+00> : vector<512x64xf32>
    %dot_general3A_22 = tpu.matmul %div3A_18, %get3A_21, %dot_general3A {dimension_numbers = #tpu.dot_dimension_numbers<[1], [0], [0], [1], [0, 0, 1, 1], [], []>, transpose_lhs_hint = false} : vector<512x8xf32>, vector<8x64xf32>, vector<512x64xf32> -> vector<512x64xf32>
    %mul3A_23 = arith.mulf %slice3A, %dot_general3A_22 : vector<512x64xf32>
    %get3A_24 = arith.constant 0 : index
    %get3A_25 = arith.constant 0 : index
    %get3A_26 = vector.load %arg4[%get3A_24, %get3A_25] : memref<1x64xf32, #tpu.memory_space<vmem>>, vector<1x64xf32>
    %add3A_27 = vector.broadcast %get3A_26 : vector<1x64xf32> to vector<512x64xf32>
    %add3A_28 = arith.addf %mul3A_23, %add3A_27 : vector<512x64xf32>
    %mul3A_29 = vector.broadcast %convert_element_type3A_4 : vector<512x1xf32> to vector<512x64xf32>
    %mul3A_30 = arith.mulf %add3A_28, %mul3A_29 : vector<512x64xf32>
    %gt3A = arith.constant 0.000000e+00 : f32
    %gt3A_31 = vector.broadcast %gt3A : f32 to vector<512x64xf32>
    %gt3A_32 = arith.cmpf ogt, %mul3A_30, %gt3A_31 : vector<512x64xf32>
    %min3A = arith.constant 0.000000e+00 : f32
    %min3A_33 = vector.broadcast %min3A : f32 to vector<512x64xf32>
    %min3A_34 = arith.minimumf %mul3A_30, %min3A_33 : vector<512x64xf32>
    %exp3A = math.exp %min3A_34 : vector<512x64xf32>
    %sub3A = arith.constant 1.000000e+00 : f32
    %sub3A_35 = vector.broadcast %sub3A : f32 to vector<512x64xf32>
    %sub3A_36 = arith.subf %exp3A, %sub3A_35 : vector<512x64xf32>
    %select_n3A = arith.select %gt3A_32, %mul3A_30, %sub3A_36 : vector<512x64xi1>, vector<512x64xf32>
    %get3A_37 = arith.constant 0 : index
    %get3A_38 = arith.constant 0 : index
    %get3A_39 = vector.load %arg5[%get3A_37, %get3A_38] : memref<64x16xf32, #tpu.memory_space<vmem>>, vector<64x16xf32>
    %dot_general3A_40 = arith.constant dense<0.000000e+00> : vector<512x16xf32>
    %dot_general3A_41 = tpu.matmul %select_n3A, %get3A_39, %dot_general3A_40 {dimension_numbers = #tpu.dot_dimension_numbers<[1], [0], [0], [1], [0, 0, 1, 1], [], []>, transpose_lhs_hint = false} : vector<512x64xf32>, vector<64x16xf32>, vector<512x16xf32> -> vector<512x16xf32>
    %get3A_42 = arith.constant 0 : index
    %get3A_43 = arith.constant 0 : index
    %get3A_44 = vector.load %arg7[%get3A_42, %get3A_43] : memref<1x16xf32, #tpu.memory_space<vmem>>, vector<1x16xf32>
    %add3A_45 = vector.broadcast %get3A_44 : vector<1x16xf32> to vector<512x16xf32>
    %add3A_46 = arith.addf %dot_general3A_41, %add3A_45 : vector<512x16xf32>
    %swap3A = arith.constant 0 : index
    %swap3A_47 = arith.constant 0 : index
    %swap3A_48 = vector.load %arg8[%swap3A, %swap3A_47] : memref<512x16xf32, #tpu.memory_space<vmem>>, vector<512x16xf32>
    tpu.vector_store %arg8[%swap3A, %swap3A_47], %add3A_46 {strides = array<i32>} : memref<512x16xf32, #tpu.memory_space<vmem>>, vector<512x16xf32>,
    %get3A_49 = arith.constant 0 : index
    %get3A_50 = arith.constant 0 : index
    %get3A_51 = vector.load %arg6[%get3A_49, %get3A_50] : memref<64x16xf32, #tpu.memory_space<vmem>>, vector<64x16xf32>
    %dot_general3A_52 = arith.constant dense<0.000000e+00> : vector<512x16xf32>
    %dot_general3A_53 = tpu.matmul %select_n3A, %get3A_51, %dot_general3A_52 {dimension_numbers = #tpu.dot_dimension_numbers<[1], [0], [0], [1], [0, 0, 1, 1], [], []>, transpose_lhs_hint = false} : vector<512x64xf32>, vector<64x16xf32>, vector<512x16xf32> -> vector<512x16xf32>
    %swap3A_54 = arith.constant 0 : index
    %swap3A_55 = arith.constant 0 : index
    %swap3A_56 = vector.load %arg9[%swap3A_54, %swap3A_55] : memref<512x16xf32, #tpu.memory_space<vmem>>, vector<512x16xf32>
    tpu.vector_store %arg9[%swap3A_54, %swap3A_55], %dot_general3A_53 {strides = array<i32>} : memref<512x16xf32, #tpu.memory_space<vmem>>, vector<512x16xf32>,
    return
  }
  func.func @transform_0(%arg0: i32) -> (i32, i32) {
    %c0_i32 = arith.constant 0 : i32
    %c0_i32_0 = arith.constant 0 : i32
    return %arg0, %c0_i32 : i32, i32
  }
  func.func @transform_1(%arg0: i32) -> (i32, i32) {
    %c0_i32 = arith.constant 0 : i32
    %c0_i32_0 = arith.constant 0 : i32
    return %arg0, %c0_i32 : i32, i32
  }
  func.func @transform_2(%arg0: i32) -> (i32, i32) {
    %c0_i32 = arith.constant 0 : i32
    %c0_i32_0 = arith.constant 0 : i32
    %c0_i32_1 = arith.constant 0 : i32
    return %c0_i32, %c0_i32_0 : i32, i32
  }
  func.func @transform_3(%arg0: i32) -> (i32, i32) {
    %c0_i32 = arith.constant 0 : i32
    %c0_i32_0 = arith.constant 0 : i32
    %c0_i32_1 = arith.constant 0 : i32
    return %c0_i32, %c0_i32_0 : i32, i32
  }
  func.func @transform_4(%arg0: i32) -> (i32, i32) {
    %c0_i32 = arith.constant 0 : i32
    %c0_i32_0 = arith.constant 0 : i32
    %c0_i32_1 = arith.constant 0 : i32
    return %c0_i32, %c0_i32_0 : i32, i32
  }
  func.func @transform_5(%arg0: i32) -> (i32, i32) {
    %c0_i32 = arith.constant 0 : i32
    %c0_i32_0 = arith.constant 0 : i32
    %c0_i32_1 = arith.constant 0 : i32
    return %c0_i32, %c0_i32_0 : i32, i32
  }
  func.func @transform_6(%arg0: i32) -> (i32, i32) {
    %c0_i32 = arith.constant 0 : i32
    %c0_i32_0 = arith.constant 0 : i32
    %c0_i32_1 = arith.constant 0 : i32
    return %c0_i32, %c0_i32_0 : i32, i32
  }
  func.func @transform_7(%arg0: i32) -> (i32, i32) {
    %c0_i32 = arith.constant 0 : i32
    %c0_i32_0 = arith.constant 0 : i32
    return %arg0, %c0_i32 : i32, i32
  }
  func.func @transform_8(%arg0: i32) -> (i32, i32) {
    %c0_i32 = arith.constant 0 : i32
    %c0_i32_0 = arith.constant 0 : i32
    return %arg0, %c0_i32 : i32, i32
  }
}

module attributes {stable_mosaic.version = 14 : i64} {
  func.func @_dense3_body(%arg0: i32, %arg1: memref<512x16xf32, #tpu.memory_space<vmem>>, %arg2: memref<512x16xf32, #tpu.memory_space<vmem>>, %arg3: memref<1x7xf32, #tpu.memory_space<vmem>>, %arg4: memref<512x7xf32, #tpu.memory_space<vmem>>) attributes {dimension_semantics = [#tpu.dimension_semantics<arbitrary>], iteration_bounds = array<i64: 20>, scalar_prefetch = 0 : i64, scratch_operands = 0 : i64, tpu.core_type = #tpu.core_type<tc>, window_params = [{transform_indices = @transform_0, window_bounds = array<i64: 512, 16>}, {transform_indices = @transform_1, window_bounds = array<i64: 512, 16>}, {pipeline_mode = #tpu.pipeline_mode<synchronous>, transform_indices = @transform_2, window_bounds = array<i64: 1, 7>}, {transform_indices = @transform_3, window_bounds = array<i64: 512, 7>}]} {
    %get3A = arith.constant 0 : index
    %get3A_0 = arith.constant 0 : index
    %get3A_1 = vector.load %arg1[%get3A, %get3A_0] : memref<512x16xf32, #tpu.memory_space<vmem>>, vector<512x16xf32>
    %get3A_2 = arith.constant 0 : index
    %get3A_3 = arith.constant 0 : index
    %get3A_4 = vector.load %arg2[%get3A_2, %get3A_3] : memref<512x16xf32, #tpu.memory_space<vmem>>, vector<512x16xf32>
    %add3A = arith.addf %get3A_1, %get3A_4 : vector<512x16xf32>
    %slice3A = vector.extract_strided_slice %add3A {offsets = [0, 0], sizes = [512, 7], strides = [1, 1]} : vector<512x16xf32> to vector<512x7xf32>
    %slice3A_5 = vector.extract_strided_slice %add3A {offsets = [0, 7], sizes = [512, 1], strides = [1, 1]} : vector<512x16xf32> to vector<512x1xf32>
    %add3A_6 = arith.constant 1.000000e-16 : f32
    %add3A_7 = vector.broadcast %add3A_6 : f32 to vector<512x1xf32>
    %add3A_8 = arith.addf %slice3A_5, %add3A_7 : vector<512x1xf32>
    %div3A = vector.broadcast %add3A_8 : vector<512x1xf32> to vector<512x7xf32>
    %div3A_9 = arith.divf %slice3A, %div3A : vector<512x7xf32>
    %get3A_10 = arith.constant 0 : index
    %get3A_11 = arith.constant 0 : index
    %get3A_12 = vector.load %arg3[%get3A_10, %get3A_11] : memref<1x7xf32, #tpu.memory_space<vmem>>, vector<1x7xf32>
    %add3A_13 = vector.broadcast %get3A_12 : vector<1x7xf32> to vector<512x7xf32>
    %add3A_14 = arith.addf %div3A_9, %add3A_13 : vector<512x7xf32>
    %reduce_max3A = arith.constant dense<0xFF800000> : vector<512xf32>
    %reduce_max3A_15 = vector.multi_reduction <maximumf>, %add3A_14, %reduce_max3A [1] : vector<512x7xf32> to vector<512xf32>
    %broadcast_in_dim3A = vector.shape_cast %reduce_max3A_15 : vector<512xf32> to vector<512x1xf32>
    %sub3A = vector.broadcast %broadcast_in_dim3A : vector<512x1xf32> to vector<512x7xf32>
    %sub3A_16 = arith.subf %add3A_14, %sub3A : vector<512x7xf32>
    %exp3A = math.exp %sub3A_16 : vector<512x7xf32>
    %reduce_sum3A = arith.constant dense<0.000000e+00> : vector<512xf32>
    %reduce_sum3A_17 = vector.multi_reduction <add>, %exp3A, %reduce_sum3A [1] : vector<512x7xf32> to vector<512xf32>
    %broadcast_in_dim3A_18 = vector.shape_cast %reduce_sum3A_17 : vector<512xf32> to vector<512x1xf32>
    %log3A = math.log %broadcast_in_dim3A_18 : vector<512x1xf32>
    %sub3A_19 = vector.broadcast %log3A : vector<512x1xf32> to vector<512x7xf32>
    %sub3A_20 = arith.subf %sub3A_16, %sub3A_19 : vector<512x7xf32>
    %swap3A = arith.constant 0 : index
    %swap3A_21 = arith.constant 0 : index
    %swap3A_22 = vector.load %arg4[%swap3A, %swap3A_21] : memref<512x7xf32, #tpu.memory_space<vmem>>, vector<512x7xf32>
    tpu.vector_store %arg4[%swap3A, %swap3A_21], %sub3A_20 {strides = array<i32>} : memref<512x7xf32, #tpu.memory_space<vmem>>, vector<512x7xf32>,
    return
  }
  func.func @transform_0(%arg0: i32) -> (i32, i32) {
    %c0_i32 = arith.constant 0 : i32
    %c0_i32_0 = arith.constant 0 : i32
    return %arg0, %c0_i32 : i32, i32
  }
  func.func @transform_1(%arg0: i32) -> (i32, i32) {
    %c0_i32 = arith.constant 0 : i32
    %c0_i32_0 = arith.constant 0 : i32
    return %arg0, %c0_i32 : i32, i32
  }
  func.func @transform_2(%arg0: i32) -> (i32, i32) {
    %c0_i32 = arith.constant 0 : i32
    %c0_i32_0 = arith.constant 0 : i32
    %c0_i32_1 = arith.constant 0 : i32
    return %c0_i32, %c0_i32_0 : i32, i32
  }
  func.func @transform_3(%arg0: i32) -> (i32, i32) {
    %c0_i32 = arith.constant 0 : i32
    %c0_i32_0 = arith.constant 0 : i32
    return %arg0, %c0_i32 : i32, i32
  }
}

</mosaic_0001>

<sc_bundles>
// kernel: kernel.10.cloned.1.call-start
scs
__scs_entry_jumppad:
0x0: {  	(pc) =	sbr.rel $0x88, $3  }
0x1: {  	(tag) =	ssettag $0x0;
	lr =	simm.s32 $0x1  }
0x2: {  	[smem:$0x3F97] =	sst lr;
	_ =	strace $0xD0000000  }
0x3: {  	_ = 	snop  }
0x4: {  	_ = 	snop  }
0x5: {  	_ = 	snop  }
0x6: {  	_ = 	snop  }
0x7: {  	_ = 	snop  }
__scs_overlays_trampoline_lowered:
0x8: {  	[smem:$0x3FA6] =	sst s0  }
0x9: {  	[smem:$0x3FA7] =	sst s1  }
0xa: {  	[smem:$0x3FA8] =	sst s2  }
0xb: {  	[smem:$0x3FA9] =	sst s3  }
0xc: {  	[smem:$0x3FAA] =	sst s4  }
0xd: {  	[smem:$0x3FAB] =	sst s5  }
0xe: {  	[smem:$0x3FAC] =	sst s6  }
0xf: {  	[smem:$0x3FAD] =	sst s7  }
0x10: {  	[smem:$0x3FAE] =	sst s8  }
0x11: {  	[smem:$0x3FAF] =	sst s9;
	s0 =	simm.s32 @!p0 $0x0  }
0x12: {  	s1 =	sld [smem:$0x3F95];
	s0 =	simm.s32 @p0 $0x1  }
0x13: {  	[smem:$0x3FB0] =	sst s0;
	s0 =	simm.s32 @!p1 $0x0  }
0x14: {  	s2 =	sld [smem:$0x3F94];
	s0 =	simm.s32 @p1 $0x1  }
0x15: {  	[smem:$0x3FB1] =	sst s0;
	s0 =	simm.s32 @!p2 $0x0  }
0x16: {  	s3 =	sld [smem:$0x3FDB];
	s0 =	simm.s32 @p2 $0x1  }
0x17: {  	s4 =	simm.s32 $0x1BF5;
	[smem:$0x3FB3] =	sst s0  }
0x18: {  	s0 =	sld [smem:$0x3F96];
	_ =	swait.ge [sflag:s4], $0x0  }
0x19: {  	s7 =	sld [smem:$0x3F97]  }
0x1a: {  	s8 =	sadd.s32 $0xFFFFE003, lr  }
0x1b: {  	s9 =	sadd.s32 $0xFFFFFEF7, lr;
	s5 =	simm.s32 $0xFFFFFFFF;
	p2 =	slt.u32 s8, $0xFFFFF086  }
0x1c: {  	p1 =	slt.u32 s9, $0xF7A;
	s5 =	simm.s32 @!p2 $0x0  }
0x1d: {  	s5 =	simm.s32 @p1 $0x1;
	p0 =	seq.s32 s7, s2  }
0x1e: {  	s7 =	smul.u32 @!p0 $0xF7A, s2;
	p2 =	seq.s32 @!p0 s5, $0x0  }
0x1f: {  	s9 =	smul.u32 $0xF7A, s1;
	s8 =	simm.s32 @!p0 $0x1BF5;
	p2 =	por !p2, p0  }
0x20: {  	[sflag:s8] =	ssyncset.s32 @!p0 $0xFFFFF086;
	s6 =	sadd.s32 @!p0 s3, s7;
	s7 =	simm.s32 @!p0 $0x108  }
0x21: {  	s3 =	sadd.s32 s3, s9;
	s6 =	sadd.s32 @!p0 $0x88, s6;
	s7 =	simm.s32 @p2 $0x1082  }
0x22: {  	[simem:s7], [sflag:s8] =	dma.local @!p0 [hbm:s6], $0xF7A  }
0x23: {  	s9 =	sor.u32 $0xD0000000, s2;
	s6 =	simm.s32 $0x108;
	_ =	swait.ge @!p0 [sflag:s8], $0x0  }
0x24: {  	s3 =	sadd.s32 $0x88, s3;
	s6 =	simm.s32 @!p1 $0x1082;
	[sflag:s4] =	ssyncset.s32 $0xFFFFF086  }
0x25: {  	[simem:s6], [sflag:s4] =	dma.local [hbm:s3], $0xF7A  }
0x26: {  	[smem:$0x3F97] =	sst s1;
	(tag) =	ssettag s2;
	_ =	strace s9  }
0x27: {  	s1 =	sld [smem:$0x3FA7]  }
0x28: {  	s2 =	sld [smem:$0x3FA8]  }
0x29: {  	s4 =	sld [smem:$0x3FAA]  }
0x2a: {  	p0 =	seq.s32 s5, $0x0;
	s5 =	sld [smem:$0x3FAB]  }
0x2b: {  	s6 =	sld [smem:$0x3FAC]  }
0x2c: {  	s7 =	sld [smem:$0x3FAD]  }
0x2d: {  	s3 =	simm.s32 $0x108;
	s8 =	sld [smem:$0x3FAE]  }
0x2e: {  	s3 =	simm.s32 @!p0 $0x1082;
	s9 =	sld [smem:$0x3FAF]  }
0x2f: {  	lr =	sadd.s32 s0, s3;
	s0 =	sld [smem:$0x3FA6]  }
0x30: {  	s3 =	sld [smem:$0x3FA9]  }
0x31: {  	[smem:$0x3FB2] =	sst s10  }
0x32: {  	s10 =	sld [smem:$0x3FB0];
	_ =	sdelay $0x3  }
0x33: {  	p0 =	seq.s32 s10, $0x1;
	s10 =	sld [smem:$0x3FB2];
	_ =	sdelay $0x3  }
0x34: {  	[smem:$0x3FB2] =	sst s10  }
0x35: {  	s10 =	sld [smem:$0x3FB1];
	_ =	sdelay $0x3  }
0x36: {  	p1 =	seq.s32 s10, $0x1;
	s10 =	sld [smem:$0x3FB2];
	_ =	sdelay $0x3  }
0x37: {  	[smem:$0x3FB2] =	sst s10  }
0x38: {  	s10 =	sld [smem:$0x3FB3]  }
0x39: {  	_ = 	snop;
	(pc) =	sbr.ind lr, $3  }
0x3a: {  	_ = 	snop  }
0x3b: {  	_ = 	snop  }
0x3c: {  	p2 =	seq.s32 s10, $0x1;
	s10 =	sld [smem:$0x3FB2]  }
0x3d: {  	_ =	shalt  }
0x3e: {  	_ =	shalt  }
0x3f: {  	_ =	shalt  }
0x40: {  	_ =	shalt  }
0x41: {  	_ =	shalt  }
0x42: {  	_ =	shalt  }
0x43: {  	_ =	shalt  }
0x44: {  	_ =	shalt  }
0x45: {  	_ =	shalt  }
0x46: {  	_ =	shalt  }
0x47: {  	_ =	shalt  }
0x48: {  	_ =	shalt  }
0x49: {  	_ =	shalt  }
0x4a: {  	_ =	shalt  }
0x4b: {  	_ =	shalt  }
0x4c: {  	_ =	shalt  }
0x4d: {  	_ =	shalt  }
0x4e: {  	_ =	shalt  }
0x4f: {  	_ =	shalt  }
0x50: {  	_ =	shalt  }
0x51: {  	_ =	shalt  }
0x52: {  	_ =	shalt  }
0x53: {  	_ =	shalt  }
0x54: {  	_ =	shalt  }
0x55: {  	_ =	shalt  }
0x56: {  	_ =	shalt  }
0x57: {  	_ =	shalt  }
0x58: {  	_ =	shalt  }
0x59: {  	_ =	shalt  }
0x5a: {  	_ =	shalt  }
0x5b: {  	_ =	shalt  }
0x5c: {  	_ =	shalt  }
0x5d: {  	_ =	shalt  }
0x5e: {  	_ =	shalt  }
0x5f: {  	_ =	shalt  }
0x60: {  	_ =	shalt  }
0x61: {  	_ =	shalt  }
0x62: {  	_ =	shalt  }
0x63: {  	_ =	shalt  }
0x64: {  	_ =	shalt  }
0x65: {  	_ =	shalt  }
0x66: {  	_ =	shalt  }
0x67: {  	_ =	shalt  }
0x68: {  	_ =	shalt  }
0x69: {  	_ =	shalt  }
0x6a: {  	_ =	shalt  }
0x6b: {  	_ =	shalt  }
0x6c: {  	_ =	shalt  }
0x6d: {  	_ =	shalt  }
0x6e: {  	_ =	shalt  }
0x6f: {  	_ =	shalt  }
0x70: {  	_ =	shalt  }
0x71: {  	_ =	shalt  }
0x72: {  	_ =	shalt  }
0x73: {  	_ =	shalt  }
0x74: {  	_ =	shalt  }
0x75: {  	_ =	shalt  }
0x76: {  	_ =	shalt  }
0x77: {  	_ =	shalt  }
0x78: {  	_ =	shalt  }
0x79: {  	_ =	shalt  }
0x7a: {  	_ =	shalt  }
0x7b: {  	_ =	shalt  }
0x7c: {  	_ =	shalt  }
0x7d: {  	_ =	shalt  }
0x7e: {  	_ =	shalt  }
0x7f: {  	_ =	shalt  }
0x80: {  	_ =	shalt  }
0x81: {  	_ =	shalt  }
0x82: {  	_ =	shalt  }
0x83: {  	_ =	shalt  }
0x84: {  	_ =	shalt  }
0x85: {  	_ =	shalt  }
0x86: {  	_ =	shalt  }
0x87: {  	_ =	shalt  }
.Lfunc_end0:
.L_simem_size_0:
called_computation.1_lowered:
.L_overlay_start_0:
0x88: {  	s2 =	sld [smem:$0x3FD9]  }
0x89: {  	s3 =	sld [smem:$0x3FFE];
	_ =	sdelay $0x1  }
0x8a: {  	s1 =	srdreg.scid  }
0x8b: {  	s0 =	sand.u32 $0x1, s1  }
0x8c: {  	s16 =	sshll.u32 s0, $0xA;
	s2 =	sadd.s32 s3, s2  }
0x8d: {  	s2 =	sadd.s32 s2, s16  }
0x8e: {  	[smem:$0x3FBE] =	sst s2  }
0x8f: {  	_ = 	snop  }
0x90: {  	(tm) =	ssettm $0x1  }
0x91: {  	s17 =	sld [smem:$0x3FFB];
	_ =	sdelay $0x3  }
0x92: {  	_ =	strace s17  }
0x93: {  	s2 =	sld [smem:$0x3FFC];
	_ =	sdelay $0x3  }
0x94: {  	_ =	strace s2  }
0x95: {  	s2 =	sld [smem:$0x3FFD];
	_ =	sdelay $0x3  }
0x96: {  	_ =	strace s2  }
0x97: {  	_ =	strace $0x8FFFFFFF  }
0x98: {  	s18 =	sld [smem:$0x3FDB];
	_ =	sdelay $0x1  }
0x99: {  	s19 =	simm.s32 $_scs_section_size  }
0x9a: {  	s4 =	simm.s32 $_size__tile_overlayer_lowered;
	s5 =	simm.s32 $_tile_overlayer_lowered  }
0x9b: {  	s22 =	simm.s32 $0x1BFF;
	s21 =	sshll.u32 s5, $0x1;
	s2 =	sadd.s32 s19, s18  }
0x9c: {  	s6 =	simm.s32 $0x0;
	s20 =	sshll.u32 s4, $0x1;
	s4 =	sadd.s32 s21, s2  }
0x9d: {  	[timem:s6], [sflag:s22] =	dma.local [hbm:s4], s20  }
0x9e: {  	_ =	swait.ge [sflag:s22], s20  }
0x9f: {  	s3 =	ssub.s32 $0x0, s20;
	[sflag:s22] =	ssyncset.done $0x0  }
0xa0: {  	[sflag:s22] =	ssyncadd.s32 s3;
	_ =	sdelay $0x1  }
0xa1: {  	s23 =	simm.s32 $0x1B8B  }
0xa2: {  	_ =	swait.ge [sflag:s23], $0x1  }
0xa3: {  	[sflag:s23] =	ssyncset.done $0x0  }
0xa4: {  	s25 =	simm.s32 $0x1B8E;
	s24 =	sld [smem:$0x3FFE];
	[sflag:s23] =	ssyncadd.s32 $0xFFFFFFFF  }
0xa5: {  	s26 =	simm.s32 $execute0_lowered;
	[smem:$0x3FD2] =	sst s25  }
0xa6: {  	s4 =	sshll.u32 s26, $0x1;
	_ =	strace $0x80000049;
	[dreg:$0x1] =	wrdreg $0xFFFFFFFF  }
0xa7: {  	s28 =	simm.s32 $_size_execute0_lowered;
	s2 =	sadd.s32 s2, s4;
	[dreg:$0x0] =	wrdreg $0x0  }
0xa8: {  	s4 =	sshll.u32 s28, $0x1;
	[dreg:$0x2] =	wrdreg s2  }
0xa9: {  	[dreg:$0x3] =	wrdreg s4  }
0xaa: {  	[dreg:$0x4] =	wrdreg $0xC0  }
0xab: {  	_ =	task [dreg:s6], $0x5FFFF  }
0xac: {  	[dreg:$0x1] =	wrdreg $0xFFFFFFFF  }
0xad: {  	[dreg:$0x0] =	wrdreg $0x60  }
0xae: {  	[dreg:$0x2] =	wrdreg s24  }
0xaf: {  	[dreg:$0x3] =	wrdreg $0x80000  }
0xb0: {  	[dreg:$0x4] =	wrdreg $0x9  }
0xb1: {  	_ =	task.clear_ibuf [dreg:s6], $0x5FFFF;
	_ =	strace $0x90000049  }
0xb2: {  	s29 =	simm.s32 $0x9;
	_ =	strace $0x8000004B  }
0xb3: {  	_ =	swait.ge [sflag:s29], $0x1  }
0xb4: {  	[sflag:s29] =	ssyncadd.s32 $0xFFFFFFFF  }
0xb5: {  	_ =	strace $0x9000004B  }
0xb6: {  	_ =	sfence  }
0xb7: {  	s30 =	sld [smem:$0x0];
	_ =	sdelay $0x2  }
0xb8: {  	s31 =	sshll.u32 s1, $0xD;
	s1 =	sshrl.u32 s1, $0x2  }
0xb9: {  	s3 =	sand.u32 $0x4000, s31;
	s1 =	sadd.s32 s1, s30  }
0xba: {  	s0 =	sor.u32 s3, s0;
	s1 =	sshll.u32 s1, $0x11  }
0xbb: {  	s0 =	sor.u32 s1, s0  }
0xbc: {  	s0 =	sadd.s32 $0x8F2B, s0  }
0xbd: {  	[sflag:s0] =	ssyncadd.remote.s32 $0x1  }
0xbe: {  	_ =	sfence.sel $0xFFFF  }
0xbf: {  	[dreg:$0x0] =	wrdreg $0xFFFFFFFF;
	(pc) =	sbr.abs _section_cstart, $3  }
0xc0: {  	[dreg:$0x1] =	wrdreg $0xFFFFFFFF  }
0xc1: {  	_ =	task.clear_ibuf [dreg:s6], $0x2FFFF;
	_ =	strace $0x9FFFFFFF  }
0xc2: {  	(tm) =	ssettm $0x7FFFFFFF  }
0xc3: {  	_ =	shalt  }
tec
execute0_lowered:
.L_overlay_start_1:
0x0: {  	(tag) =	ssettag $0x1  }
0x1: {  	s0 =	rddreg [dreg:$0x0]  }
0x2: {  	s1 =	srdreg.scid;
	s12 =	stileid.u32  }
0x3: {  	s2 =	rddreg [dreg:$0x1];
	s3 =	simm.s32 $0x0;
	s18 =	simm.s32 $0x7000  }
0x4: {  	s19 =	simm.s32 $0x7;
	s21 =	simm.s32 $0x80;
	s28 =	simm.s32 $0x6800  }
0x5: {  	s29 =	simm.s32 $0x2;
	s30 =	simm.s32 $0x4;
	s31 =	simm.s32 $0x7800  }
0x6: {  	s1 =	sand.u32 $0x1, s1;
	s4 =	sshll.u32 s12, $0x1;
	s7 =	smul.u32 $0x9C00, s12  }
0x7: {  	[smem:$0x7FF] =	sst s3;
	s5 =	sadd.s32 $0x6600, s0;
	s10 =	smul.u32 $0x2700, s12  }
0x8: {  	s25 =	sadd.s32 $0x27800, s2;
	p0 =	sne.s32 s12, $0xF;
	s4 =	sor.u32 s1, s4  }
0x9: {  	_ =	strace $0x8000004A;
	s22 =	ssub.s32 $0x2, s1;
	s1 =	smul.u32 $0x27100, s1  }
0xa: {  	[dreg:$0x7] =	wrdreg s25;
	s25 =	simm.s32 $0x3;
	s6 =	smul.u32 $0x500, s4  }
0xb: {  	s4 =	sadd.s32 $0x1600, s0;
	s9 =	sshrl.u32 s22, $0x1;
	s7 =	sshrl.u32 s7, $0x2  }
0xc: {  	s9 =	ssub.s32 s22, s9;
	s7 =	sadd.s32 s7, s2;
	s26 =	sadd.s32 s10, s1  }
0xd: {  	s1 =	sshrl.u32 s1, $0x3;
	s22 =	simm.s32 $0x6;
	s11 =	sadd.s32 $0x800, s7  }
0xe: {  	s8 =	sadd.s32 s6, s0;
	s23 =	sadd.s32 $0x1000, s7;
	[dreg:$0x3] =	wrdreg s11  }
0xf: {  	s0 =	sadd.s32 $0xB600, s0;
	s24 =	sadd.s32 $0x1800, s7;
	[dreg:$0x4] =	wrdreg s23  }
0x10: {  	s6 =	sadd.s32 s10, s2;
	s7 =	sadd.s32 $0x2000, s7;
	[dreg:$0x5] =	wrdreg s24  }
0x11: {  	s17 =	smax.u32 s9, $0x1;
	[dreg:$0x6] =	wrdreg s7;
	s11 =	sadd.s32 $0x27000, s2  }
0x12: {  	s13 =	sadd.s32 $0x29600, s8;
	s7 =	sshrl.u32 s26, $0x3;
	s14 =	sadd.s32 $0x1F600, s8  }
0x13: {  	s24 =	simm.s32 $0x1;
	s15 =	sadd.s32 s0, s7;
	s0 =	sadd.s32 s0, s1  }
0x14: {  	v0 =	vimm.f32 $0.0e+00;
	v1 =	vimm.s32 $0x8;
	s26 =	simm.s32 $0x5800;
	s1 =	simm.s32 $0x5;
	s16 =	sadd.s32 $0x4E00, s0  }
.LBB2_1:
0x15: {  	s0 =	simm.s32 $0x40;
	s7 =	simm.s32 $0x0  }
.LBB2_2:
0x16: {  	p1 =	sne.s32 s0, $0x1FC0;
	[tilespmem:s7+$0x7000] =	vst v0;
	s7 =	smov.u32 s0;
	s0 =	sadd.s32 $0x40, s0  }
.Ltmp0:
0x17: {  	(pc) =	sbr.rel @p1 .LBB2_2-.Ltmp0, $2  }
0x18: {  	_ =	sdelay $0x2  }
0x19: {  	s7 =	sshra.s32 s7, $0x2  }
0x1a: {  	[tilespmem:s7+$0x7000] =	vst v0  }
0x1b: {  	[spmem:s6] =	stream.linear.scatter [tilespmem:s18], [sflag:$0x7], $0x800, $0x38;
	[tilespmem:$0xA800] =	vst v63  }
0x1c: {  	_ =	swait.ge [sflag:s19], $0x800  }
0x1d: {  	[sflag:s19] =	ssyncset.done $0x0  }
0x1e: {  	s0 =	rddreg [dreg:$0x3];
	[sflag:s19] =	ssyncadd.s32 $0xFFFFF800  }
0x1f: {  	[spmem:s0] =	stream.linear.scatter [tilespmem:s18], [sflag:$0x7], $0x800, $0x38;
	[tilespmem:$0xA800] =	vst v63  }
0x20: {  	_ =	swait.ge [sflag:s19], $0x800  }
0x21: {  	[sflag:s19] =	ssyncset.done $0x0  }
0x22: {  	s7 =	rddreg [dreg:$0x4];
	[sflag:s19] =	ssyncadd.s32 $0xFFFFF800  }
0x23: {  	[spmem:s7] =	stream.linear.scatter [tilespmem:s18], [sflag:$0x7], $0x800, $0x38;
	[tilespmem:$0xA800] =	vst v63  }
0x24: {  	_ =	swait.ge [sflag:s19], $0x800  }
0x25: {  	[sflag:s19] =	ssyncset.done $0x0  }
0x26: {  	s8 =	rddreg [dreg:$0x5];
	[sflag:s19] =	ssyncadd.s32 $0xFFFFF800  }
0x27: {  	[spmem:s8] =	stream.linear.scatter [tilespmem:s18], [sflag:$0x7], $0x800, $0x38;
	[tilespmem:$0xA800] =	vst v63  }
0x28: {  	_ =	swait.ge [sflag:s19], $0x800  }
0x29: {  	[sflag:s19] =	ssyncset.done $0x0  }
0x2a: {  	s9 =	rddreg [dreg:$0x6];
	[sflag:s19] =	ssyncadd.s32 $0xFFFFF800  }
0x2b: {  	[spmem:s9] =	stream.linear.scatter [tilespmem:s18], [sflag:$0x7], $0x700, $0x38;
	[tilespmem:$0xA800] =	vst v63  }
0x2c: {  	_ =	swait.ge [sflag:s19], $0x700  }
0x2d: {  	[sflag:s19] =	ssyncset.done $0x0  }
0x2e: {  	s0 =	simm.s32 @!p0 $0x7000;
	s7 =	simm.s32 @!p0 $0x7;
	[sflag:s19] =	ssyncadd.s32 $0xFFFFF900  }
0x2f: {  	[spmem:s11] =	stream.linear.scatter @!p0 [tilespmem:s0], [sflag:$0x7], $0x800, $0x38;
	[tilespmem:$0xA800] =	vst v63  }
0x30: {  	_ =	swait.ge @!p0 [sflag:s7], $0x800  }
0x31: {  	[sflag:s7] =	ssyncset.done @!p0 $0x0  }
0x32: {  	s8 =	rddreg [dreg:$0x7];
	[sflag:s7] =	ssyncadd.s32 @!p0 $0xFFFFF800  }
0x33: {  	[spmem:s8] =	stream.linear.scatter @!p0 [tilespmem:s0], [sflag:$0x7], $0x800, $0x38;
	[tilespmem:$0xA800] =	vst v63  }
0x34: {  	_ =	swait.ge @!p0 [sflag:s7], $0x800  }
0x35: {  	[sflag:s7] =	ssyncset.done @!p0 $0x0  }
0x36: {  	[sflag:s7] =	ssyncadd.s32 @!p0 $0xFFFFF800  }
0x37: {  	s23 =	simm.s32 $0x0;
	[bflag:$0x0] =	sbarrier.arrive $0xFFFF  }
0x38: {  	[tilespmem:s23], [sflag:$0x7] =	stream.linear.gather [hbm4b:s13+s23], $0x2800, $0x38;
	[tilespmem:$0xA800] =	vst v63  }
0x39: {  	_ =	swait.ge [sflag:s19], $0x2800  }
0x3a: {  	[sflag:s19] =	ssyncset.done $0x0  }
0x3b: {  	s10 =	simm.s32 $0x2800;
	[sflag:s19] =	ssyncadd.s32 $0xFFFFD800  }
0x3c: {  	[tilespmem:s10], [sflag:$0x7] =	stream.linear.gather [hbm4b:s14+s23], $0x2800, $0x38;
	[tilespmem:$0xA800] =	vst v63  }
0x3d: {  	_ =	swait.ge [sflag:s19], $0x2800  }
0x3e: {  	[sflag:s19] =	ssyncset.done $0x0  }
0x3f: {  	s12 =	simm.s32 $0x5000;
	[sflag:s19] =	ssyncadd.s32 $0xFFFFD800  }
0x40: {  	[tilespmem:s12], [sflag:$0x1] =	stream.indirect.gather [hbm4b:s4+s21], $0x10, s23, s21, $0xb8;
	[tilespmem:$0xA800] =	vst v63  }
0x41: {  	s20 =	simm.s32 $0x6000  }
0x42: {  	[tilespmem:s20], [sflag:$0x3] =	stream.indirect.gather [hbm4b:s5+s21], $0x10, s10, s21, $0xb8;
	[tilespmem:$0xA800] =	vst v63  }
.LBB2_4:
0x43: {  	_ =	swait.ge [sflag:s24], $0x800  }
0x44: {  	[sflag:s24] =	ssyncset.done $0x0  }
0x45: {  	[sflag:s24] =	ssyncadd.s32 $0xFFFFF800  }
0x46: {  	_ =	swait.ge [sflag:s25], $0x800  }
0x47: {  	s0 =	sshllo.u32 s23, $0x1;
	[sflag:s25] =	ssyncset.done $0x0  }
0x48: {  	s0 =	sshll.u32 s0, $0x7;
	[sflag:s25] =	ssyncadd.s32 $0xFFFFF800  }
0x49: {  	[tilespmem:s26], [sflag:$0x2] =	stream.indirect.gather [hbm4b:s4+s21], $0x10, s0, s21, $0xb8;
	[tilespmem:$0xA800] =	vst v63  }
0x4a: {  	p1 =	seq.s32 s23, $0x0;
	s7 =	sadd.s32 $0x2800, s0  }
0x4b: {  	[tilespmem:s28], [sflag:$0x4] =	stream.indirect.gather [hbm4b:s5+s21], $0x10, s7, s21, $0xb8;
	[tilespmem:$0xA800] =	vst v63  }
0x4c: {  	s7 =	simm.s32 @!p1 $0x5  }
0x4d: {  	_ =	swait.ge @!p1 [sflag:s7], $0x800  }
0x4e: {  	[sflag:s7] =	ssyncset.done @!p1 $0x0  }
0x4f: {  	s10 =	simm.s32 $0x6040;
	[sflag:s7] =	ssyncadd.s32 @!p1 $0xFFFFF800  }
0x50: {  	v2 =	vld [tilespmem:s10+$0xFFFFFFC0]  }
0x51: {  	v3 =	vld [tilespmem:s10+$0x30]  }
0x52: {  	v4 =	vld [tilespmem:s10+$0xFFFFFFE0]  }
0x53: {  	v5 =	vld [tilespmem:s10+$0x10]  }
0x54: {  	s8 =	simm.s32 $0x5040;
	v8 =	vld [tilespmem:s10+$0xFFFFFFF0]  }
0x55: {  	v18 =	vld [tilespmem:s8+$0x30]  }
0x56: {  	v6 =	vld [tilespmem:s10+$0x20]  }
0x57: {  	v12 =	vld [tilespmem:s8+$0x20]  }
0x58: {  	v13 =	vld [tilespmem:s8+$0xFFFFFFE0]  }
0x59: {  	v23 =	vld [tilespmem:s8+$0xFFFFFFC0]  }
0x5a: {  	v14 =	vld [tilespmem:s8+$0x10]  }
0x5b: {  	v22 =	vld [tilespmem:s8+$0xFFFFFFF0]  }
0x5c: {  	v11 =	vld [tilespmem:s8+$0x0]  }
0x5d: {  	v10 =	vld [tilespmem:s10+$0x0]  }
0x5e: {  	v15 =	vld [tilespmem:s10+$0xFFFFFFD0]  }
0x5f: {  	s12 =	simm.s32 $0x60C0;
	v20 =	vld [tilespmem:s8+$0xFFFFFFD0]  }
0x60: {  	v16 =	vld [tilespmem:s12+$0xFFFFFFC0];
	v6 =	vadd.f32 v6, v12  }
0x61: {  	v17 =	vld [tilespmem:s12+$0x30];
	v7 =	vadd.f32 v3, v18;
	v3 =	vadd.f32 v5, v14  }
0x62: {  	v19 =	vld [tilespmem:s12+$0xFFFFFFE0]  }
0x63: {  	v24 =	vld [tilespmem:s12+$0x10];
	v2 =	vadd.f32 v2, v23;
	v5 =	vmul.f32 $2.000000030e-01, v6;
	v21 =	vmul.f32 $2.000000030e-01, v3  }
0x64: {  	s20 =	simm.s32 $0x50C0;
	v25 =	vld [tilespmem:s12+$0xFFFFFFF0];
	v4 =	vadd.f32 v4, v13;
	v10 =	vadd.f32 v10, v11;
	v9 =	vmul.f32 $2.000000030e-01, v7  }
0x65: {  	v5 =	vmax.f32 v6, v5;
	v6 =	vmax.f32 v3, v21;
	v21 =	vmul.f32 $2.000000030e-01, v2;
	v3 =	vld [tilespmem:s20+$0x30]  }
0x66: {  	v7 =	vmax.f32 v7, v9;
	v5 =	vmul.f32 $1.442695020e+00, v5;
	v9 =	vmul.f32 $1.442695020e+00, v6;
	v6 =	vld [tilespmem:s20+$0x20]  }
0x67: {  	v26 =	vmul.f32 $2.000000030e-01, v4;
	v2 =	vmax.f32 v2, v21;
	v21 =	vmul.f32 $1.442695020e+00, v7;
	v7 =	vld [tilespmem:s20+$0x10]  }
0x68: {  	(erf) = vpow2.f32 v5;
	v5 =	vld [tilespmem:s12+$0x20]  }
0x69: {  	v30 =	vmul.f32 $2.000000030e-01, v10;
	v27 =	vmul.f32 $1.442695020e+00, v2;
	v2 =	vmax.f32 v4, v26;
	v4 =	vld [tilespmem:s20+$0xFFFFFFC0]  }
0x6a: {  	(erf) = vpow2.f32 v9;
	v26 =	vmul.f32 $1.442695020e+00, v2;
	v2 =	vld [tilespmem:s20+$0xFFFFFFF0]  }
0x6b: {  	v10 =	vmax.f32 v10, v30;
	v9 =	vld [tilespmem:s20+$0xFFFFFFE0];
	(erf) = vpow2.f32 v21  }
0x6c: {  	v21 =	vadd.f32 v8, v22;
	v8 =	vadd.f32 v15, v20;
	(erf) = vpow2.f32 v27  }
0x6d: {  	v42 =	vmul.f32 $1.442695020e+00, v10;
	(erf) = vpow2.f32 v26;
	v26 =	vadd.f32 v17, v3  }
0x6e: {  	s9 =	simm.s32 $0x6140;
	v35 =	vld [tilespmem:s12+$0xFFFFFFD0];
	v27 =	vmul.f32 $2.000000030e-01, v21;
	v31 =	vmul.f32 $2.000000030e-01, v8;
	v15 =	vadd.f32 v5, v6  }
0x6f: {  	v38 =	vld [tilespmem:s9+$0xFFFFFFC0];
	v24 =	vadd.f32 v24, v7;
	v29 =	vadd.f32 v16, v4;
	v28 =	vmul.f32 $2.000000030e-01, v26  }
0x70: {  	v55 =	vld [tilespmem:s9+$0x10];
	v16 =	vadd.f32 v25, v2;
	v19 =	vadd.f32 v19, v9;
	v33 =	vmul.f32 $2.000000030e-01, v15  }
0x71: {  	v43 =	vld [tilespmem:s9+$0xFFFFFFF0];
	v31 =	vmax.f32 v8, v31;
	v34 =	vmul.f32 $2.000000030e-01, v24;
	v37 =	vmul.f32 $2.000000030e-01, v29  }
0x72: {  	v57 =	vld [tilespmem:s9+$0x20];
	v31 =	vmul.f32 $1.442695020e+00, v31;
	v40 =	vmul.f32 $2.000000030e-01, v19;
	v17 =	vpop (erf);
	v15 =	vmax.f32 v15, v33  }
0x73: {  	v58 =	vld [tilespmem:s9+$0x0];
	v10 =	vmax.f32 v29, v37;
	v32 =	vperm.xlane v17, v1;
	v17 =	vmul.f32 $2.000000030e-01, v16  }
0x74: {  	v30 =	vld [tilespmem:s9+$0x30];
	v24 =	vmax.f32 v24, v34;
	v36 =	vpop (erf);
	v15 =	vmul.f32 $1.442695020e+00, v15;
	v56 =	vmul.f32 $1.442695020e+00, v10  }
0x75: {  	v5 =	vld [tilespmem:s20+$0x0];
	v19 =	vmax.f32 v19, v40;
	v52 =	vperm.xlane v36, v1;
	v53 =	vpop (erf);
	(erf) = vpow2.f32 v31  }
0x76: {  	v8 =	vld [tilespmem:s20+$0xFFFFFFD0];
	v31 =	vmul.f32 $1.442695020e+00, v24;
	v44 =	vmul.f32 $1.442695020e+00, v19  }
0x77: {  	v25 =	vld [tilespmem:s12+$0x0];
	v39 =	vpop (erf);
	v36 =	vperm.xlane v53, v1;
	(erf) = vpow2.f32 v15;
	v15 =	vmax.f32 v21, v27  }
0x78: {  	s10 =	simm.s32 $0x5140;
	v29 =	vld [tilespmem:s9+$0xFFFFFFE0];
	v19 =	vmax.f32 v26, v28;
	v32 =	vmul.f32 v32, v12;
	v15 =	vmul.f32 $1.442695020e+00, v15  }
0x79: {  	v10 =	vld [tilespmem:s10+$0x30];
	v19 =	vmul.f32 $1.442695020e+00, v19;
	v41 =	vpop (erf);
	v26 =	vmul.f32 v52, v14  }
0x7a: {  	v12 =	vld [tilespmem:s10+$0xFFFFFFE0];
	v54 =	vperm.xlane v41, v1;
	(erf) = vpow2.f32 v15  }
0x7b: {  	v35 =	vadd.f32 v35, v8;
	v28 =	vperm.xlane v39, v1;
	v15 =	vld [tilespmem:s10+$0x10];
	(erf) = vpow2.f32 v42  }
0x7c: {  	v37 =	vmul.f32 v54, v13;
	v13 =	vld [tilespmem:s10+$0x20];
	(erf) = vpow2.f32 v31  }
0x7d: {  	v21 =	vadd.f32 v25, v5;
	v14 =	vld [tilespmem:s10+$0xFFFFFFC0];
	v59 =	vmul.f32 $2.000000030e-01, v35;
	(erf) = vpow2.f32 v19  }
0x7e: {  	v24 =	vadd.f32 v30, v10;
	v31 =	vmul.f32 v36, v18;
	v18 =	vld [tilespmem:s10+$0xFFFFFFF0];
	(erf) = vpow2.f32 v56  }
0x7f: {  	v33 =	vmul.f32 $2.000000030e-01, v21;
	v19 =	vld [tilespmem:s10+$0x0];
	(erf) = vpow2.f32 v44  }
0x80: {  	s8 =	simm.s32 $0x7040;
	v39 =	vmul.f32 v28, v23;
	v27 =	vmul.f32 $2.000000030e-01, v24;
	v23 =	vpop (erf);
	v34 =	vadd.f32 v55, v15  }
0x81: {  	[tilespmem:s8+$0x20] =	vst v32;
	v36 =	vmax.f32 v35, v59;
	v40 =	vadd.f32 v57, v13;
	v25 =	vpop (erf);
	v28 =	vperm.xlane v23, v1  }
0x82: {  	v30 =	vadd.f32 v38, v14;
	[tilespmem:s8+$0x30] =	vst v31;
	v23 =	vperm.xlane v25, v1;
	v31 =	vmul.f32 $2.000000030e-01, v34  }
0x83: {  	[tilespmem:s8+$0x10] =	vst v26;
	v25 =	vadd.f32 v43, v18;
	v60 =	vmul.f32 $2.000000030e-01, v40;
	v20 =	vmul.f32 v28, v20;
	v26 =	vpop (erf)  }
0x84: {  	[tilespmem:s8+$0xFFFFFFC0] =	vst v39;
	v28 =	vadd.f32 v29, v12;
	v32 =	vadd.f32 v58, v19;
	v61 =	vperm.xlane v26, v1;
	v62 =	vpop (erf)  }
0x85: {  	s7 =	simm.s32 $0x70C0;
	s20 =	simm.s32 $0x10;
	[tilespmem:s8+$0xFFFFFFE0] =	vst v37;
	v29 =	vmul.f32 $2.000000030e-01, v25;
	v34 =	vmax.f32 v34, v31;
	v26 =	vld [tilespmem:s9+$0xFFFFFFD0];
	v63 =	vpop (erf);
	v38 =	vperm.xlane v62, v1  }
0x86: {  	s12 =	simm.s32 $0x51C0;
	v35 =	vmax.f32 v40, v60;
	[tilespmem:s8+$0xFFFFFFD0] =	vst v20;
	v20 =	vld [tilespmem:s10+$0xFFFFFFD0];
	s10 =	simm.s32 $0x61C0;
	s9 =	simm.s32 $0x70C0;
	v31 =	vperm.xlane v63, v1;
	v37 =	vpop (erf);
	v22 =	vmul.f32 v61, v22  }
.LBB2_5:
0x87: {  	v39 =	vld [tilespmem:s10+$0xFFFFFFC0];
	s20 =	sadd.s32 $0x8, s20;
	v40 =	vmul.f32 $2.000000030e-01, v30;
	v24 =	vmax.f32 v24, v27;
	s7 =	sadd.s32 $0x80, s7;
	v27 =	vpop (erf);
	v44 =	vmul.f32 v38, v11  }
0x88: {  	v41 =	vmul.f32 $2.000000030e-01, v28;
	v36 =	vmul.f32 $1.442695020e+00, v36;
	v45 =	vmax.f32 v21, v33;
	v38 =	vld [tilespmem:s10+$0x30];
	v33 =	vpop (erf);
	[tilespmem:s8+$0xFFFFFFF0] =	vst v22  }
0x89: {  	v35 =	vmul.f32 $1.442695020e+00, v35;
	v42 =	vmovc v2;
	v2 =	vmovc v18;
	p1 =	slt.u32 s20, $0x78;
	v22 =	vld [tilespmem:s10+$0xFFFFFFE0];
	v30 =	vmax.f32 v30, v40;
	v40 =	vmul.f32 $1.442695020e+00, v45;
	[tilespmem:s8+$0x0] =	vst v44;
	s8 =	smov.u32 s9;
	s9 =	smov.u32 s7  }
0x8a: {  	v11 =	vmovc v5;
	v5 =	vmovc v19;
	v21 =	vmov v32;
	v18 =	vperm.xlane v33, v1;
	v33 =	vperm.xlane v37, v1;
	v43 =	vld [tilespmem:s10+$0x10]  }
0x8b: {  	v30 =	vmul.f32 $1.442695020e+00, v30;
	v32 =	vld [tilespmem:s10+$0xFFFFFFF0];
	(erf) = vpow2.f32 v36  }
0x8c: {  	v19 =	vmul.f32 $1.442695020e+00, v34;
	v34 =	vmax.f32 v16, v17;
	v16 =	vmovc v25;
	v17 =	vmovc v29;
	v36 =	vld [tilespmem:s12+$0x30];
	(erf) = vpow2.f32 v35  }
0x8d: {  	v23 =	vmul.f32 v23, v6;
	v6 =	vmovc v13;
	v29 =	vmul.f32 $1.442695020e+00, v34;
	v28 =	vmax.f32 v28, v41;
	v25 =	vld [tilespmem:s10+$0x20]  }
0x8e: {  	v28 =	vmul.f32 $1.442695020e+00, v28;
	v18 =	vmul.f32 v18, v9;
	v9 =	vmov v12;
	v13 =	vld [tilespmem:s12+$0x20]  }
0x8f: {  	v31 =	vmul.f32 v31, v7;
	v7 =	vmov v15;
	v12 =	vld [tilespmem:s12+$0xFFFFFFE0];
	[tilespmem:s8+$0x20] =	vst v23;
	(erf) = vpow2.f32 v29  }
0x90: {  	v23 =	vmul.f32 $1.442695020e+00, v24;
	v29 =	vld [tilespmem:s12+$0xFFFFFFC0];
	(erf) = vpow2.f32 v40  }
0x91: {  	v34 =	vperm.xlane v27, v1;
	v15 =	vld [tilespmem:s12+$0x10];
	v24 =	vadd.f32 v38, v36;
	(erf) = vpow2.f32 v19;
	[tilespmem:s8+$0xFFFFFFE0] =	vst v18  }
0x92: {  	v26 =	vadd.f32 v26, v20;
	v33 =	vmul.f32 v33, v3;
	v3 =	vmovc v10;
	v18 =	vld [tilespmem:s12+$0xFFFFFFF0];
	(erf) = vpow2.f32 v23;
	[tilespmem:s8+$0x10] =	vst v31  }
0x93: {  	v10 =	vmovc v36;
	v19 =	vld [tilespmem:s12+$0x0];
	v31 =	vadd.f32 v25, v13;
	v27 =	vmul.f32 $2.000000030e-01, v24;
	(erf) = vpow2.f32 v30  }
0x94: {  	v25 =	vmul.f32 v34, v4;
	v4 =	vmov v14;
	(erf) = vpow2.f32 v28;
	[tilespmem:s8+$0x30] =	vst v33;
	v23 =	vpop (erf)  }
0x95: {  	v33 =	vmul.f32 $2.000000030e-01, v21;
	v30 =	vadd.f32 v39, v29;
	v34 =	vld [tilespmem:s10+$0x0];
	v14 =	vpop (erf);
	v28 =	vperm.xlane v23, v1  }
0x96: {  	v35 =	vmul.f32 $2.000000030e-01, v26;
	v23 =	vperm.xlane v14, v1;
	[tilespmem:s8+$0xFFFFFFC0] =	vst v25;
	v14 =	vmov v29  }
.Ltmp1:
0x97: {  	v37 =	vadd.f32 v43, v15;
	v29 =	vmul.f32 $2.000000030e-01, v31;
	v38 =	vmul.f32 v28, v8;
	v8 =	vmovc v20;
	(pc) =	sbr.rel @p1 .LBB2_5-.Ltmp1, $4  }
0x98: {  	v36 =	vmax.f32 v26, v35;
	v28 =	vadd.f32 v22, v12;
	v25 =	vadd.f32 v32, v18;
	v20 =	vpop (erf)  }
0x99: {  	v22 =	vmul.f32 $2.000000030e-01, v37;
	v35 =	vmax.f32 v31, v29;
	[tilespmem:s8+$0xFFFFFFD0] =	vst v38;
	v39 =	vperm.xlane v20, v1;
	v20 =	vpop (erf)  }
0x9a: {  	v29 =	vmul.f32 $2.000000030e-01, v25;
	v26 =	vld [tilespmem:s10+$0xFFFFFFD0];
	v32 =	vadd.f32 v34, v19;
	v31 =	vpop (erf);
	v38 =	vperm.xlane v20, v1  }
0x9b: {  	v34 =	vmax.f32 v37, v22;
	s10 =	sadd.s32 $0x80, s10;
	v20 =	vld [tilespmem:s12+$0xFFFFFFD0];
	s12 =	sadd.s32 $0x80, s12;
	v31 =	vperm.xlane v31, v1;
	v37 =	vpop (erf);
	v22 =	vmul.f32 v39, v42  }
0x9c: {  	v39 =	vmul.f32 $2.000000030e-01, v30  }
0x9d: {  	v11 =	vmul.f32 v38, v11;
	v40 =	vmul.f32 $2.000000030e-01, v28  }
0x9e: {  	v36 =	vmul.f32 $1.442695020e+00, v36;
	v21 =	vmax.f32 v21, v33;
	v35 =	vmul.f32 $1.442695020e+00, v35  }
0x9f: {  	v59 =	vperm.xlane v37, v1;
	v24 =	vmax.f32 v24, v27;
	v27 =	vmul.f32 $1.442695020e+00, v34  }
0xa0: {  	v57 =	vpop (erf);
	v16 =	vmax.f32 v16, v17;
	v6 =	vmul.f32 v23, v6;
	v21 =	vmul.f32 $1.442695020e+00, v21  }
0xa1: {  	v58 =	vpop (erf);
	v16 =	vmul.f32 $1.442695020e+00, v16;
	(erf) = vpow2.f32 v36  }
0xa2: {  	v17 =	vperm.xlane v58, v1;
	v30 =	vmax.f32 v30, v39;
	(erf) = vpow2.f32 v35  }
0xa3: {  	v30 =	vmul.f32 $1.442695020e+00, v30;
	(erf) = vpow2.f32 v16  }
0xa4: {  	v16 =	vmul.f32 $1.442695020e+00, v24;
	(erf) = vpow2.f32 v21  }
0xa5: {  	v24 =	vadd.f32 v26, v20;
	v21 =	vmax.f32 v28, v40;
	(erf) = vpow2.f32 v27  }
0xa6: {  	v21 =	vmul.f32 $1.442695020e+00, v21;
	(erf) = vpow2.f32 v16  }
0xa7: {  	v16 =	vmul.f32 $2.000000030e-01, v24;
	(erf) = vpow2.f32 v30  }
0xa8: {  	v7 =	vmul.f32 v31, v7;
	(erf) = vpow2.f32 v21  }
0xa9: {  	v9 =	vmul.f32 v17, v9;
	v17 =	vmul.f32 $2.000000030e-01, v32;
	v16 =	vmax.f32 v24, v16  }
0xaa: {  	v23 =	vmax.f32 v25, v29;
	[tilespmem:s8+$0xFFFFFFF0] =	vst v22;
	v22 =	vperm.xlane v57, v1;
	v16 =	vmul.f32 $1.442695020e+00, v16;
	v21 =	vpop (erf)  }
0xab: {  	v23 =	vmul.f32 $1.442695020e+00, v23;
	v3 =	vmul.f32 v59, v3;
	v17 =	vmax.f32 v32, v17;
	v24 =	vpop (erf)  }
0xac: {  	[tilespmem:s8+$0x0] =	vst v11;
	v17 =	vmul.f32 $1.442695020e+00, v17;
	v11 =	vpop (erf);
	(erf) = vpow2.f32 v16  }
0xad: {  	[tilespmem:s9+$0x20] =	vst v6;
	v4 =	vmul.f32 v22, v4;
	v6 =	vpop (erf);
	(erf) = vpow2.f32 v23  }
0xae: {  	[tilespmem:s9+$0xFFFFFFE0] =	vst v9;
	v9 =	vperm.xlane v21, v1;
	v16 =	vpop (erf);
	(erf) = vpow2.f32 v17  }
0xaf: {  	[tilespmem:s9+$0x10] =	vst v7;
	v7 =	vperm.xlane v11, v1;
	v11 =	vpop (erf)  }
0xb0: {  	[tilespmem:s9+$0x30] =	vst v3;
	v3 =	vmul.f32 v9, v8;
	v6 =	vperm.xlane v6, v1;
	v8 =	vpop (erf)  }
0xb1: {  	[tilespmem:s9+$0xFFFFFFC0] =	vst v4;
	v9 =	vperm.xlane v24, v1;
	v2 =	vmul.f32 v7, v2;
	v4 =	vpop (erf)  }
0xb2: {  	[tilespmem:s9+$0xFFFFFFD0] =	vst v3;
	v3 =	vmul.f32 v6, v5;
	v4 =	vperm.xlane v4, v1  }
0xb3: {  	v5 =	vperm.xlane v16, v1;
	[tilespmem:s9+$0xFFFFFFF0] =	vst v2;
	v2 =	vmul.f32 v9, v13  }
0xb4: {  	s7 =	sadd.s32 $0x80, s7;
	[tilespmem:s9+$0x0] =	vst v3;
	v3 =	vperm.xlane v11, v1;
	v4 =	vmul.f32 v4, v12  }
0xb5: {  	v5 =	vmul.f32 v5, v15;
	[tilespmem:s7+$0x20] =	vst v2;
	v2 =	vperm.xlane v8, v1;
	v6 =	vpop (erf)  }
0xb6: {  	v3 =	vmul.f32 v3, v10;
	[tilespmem:s7+$0xFFFFFFE0] =	vst v4;
	v4 =	vperm.xlane v6, v1;
	v6 =	vpop (erf)  }
0xb7: {  	[tilespmem:s7+$0x10] =	vst v5;
	v2 =	vmul.f32 v2, v14;
	v5 =	vperm.xlane v6, v1;
	v6 =	vpop (erf)  }
0xb8: {  	[tilespmem:s7+$0x30] =	vst v3;
	v3 =	vmul.f32 v4, v20;
	v4 =	vperm.xlane v6, v1  }
0xb9: {  	[tilespmem:s7+$0xFFFFFFC0] =	vst v2;
	v2 =	vmul.f32 v5, v18  }
0xba: {  	s9 =	sshll.u32 s23, $0x8;
	[tilespmem:s7+$0xFFFFFFD0] =	vst v3;
	v3 =	vmul.f32 v4, v19  }
0xbb: {  	s8 =	sand.u32 $0x3FFFFF00, s9;
	[tilespmem:s7+$0xFFFFFFF0] =	vst v2  }
0xbc: {  	s10 =	sadd.s32 $0x2800, s8;
	[tilespmem:s7+$0x0] =	vst v3  }
0xbd: {  	[spmem:s2] =	stream.indirect.scatter.add.f32 [tilespmem:s18], [sflag:$0x5], $0x10, s10, s21, $0xb8;
	[tilespmem:$0xA800] =	vst v63  }
0xbe: {  	_ =	swait.ge [sflag:s29], $0x800  }
0xbf: {  	[sflag:s29] =	ssyncset.done $0x0  }
0xc0: {  	[sflag:s29] =	ssyncadd.s32 $0xFFFFF800  }
0xc1: {  	p1 =	seq.s32 s23, $0x27;
	_ =	swait.ge [sflag:s30], $0x800  }
0xc2: {  	s9 =	simm.s32 @!p1 $0x80;
	s7 =	sshll.u32 @!p1 s23, $0x8;
	[sflag:s30] =	ssyncset.done $0x0  }
0xc3: {  	s8 =	sadd.s32 @!p1 $0x100, s7;
	s10 =	simm.s32 @!p1 $0x5000;
	[sflag:s30] =	ssyncadd.s32 $0xFFFFF800  }
0xc4: {  	[tilespmem:s10], [sflag:$0x1] =	stream.indirect.gather @!p1 [hbm4b:s4+s9], $0x10, s8, s9, $0xb8;
	[tilespmem:$0xA800] =	vst v63  }
0xc5: {  	p2 =	seq.s32 @!p1 s23, $0x0;
	s7 =	sadd.s32 @!p1 $0x2900, s7;
	s8 =	simm.s32 @!p1 $0x6000  }
0xc6: {  	[tilespmem:s8], [sflag:$0x3] =	stream.indirect.gather @!p1 [hbm4b:s5+s9], $0x10, s7, s9, $0xb8;
	[tilespmem:$0xA800] =	vst v63  }
0xc7: {  	p1 =	por p1, !p2  }
0xc8: {  	_ =	swait.ge @p1 [sflag:s22], $0x800  }
0xc9: {  	[sflag:s22] =	ssyncset.done @p1 $0x0  }
0xca: {  	s12 =	simm.s32 $0x6840;
	[sflag:s22] =	ssyncadd.s32 @p1 $0xFFFFF800  }
0xcb: {  	v2 =	vld [tilespmem:s12+$0xFFFFFFC0]  }
0xcc: {  	v3 =	vld [tilespmem:s12+$0x30]  }
0xcd: {  	v4 =	vld [tilespmem:s12+$0xFFFFFFE0]  }
0xce: {  	v5 =	vld [tilespmem:s12+$0x10]  }
0xcf: {  	s20 =	simm.s32 $0x5840;
	v8 =	vld [tilespmem:s12+$0xFFFFFFF0]  }
0xd0: {  	v18 =	vld [tilespmem:s20+$0x30]  }
0xd1: {  	v6 =	vld [tilespmem:s12+$0x20]  }
0xd2: {  	v12 =	vld [tilespmem:s20+$0x20]  }
0xd3: {  	v13 =	vld [tilespmem:s20+$0xFFFFFFE0]  }
0xd4: {  	v23 =	vld [tilespmem:s20+$0xFFFFFFC0]  }
0xd5: {  	v14 =	vld [tilespmem:s20+$0x10]  }
0xd6: {  	v22 =	vld [tilespmem:s20+$0xFFFFFFF0]  }
0xd7: {  	v11 =	vld [tilespmem:s20+$0x0]  }
0xd8: {  	v10 =	vld [tilespmem:s12+$0x0]  }
0xd9: {  	v15 =	vld [tilespmem:s12+$0xFFFFFFD0]  }
0xda: {  	s8 =	simm.s32 $0x68C0;
	v20 =	vld [tilespmem:s20+$0xFFFFFFD0]  }
0xdb: {  	v16 =	vld [tilespmem:s8+$0xFFFFFFC0];
	v6 =	vadd.f32 v6, v12  }
0xdc: {  	v17 =	vld [tilespmem:s8+$0x30];
	v7 =	vadd.f32 v3, v18;
	v3 =	vadd.f32 v5, v14  }
0xdd: {  	v19 =	vld [tilespmem:s8+$0xFFFFFFE0];
	v4 =	vadd.f32 v4, v13  }
0xde: {  	v24 =	vld [tilespmem:s8+$0x10];
	v2 =	vadd.f32 v2, v23;
	v5 =	vmul.f32 $2.000000030e-01, v6;
	v21 =	vmul.f32 $2.000000030e-01, v3  }
0xdf: {  	s9 =	simm.s32 $0x58C0;
	v25 =	vld [tilespmem:s8+$0xFFFFFFF0];
	v10 =	vadd.f32 v10, v11;
	v9 =	vmul.f32 $2.000000030e-01, v7;
	v26 =	vmul.f32 $2.000000030e-01, v4  }
0xe0: {  	v5 =	vmax.f32 v6, v5;
	v6 =	vmax.f32 v3, v21;
	v21 =	vmul.f32 $2.000000030e-01, v2;
	v3 =	vld [tilespmem:s9+$0x30]  }
0xe1: {  	v7 =	vmax.f32 v7, v9;
	v5 =	vmul.f32 $1.442695020e+00, v5;
	v9 =	vmul.f32 $1.442695020e+00, v6;
	v6 =	vld [tilespmem:s9+$0x20]  }
0xe2: {  	v30 =	vmul.f32 $2.000000030e-01, v10;
	v2 =	vmax.f32 v2, v21;
	v21 =	vmul.f32 $1.442695020e+00, v7;
	v7 =	vld [tilespmem:s9+$0x10]  }
0xe3: {  	(erf) = vpow2.f32 v5;
	v5 =	vld [tilespmem:s8+$0x20];
	v27 =	vmul.f32 $1.442695020e+00, v2;
	v2 =	vmax.f32 v4, v26  }
0xe4: {  	v10 =	vmax.f32 v10, v30;
	v4 =	vld [tilespmem:s9+$0xFFFFFFC0];
	(erf) = vpow2.f32 v9;
	v26 =	vmul.f32 $1.442695020e+00, v2  }
0xe5: {  	v9 =	vld [tilespmem:s9+$0xFFFFFFE0];
	(erf) = vpow2.f32 v21;
	v21 =	vadd.f32 v8, v22;
	v8 =	vadd.f32 v15, v20  }
0xe6: {  	v42 =	vmul.f32 $1.442695020e+00, v10;
	v2 =	vld [tilespmem:s9+$0xFFFFFFF0];
	(erf) = vpow2.f32 v27  }
0xe7: {  	(erf) = vpow2.f32 v26;
	v26 =	vadd.f32 v17, v3;
	v31 =	vmul.f32 $2.000000030e-01, v8  }
0xe8: {  	s10 =	simm.s32 $0x6940;
	v63 =	vld [tilespmem:s8+$0xFFFFFFD0];
	v27 =	vmul.f32 $2.000000030e-01, v21;
	v24 =	vadd.f32 v24, v7;
	v15 =	vadd.f32 v5, v6  }
0xe9: {  	v51 =	vld [tilespmem:s10+$0xFFFFFFC0];
	v29 =	vadd.f32 v16, v4;
	v28 =	vmul.f32 $2.000000030e-01, v26;
	v31 =	vmax.f32 v8, v31  }
0xea: {  	v55 =	vld [tilespmem:s10+$0x10];
	v19 =	vadd.f32 v19, v9;
	v62 =	vmul.f32 $2.000000030e-01, v24;
	v31 =	vmul.f32 $1.442695020e+00, v31  }
0xeb: {  	v43 =	vld [tilespmem:s10+$0xFFFFFFF0];
	v16 =	vadd.f32 v25, v2;
	v61 =	vmul.f32 $2.000000030e-01, v15;
	v50 =	vmul.f32 $2.000000030e-01, v29  }
0xec: {  	v57 =	vld [tilespmem:s10+$0x20];
	v53 =	vmul.f32 $2.000000030e-01, v19;
	v24 =	vmax.f32 v24, v62;
	v17 =	vpop (erf);
	(erf) = vpow2.f32 v31  }
0xed: {  	v8 =	vld [tilespmem:s9+$0xFFFFFFD0];
	v15 =	vmax.f32 v15, v61;
	v31 =	vmul.f32 $1.442695020e+00, v24;
	v60 =	vperm.xlane v17, v1  }
0xee: {  	v5 =	vld [tilespmem:s9+$0x0];
	v10 =	vmax.f32 v29, v50;
	v17 =	vmul.f32 $2.000000030e-01, v16;
	v47 =	vpop (erf);
	v15 =	vmul.f32 $1.442695020e+00, v15  }
0xef: {  	v25 =	vld [tilespmem:s8+$0x0];
	v56 =	vmul.f32 $1.442695020e+00, v10;
	v19 =	vmax.f32 v19, v53;
	v48 =	vperm.xlane v47, v1;
	v49 =	vpop (erf)  }
0xf0: {  	v58 =	vld [tilespmem:s10+$0x0];
	v44 =	vmul.f32 $1.442695020e+00, v19;
	v19 =	vmax.f32 v26, v28;
	v36 =	vperm.xlane v49, v1  }
0xf1: {  	v30 =	vld [tilespmem:s10+$0x30];
	(erf) = vpow2.f32 v15;
	v15 =	vmax.f32 v21, v27;
	v32 =	vmul.f32 v60, v12  }
0xf2: {  	s12 =	simm.s32 $0x5940;
	v29 =	vld [tilespmem:s10+$0xFFFFFFE0];
	v35 =	vadd.f32 v63, v8;
	v52 =	vpop (erf);
	v19 =	vmul.f32 $1.442695020e+00, v19;
	v15 =	vmul.f32 $1.442695020e+00, v15  }
0xf3: {  	v10 =	vld [tilespmem:s12+$0x30];
	v26 =	vmul.f32 v48, v14;
	v28 =	vperm.xlane v52, v1  }
0xf4: {  	v12 =	vld [tilespmem:s12+$0xFFFFFFE0];
	v21 =	vadd.f32 v25, v5;
	v41 =	vpop (erf);
	v59 =	vmul.f32 $2.000000030e-01, v35;
	(erf) = vpow2.f32 v15  }
0xf5: {  	v14 =	vld [tilespmem:s12+$0xFFFFFFC0];
	v54 =	vperm.xlane v41, v1;
	(erf) = vpow2.f32 v42  }
0xf6: {  	v33 =	vmul.f32 $2.000000030e-01, v21;
	v15 =	vld [tilespmem:s12+$0x10];
	(erf) = vpow2.f32 v31  }
0xf7: {  	v37 =	vmul.f32 v54, v13;
	v13 =	vld [tilespmem:s12+$0x20];
	(erf) = vpow2.f32 v19  }
0xf8: {  	v24 =	vadd.f32 v30, v10;
	v31 =	vmul.f32 v36, v18;
	v18 =	vld [tilespmem:s12+$0xFFFFFFF0];
	(erf) = vpow2.f32 v56  }
0xf9: {  	v39 =	vmul.f32 v28, v23;
	v19 =	vld [tilespmem:s12+$0x0];
	v23 =	vpop (erf);
	(erf) = vpow2.f32 v44  }
0xfa: {  	s8 =	simm.s32 $0x7840;
	v27 =	vmul.f32 $2.000000030e-01, v24;
	v28 =	vperm.xlane v23, v1  }
0xfb: {  	[tilespmem:s8+$0x20] =	vst v32;
	v36 =	vmax.f32 v35, v59;
	v30 =	vadd.f32 v51, v14;
	v34 =	vadd.f32 v55, v15  }
0xfc: {  	[tilespmem:s8+$0x10] =	vst v26;
	v40 =	vadd.f32 v57, v13;
	v25 =	vpop (erf);
	v20 =	vmul.f32 v28, v20;
	v28 =	vadd.f32 v29, v12  }
0xfd: {  	[tilespmem:s8+$0x30] =	vst v31;
	v23 =	vperm.xlane v25, v1;
	v25 =	vadd.f32 v43, v18;
	v31 =	vmul.f32 $2.000000030e-01, v34;
	v26 =	vpop (erf)  }
0xfe: {  	[tilespmem:s8+$0xFFFFFFC0] =	vst v39;
	v60 =	vmul.f32 $2.000000030e-01, v40;
	v32 =	vadd.f32 v58, v19;
	v61 =	vperm.xlane v26, v1;
	v62 =	vpop (erf)  }
0xff: {  	s7 =	simm.s32 $0x78C0;
	s20 =	simm.s32 $0x10;
	[tilespmem:s8+$0xFFFFFFD0] =	vst v20;
	v20 =	vld [tilespmem:s12+$0xFFFFFFD0];
	v29 =	vmul.f32 $2.000000030e-01, v25;
	v34 =	vmax.f32 v34, v31;
	v63 =	vpop (erf);
	v38 =	vperm.xlane v62, v1  }
0x100: {  	s9 =	simm.s32 $0x78C0;
	[tilespmem:s8+$0xFFFFFFE0] =	vst v37;
	s12 =	simm.s32 $0x59C0;
	v35 =	vmax.f32 v40, v60;
	v26 =	vld [tilespmem:s10+$0xFFFFFFD0];
	s10 =	simm.s32 $0x69C0;
	v31 =	vperm.xlane v63, v1;
	v37 =	vpop (erf);
	v22 =	vmul.f32 v61, v22  }
.LBB2_7:
0x101: {  	v39 =	vld [tilespmem:s10+$0xFFFFFFC0];
	s20 =	sadd.s32 $0x8, s20;
	v40 =	vmul.f32 $2.000000030e-01, v30;
	v24 =	vmax.f32 v24, v27;
	s7 =	sadd.s32 $0x80, s7;
	v27 =	vpop (erf);
	v44 =	vmul.f32 v38, v11  }
0x102: {  	v41 =	vmul.f32 $2.000000030e-01, v28;
	v36 =	vmul.f32 $1.442695020e+00, v36;
	v45 =	vmax.f32 v21, v33;
	v38 =	vld [tilespmem:s10+$0x30];
	v33 =	vpop (erf);
	[tilespmem:s8+$0xFFFFFFF0] =	vst v22  }
0x103: {  	v35 =	vmul.f32 $1.442695020e+00, v35;
	v42 =	vmovc v2;
	v2 =	vmovc v18;
	p1 =	slt.u32 s20, $0x78;
	v22 =	vld [tilespmem:s10+$0xFFFFFFE0];
	v30 =	vmax.f32 v30, v40;
	v40 =	vmul.f32 $1.442695020e+00, v45;
	[tilespmem:s8+$0x0] =	vst v44;
	s8 =	smov.u32 s9;
	s9 =	smov.u32 s7  }
0x104: {  	v11 =	vmovc v5;
	v5 =	vmovc v19;
	v21 =	vmov v32;
	v18 =	vperm.xlane v33, v1;
	v33 =	vperm.xlane v37, v1;
	v43 =	vld [tilespmem:s10+$0x10]  }
0x105: {  	v30 =	vmul.f32 $1.442695020e+00, v30;
	v32 =	vld [tilespmem:s10+$0xFFFFFFF0];
	(erf) = vpow2.f32 v36  }
0x106: {  	v19 =	vmul.f32 $1.442695020e+00, v34;
	v34 =	vmax.f32 v16, v17;
	v16 =	vmovc v25;
	v17 =	vmovc v29;
	v36 =	vld [tilespmem:s12+$0x30];
	(erf) = vpow2.f32 v35  }
0x107: {  	v23 =	vmul.f32 v23, v6;
	v6 =	vmovc v13;
	v29 =	vmul.f32 $1.442695020e+00, v34;
	v28 =	vmax.f32 v28, v41;
	v25 =	vld [tilespmem:s10+$0x20]  }
0x108: {  	v28 =	vmul.f32 $1.442695020e+00, v28;
	v18 =	vmul.f32 v18, v9;
	v9 =	vmov v12;
	v13 =	vld [tilespmem:s12+$0x20]  }
0x109: {  	v31 =	vmul.f32 v31, v7;
	v7 =	vmov v15;
	v12 =	vld [tilespmem:s12+$0xFFFFFFE0];
	[tilespmem:s8+$0x20] =	vst v23;
	(erf) = vpow2.f32 v29  }
0x10a: {  	v23 =	vmul.f32 $1.442695020e+00, v24;
	v29 =	vld [tilespmem:s12+$0xFFFFFFC0];
	(erf) = vpow2.f32 v40  }
0x10b: {  	v34 =	vperm.xlane v27, v1;
	v15 =	vld [tilespmem:s12+$0x10];
	v24 =	vadd.f32 v38, v36;
	(erf) = vpow2.f32 v19;
	[tilespmem:s8+$0xFFFFFFE0] =	vst v18  }
0x10c: {  	v26 =	vadd.f32 v26, v20;
	v33 =	vmul.f32 v33, v3;
	v3 =	vmovc v10;
	v18 =	vld [tilespmem:s12+$0xFFFFFFF0];
	(erf) = vpow2.f32 v23;
	[tilespmem:s8+$0x10] =	vst v31  }
0x10d: {  	v10 =	vmovc v36;
	v19 =	vld [tilespmem:s12+$0x0];
	v31 =	vadd.f32 v25, v13;
	v27 =	vmul.f32 $2.000000030e-01, v24;
	(erf) = vpow2.f32 v30  }
0x10e: {  	v25 =	vmul.f32 v34, v4;
	v4 =	vmov v14;
	(erf) = vpow2.f32 v28;
	[tilespmem:s8+$0x30] =	vst v33;
	v23 =	vpop (erf)  }
0x10f: {  	v33 =	vmul.f32 $2.000000030e-01, v21;
	v30 =	vadd.f32 v39, v29;
	v34 =	vld [tilespmem:s10+$0x0];
	v14 =	vpop (erf);
	v28 =	vperm.xlane v23, v1  }
0x110: {  	v35 =	vmul.f32 $2.000000030e-01, v26;
	v23 =	vperm.xlane v14, v1;
	[tilespmem:s8+$0xFFFFFFC0] =	vst v25;
	v14 =	vmov v29  }
.Ltmp2:
0x111: {  	v37 =	vadd.f32 v43, v15;
	v29 =	vmul.f32 $2.000000030e-01, v31;
	v38 =	vmul.f32 v28, v8;
	v8 =	vmovc v20;
	(pc) =	sbr.rel @p1 .LBB2_7-.Ltmp2, $4  }
0x112: {  	v36 =	vmax.f32 v26, v35;
	v28 =	vadd.f32 v22, v12;
	v25 =	vadd.f32 v32, v18;
	v20 =	vpop (erf)  }
0x113: {  	v22 =	vmul.f32 $2.000000030e-01, v37;
	v35 =	vmax.f32 v31, v29;
	[tilespmem:s8+$0xFFFFFFD0] =	vst v38;
	v39 =	vperm.xlane v20, v1;
	v20 =	vpop (erf)  }
0x114: {  	v29 =	vmul.f32 $2.000000030e-01, v25;
	v26 =	vld [tilespmem:s10+$0xFFFFFFD0];
	v32 =	vadd.f32 v34, v19;
	v31 =	vpop (erf);
	v38 =	vperm.xlane v20, v1  }
0x115: {  	v34 =	vmax.f32 v37, v22;
	s10 =	sadd.s32 $0x80, s10;
	v20 =	vld [tilespmem:s12+$0xFFFFFFD0];
	s12 =	sadd.s32 $0x80, s12;
	v31 =	vperm.xlane v31, v1;
	v37 =	vpop (erf);
	v22 =	vmul.f32 v39, v42  }
0x116: {  	v39 =	vmul.f32 $2.000000030e-01, v30  }
0x117: {  	v11 =	vmul.f32 v38, v11;
	v40 =	vmul.f32 $2.000000030e-01, v28  }
0x118: {  	v36 =	vmul.f32 $1.442695020e+00, v36;
	v35 =	vmul.f32 $1.442695020e+00, v35  }
0x119: {  	v21 =	vmax.f32 v21, v33;
	v63 =	vperm.xlane v37, v1;
	v37 =	vmul.f32 $1.442695020e+00, v34  }
0x11a: {  	v60 =	vpop (erf);
	v16 =	vmax.f32 v16, v17;
	v6 =	vmul.f32 v23, v6;
	v43 =	vmul.f32 $2.000000030e-01, v32  }
0x11b: {  	v24 =	vmax.f32 v24, v27;
	v61 =	vpop (erf);
	v16 =	vmul.f32 $1.442695020e+00, v16;
	(erf) = vpow2.f32 v36  }
0x11c: {  	v21 =	vmul.f32 $1.442695020e+00, v21;
	v30 =	vmax.f32 v30, v39;
	(erf) = vpow2.f32 v35  }
0x11d: {  	v39 =	vmul.f32 $1.442695020e+00, v24;
	v40 =	vmax.f32 v28, v40;
	(erf) = vpow2.f32 v16  }
0x11e: {  	v30 =	vmul.f32 $1.442695020e+00, v30;
	v41 =	vadd.f32 v26, v20;
	(erf) = vpow2.f32 v21  }
0x11f: {  	v21 =	vmul.f32 $1.442695020e+00, v40;
	(erf) = vpow2.f32 v37  }
0x120: {  	v42 =	vmul.f32 $2.000000030e-01, v41;
	(erf) = vpow2.f32 v39  }
0x121: {  	v45 =	vmax.f32 v25, v29;
	v7 =	vmul.f32 v31, v7;
	(erf) = vpow2.f32 v30  }
0x122: {  	v46 =	vperm.xlane v60, v1;
	v16 =	vmax.f32 v41, v42;
	(erf) = vpow2.f32 v21  }
0x123: {  	v23 =	vmul.f32 $1.442695020e+00, v45;
	v16 =	vmul.f32 $1.442695020e+00, v16  }
0x124: {  	[tilespmem:s8+$0xFFFFFFF0] =	vst v22;
	v62 =	vperm.xlane v61, v1;
	v17 =	vmax.f32 v32, v43;
	v3 =	vmul.f32 v63, v3;
	v44 =	vpop (erf)  }
0x125: {  	[tilespmem:s8+$0x0] =	vst v11;
	v17 =	vmul.f32 $1.442695020e+00, v17;
	(erf) = vpow2.f32 v16;
	v47 =	vpop (erf)  }
0x126: {  	[tilespmem:s9+$0x20] =	vst v6;
	v4 =	vmul.f32 v46, v4;
	(erf) = vpow2.f32 v23;
	v48 =	vpop (erf)  }
0x127: {  	[tilespmem:s9+$0x10] =	vst v7;
	v50 =	vperm.xlane v44, v1;
	(erf) = vpow2.f32 v17;
	v49 =	vpop (erf)  }
0x128: {  	v9 =	vmul.f32 v62, v9;
	[tilespmem:s9+$0x30] =	vst v3;
	v52 =	vperm.xlane v48, v1;
	v51 =	vpop (erf)  }
0x129: {  	[tilespmem:s9+$0xFFFFFFC0] =	vst v4;
	v3 =	vmul.f32 v50, v8;
	v6 =	vperm.xlane v49, v1;
	v53 =	vpop (erf)  }
0x12a: {  	[tilespmem:s9+$0xFFFFFFE0] =	vst v9;
	v55 =	vperm.xlane v47, v1;
	v2 =	vmul.f32 v52, v2;
	v54 =	vpop (erf)  }
0x12b: {  	[tilespmem:s9+$0xFFFFFFD0] =	vst v3;
	v57 =	vperm.xlane v51, v1;
	v3 =	vmul.f32 v6, v5;
	v56 =	vpop (erf)  }
0x12c: {  	[tilespmem:s9+$0xFFFFFFF0] =	vst v2;
	v2 =	vmul.f32 v55, v13;
	v4 =	vperm.xlane v56, v1  }
0x12d: {  	s7 =	sadd.s32 $0x80, s7;
	v5 =	vmul.f32 v57, v15;
	[tilespmem:s9+$0x0] =	vst v3;
	v3 =	vperm.xlane v53, v1  }
0x12e: {  	[tilespmem:s7+$0x20] =	vst v2;
	v2 =	vperm.xlane v54, v1;
	v58 =	vpop (erf);
	v4 =	vmul.f32 v4, v12  }
0x12f: {  	[tilespmem:s7+$0x10] =	vst v5;
	v3 =	vmul.f32 v3, v10;
	v59 =	vperm.xlane v58, v1;
	v60 =	vpop (erf)  }
0x130: {  	s23 =	sadd.s32 $0x1, s23;
	v2 =	vmul.f32 v2, v14;
	v61 =	vperm.xlane v60, v1;
	v62 =	vpop (erf);
	[tilespmem:s7+$0xFFFFFFE0] =	vst v4  }
0x131: {  	p1 =	sne.s32 s23, $0x28;
	[tilespmem:s7+$0x30] =	vst v3;
	v3 =	vmul.f32 v59, v20;
	v63 =	vperm.xlane v62, v1  }
.Ltmp3:
0x132: {  	[tilespmem:s7+$0xFFFFFFC0] =	vst v2;
	v2 =	vmul.f32 v61, v18;
	(pc) =	sbr.rel @p1 .LBB2_4-.Ltmp3, $4  }
0x133: {  	[tilespmem:s7+$0xFFFFFFD0] =	vst v3;
	v3 =	vmul.f32 v63, v19  }
0x134: {  	s0 =	sand.u32 $0x3FFFFF80, s0;
	[tilespmem:s7+$0xFFFFFFF0] =	vst v2  }
0x135: {  	s0 =	sadd.s32 $0x2800, s0;
	[tilespmem:s7+$0x0] =	vst v3  }
0x136: {  	[spmem:s2] =	stream.indirect.scatter.add.f32 [tilespmem:s31], [sflag:$0x6], $0x10, s0, s21, $0xb8;
	[tilespmem:$0xA800] =	vst v63  }
0x137: {  	_ =	swait.ge [sflag:s1], $0x800  }
0x138: {  	[sflag:s1] =	ssyncset.done $0x0  }
0x139: {  	[sflag:s1] =	ssyncadd.s32 $0xFFFFF800  }
0x13a: {  	_ =	swait.ge [sflag:s22], $0x800  }
0x13b: {  	s0 =	stileid.u32;
	[sflag:s22] =	ssyncset.done $0x0  }
0x13c: {  	s0 =	sshll.u32 s0, $0x6;
	[sflag:s22] =	ssyncadd.s32 $0xFFFFF800  }
0x13d: {  	s7 =	sshrl.u32 s6, $0x3;
	s0 =	sor.u32 $0x1C07, s0;
	[bflag:$0x0] =	sbarrier.arrive $0xFFFF  }
0x13e: {  	[hbm:s15], [sflag:s0] =	dma.local [spmem:s7], $0x4E0  }
0x13f: {  	_ =	swait.ge [sflag:s19], $0x4E0  }
0x140: {  	s3 =	sadd.s32 $0x1, s3;
	[sflag:s19] =	ssyncset.done $0x0  }
0x141: {  	p1 =	sne.s32 s3, s17;
	s7 =	sshrl.u32 @!p0 s11, $0x3;
	[sflag:s19] =	ssyncadd.s32 $0xFFFFFB20  }
0x142: {  	[hbm:s16], [sflag:s0] =	dma.local @!p0 [spmem:s7], $0x20  }
.Ltmp4:
0x143: {  	_ = 	snop;
	(pc) =	sbr.rel @p1 .LBB2_1-.Ltmp4, $4  }
0x144: {  	s0 =	simm.s32 @!p0 $0x7  }
0x145: {  	_ =	swait.ge @!p0 [sflag:s0], $0x20  }
0x146: {  	[sflag:s0] =	ssyncset.done @!p0 $0x0  }
0x147: {  	[sflag:s0] =	ssyncadd.s32 @!p0 $0xFFFFFFE0  }
0x148: {  	_ =	sfence.sel $0x180000  }
0x149: {  	[bflag:$0x0] =	sbarrier.arrive $0xFFFF  }
0x14a: {  	_ =	strace $0x9000004A  }
0x14b: {  	s0 =	stileid.u32;
	[bflag:$0x2] =	sbarrier.arrive $0xFFFF  }
0x14c: {  	p0 =	sne.s32 s0, $0x0;
	s0 =	rddreg [dreg:$0x2]  }
0x14d: {  	s0 =	sadd.s32 @!p0 $0x100000, s0  }
0x14e: {  	[sflag:s0] =	ssyncadd.tile.s32 @!p0 $0x1;
	_ =	shalt  }
.Lfunc_end2:
_tile_overlayer_lowered:
.L_overlay_start_2:
0x14f: {  	(tag) =	ssettag $0x2  }
0x150: {  	s0 =	rddreg [dreg:$0x0];
	s2 =	stileid.u32  }
0x151: {  	s1 =	rddreg [dreg:$0x1];
	p0 =	sne.s32 s2, $0x0  }
0x152: {  	s3 =	rddreg [dreg:$0x2];
	[bflag:$0x3] =	sbarrier.arrive $0xFFFF;
	s2 =	simm.s32 @!p0 $0x1C07  }
0x153: {  	[timem:s3], [sflag:s2] =	dma.local @!p0 [hbm:s0], s1  }
0x154: {  	s0 =	simm.s32 @!p0 $0x7  }
0x155: {  	_ =	swait.ge @!p0 [sflag:s0], s1  }
0x156: {  	s1 =	ssub.s32 @!p0 $0x0, s1;
	[sflag:s0] =	ssyncset.done @!p0 $0x0  }
0x157: {  	[sflag:s0] =	ssyncadd.s32 @!p0 s1  }
0x158: {  	[bflag:$0x3] =	sbarrier.arrive $0xFFFF  }
0x159: {  	_ =	shalt  }

// kernel: kernel.7.cloned.1.call-start
scs
__scs_entry_jumppad:
0x0: {  	(pc) =	sbr.rel $0x88, $3  }
0x1: {  	(tag) =	ssettag $0x0;
	lr =	simm.s32 $0x1  }
0x2: {  	[smem:$0x3F97] =	sst lr;
	_ =	strace $0xD0000000  }
0x3: {  	_ = 	snop  }
0x4: {  	_ = 	snop  }
0x5: {  	_ = 	snop  }
0x6: {  	_ = 	snop  }
0x7: {  	_ = 	snop  }
__scs_overlays_trampoline_lowered:
0x8: {  	[smem:$0x3FA6] =	sst s0  }
0x9: {  	[smem:$0x3FA7] =	sst s1  }
0xa: {  	[smem:$0x3FA8] =	sst s2  }
0xb: {  	[smem:$0x3FA9] =	sst s3  }
0xc: {  	[smem:$0x3FAA] =	sst s4  }
0xd: {  	[smem:$0x3FAB] =	sst s5  }
0xe: {  	[smem:$0x3FAC] =	sst s6  }
0xf: {  	[smem:$0x3FAD] =	sst s7  }
0x10: {  	[smem:$0x3FAE] =	sst s8  }
0x11: {  	[smem:$0x3FAF] =	sst s9;
	s0 =	simm.s32 @!p0 $0x0  }
0x12: {  	s1 =	sld [smem:$0x3F95];
	s0 =	simm.s32 @p0 $0x1  }
0x13: {  	[smem:$0x3FB0] =	sst s0;
	s0 =	simm.s32 @!p1 $0x0  }
0x14: {  	s2 =	sld [smem:$0x3F94];
	s0 =	simm.s32 @p1 $0x1  }
0x15: {  	[smem:$0x3FB1] =	sst s0;
	s0 =	simm.s32 @!p2 $0x0  }
0x16: {  	s3 =	sld [smem:$0x3FDB];
	s0 =	simm.s32 @p2 $0x1  }
0x17: {  	s4 =	simm.s32 $0x1BF5;
	[smem:$0x3FB3] =	sst s0  }
0x18: {  	s0 =	sld [smem:$0x3F96];
	_ =	swait.ge [sflag:s4], $0x0  }
0x19: {  	s7 =	sld [smem:$0x3F97]  }
0x1a: {  	s8 =	sadd.s32 $0xFFFFE003, lr  }
0x1b: {  	s9 =	sadd.s32 $0xFFFFFEF7, lr;
	s5 =	simm.s32 $0xFFFFFFFF;
	p2 =	slt.u32 s8, $0xFFFFF086  }
0x1c: {  	p1 =	slt.u32 s9, $0xF7A;
	s5 =	simm.s32 @!p2 $0x0  }
0x1d: {  	s5 =	simm.s32 @p1 $0x1;
	p0 =	seq.s32 s7, s2  }
0x1e: {  	s7 =	smul.u32 @!p0 $0xF7A, s2;
	p2 =	seq.s32 @!p0 s5, $0x0  }
0x1f: {  	s9 =	smul.u32 $0xF7A, s1;
	s8 =	simm.s32 @!p0 $0x1BF5;
	p2 =	por !p2, p0  }
0x20: {  	[sflag:s8] =	ssyncset.s32 @!p0 $0xFFFFF086;
	s6 =	sadd.s32 @!p0 s3, s7;
	s7 =	simm.s32 @!p0 $0x108  }
0x21: {  	s3 =	sadd.s32 s3, s9;
	s6 =	sadd.s32 @!p0 $0x88, s6;
	s7 =	simm.s32 @p2 $0x1082  }
0x22: {  	[simem:s7], [sflag:s8] =	dma.local @!p0 [hbm:s6], $0xF7A  }
0x23: {  	s9 =	sor.u32 $0xD0000000, s2;
	s6 =	simm.s32 $0x108;
	_ =	swait.ge @!p0 [sflag:s8], $0x0  }
0x24: {  	s3 =	sadd.s32 $0x88, s3;
	s6 =	simm.s32 @!p1 $0x1082;
	[sflag:s4] =	ssyncset.s32 $0xFFFFF086  }
0x25: {  	[simem:s6], [sflag:s4] =	dma.local [hbm:s3], $0xF7A  }
0x26: {  	[smem:$0x3F97] =	sst s1;
	(tag) =	ssettag s2;
	_ =	strace s9  }
0x27: {  	s1 =	sld [smem:$0x3FA7]  }
0x28: {  	s2 =	sld [smem:$0x3FA8]  }
0x29: {  	s4 =	sld [smem:$0x3FAA]  }
0x2a: {  	p0 =	seq.s32 s5, $0x0;
	s5 =	sld [smem:$0x3FAB]  }
0x2b: {  	s6 =	sld [smem:$0x3FAC]  }
0x2c: {  	s7 =	sld [smem:$0x3FAD]  }
0x2d: {  	s3 =	simm.s32 $0x108;
	s8 =	sld [smem:$0x3FAE]  }
0x2e: {  	s3 =	simm.s32 @!p0 $0x1082;
	s9 =	sld [smem:$0x3FAF]  }
0x2f: {  	lr =	sadd.s32 s0, s3;
	s0 =	sld [smem:$0x3FA6]  }
0x30: {  	s3 =	sld [smem:$0x3FA9]  }
0x31: {  	[smem:$0x3FB2] =	sst s10  }
0x32: {  	s10 =	sld [smem:$0x3FB0];
	_ =	sdelay $0x3  }
0x33: {  	p0 =	seq.s32 s10, $0x1;
	s10 =	sld [smem:$0x3FB2];
	_ =	sdelay $0x3  }
0x34: {  	[smem:$0x3FB2] =	sst s10  }
0x35: {  	s10 =	sld [smem:$0x3FB1];
	_ =	sdelay $0x3  }
0x36: {  	p1 =	seq.s32 s10, $0x1;
	s10 =	sld [smem:$0x3FB2];
	_ =	sdelay $0x3  }
0x37: {  	[smem:$0x3FB2] =	sst s10  }
0x38: {  	s10 =	sld [smem:$0x3FB3]  }
0x39: {  	_ = 	snop;
	(pc) =	sbr.ind lr, $3  }
0x3a: {  	_ = 	snop  }
0x3b: {  	_ = 	snop  }
0x3c: {  	p2 =	seq.s32 s10, $0x1;
	s10 =	sld [smem:$0x3FB2]  }
0x3d: {  	_ =	shalt  }
0x3e: {  	_ =	shalt  }
0x3f: {  	_ =	shalt  }
0x40: {  	_ =	shalt  }
0x41: {  	_ =	shalt  }
0x42: {  	_ =	shalt  }
0x43: {  	_ =	shalt  }
0x44: {  	_ =	shalt  }
0x45: {  	_ =	shalt  }
0x46: {  	_ =	shalt  }
0x47: {  	_ =	shalt  }
0x48: {  	_ =	shalt  }
0x49: {  	_ =	shalt  }
0x4a: {  	_ =	shalt  }
0x4b: {  	_ =	shalt  }
0x4c: {  	_ =	shalt  }
0x4d: {  	_ =	shalt  }
0x4e: {  	_ =	shalt  }
0x4f: {  	_ =	shalt  }
0x50: {  	_ =	shalt  }
0x51: {  	_ =	shalt  }
0x52: {  	_ =	shalt  }
0x53: {  	_ =	shalt  }
0x54: {  	_ =	shalt  }
0x55: {  	_ =	shalt  }
0x56: {  	_ =	shalt  }
0x57: {  	_ =	shalt  }
0x58: {  	_ =	shalt  }
0x59: {  	_ =	shalt  }
0x5a: {  	_ =	shalt  }
0x5b: {  	_ =	shalt  }
0x5c: {  	_ =	shalt  }
0x5d: {  	_ =	shalt  }
0x5e: {  	_ =	shalt  }
0x5f: {  	_ =	shalt  }
0x60: {  	_ =	shalt  }
0x61: {  	_ =	shalt  }
0x62: {  	_ =	shalt  }
0x63: {  	_ =	shalt  }
0x64: {  	_ =	shalt  }
0x65: {  	_ =	shalt  }
0x66: {  	_ =	shalt  }
0x67: {  	_ =	shalt  }
0x68: {  	_ =	shalt  }
0x69: {  	_ =	shalt  }
0x6a: {  	_ =	shalt  }
0x6b: {  	_ =	shalt  }
0x6c: {  	_ =	shalt  }
0x6d: {  	_ =	shalt  }
0x6e: {  	_ =	shalt  }
0x6f: {  	_ =	shalt  }
0x70: {  	_ =	shalt  }
0x71: {  	_ =	shalt  }
0x72: {  	_ =	shalt  }
0x73: {  	_ =	shalt  }
0x74: {  	_ =	shalt  }
0x75: {  	_ =	shalt  }
0x76: {  	_ =	shalt  }
0x77: {  	_ =	shalt  }
0x78: {  	_ =	shalt  }
0x79: {  	_ =	shalt  }
0x7a: {  	_ =	shalt  }
0x7b: {  	_ =	shalt  }
0x7c: {  	_ =	shalt  }
0x7d: {  	_ =	shalt  }
0x7e: {  	_ =	shalt  }
0x7f: {  	_ =	shalt  }
0x80: {  	_ =	shalt  }
0x81: {  	_ =	shalt  }
0x82: {  	_ =	shalt  }
0x83: {  	_ =	shalt  }
0x84: {  	_ =	shalt  }
0x85: {  	_ =	shalt  }
0x86: {  	_ =	shalt  }
0x87: {  	_ =	shalt  }
.Lfunc_end0:
.L_simem_size_0:
called_computation_lowered:
.L_overlay_start_0:
0x88: {  	s2 =	sld [smem:$0x3FD9]  }
0x89: {  	s3 =	sld [smem:$0x3FFE];
	_ =	sdelay $0x1  }
0x8a: {  	s1 =	srdreg.scid  }
0x8b: {  	s0 =	sand.u32 $0x1, s1  }
0x8c: {  	s16 =	sshll.u32 s0, $0xA;
	s2 =	sadd.s32 s3, s2  }
0x8d: {  	s2 =	sadd.s32 s2, s16  }
0x8e: {  	[smem:$0x3FBE] =	sst s2  }
0x8f: {  	_ = 	snop  }
0x90: {  	(tm) =	ssettm $0x1  }
0x91: {  	s17 =	sld [smem:$0x3FFB];
	_ =	sdelay $0x3  }
0x92: {  	_ =	strace s17  }
0x93: {  	s2 =	sld [smem:$0x3FFC];
	_ =	sdelay $0x3  }
0x94: {  	_ =	strace s2  }
0x95: {  	s2 =	sld [smem:$0x3FFD];
	_ =	sdelay $0x3  }
0x96: {  	_ =	strace s2  }
0x97: {  	_ =	strace $0x8FFFFFFF  }
0x98: {  	s18 =	sld [smem:$0x3FDB];
	_ =	sdelay $0x1  }
0x99: {  	s19 =	simm.s32 $_scs_section_size  }
0x9a: {  	s4 =	simm.s32 $_size__tile_overlayer_lowered;
	s5 =	simm.s32 $_tile_overlayer_lowered  }
0x9b: {  	s22 =	simm.s32 $0x1BFF;
	s21 =	sshll.u32 s5, $0x1;
	s2 =	sadd.s32 s19, s18  }
0x9c: {  	s6 =	simm.s32 $0x0;
	s20 =	sshll.u32 s4, $0x1;
	s4 =	sadd.s32 s21, s2  }
0x9d: {  	[timem:s6], [sflag:s22] =	dma.local [hbm:s4], s20  }
0x9e: {  	_ =	swait.ge [sflag:s22], s20  }
0x9f: {  	s3 =	ssub.s32 $0x0, s20;
	[sflag:s22] =	ssyncset.done $0x0  }
0xa0: {  	[sflag:s22] =	ssyncadd.s32 s3;
	_ =	sdelay $0x1  }
0xa1: {  	s23 =	simm.s32 $0x1B8B  }
0xa2: {  	_ =	swait.ge [sflag:s23], $0x1  }
0xa3: {  	[sflag:s23] =	ssyncset.done $0x0  }
0xa4: {  	s25 =	simm.s32 $0x1B8E;
	s24 =	sld [smem:$0x3FFE];
	[sflag:s23] =	ssyncadd.s32 $0xFFFFFFFF  }
0xa5: {  	s26 =	simm.s32 $execute0_lowered;
	[smem:$0x3FD2] =	sst s25  }
0xa6: {  	s4 =	sshll.u32 s26, $0x1;
	_ =	strace $0x80000046;
	[dreg:$0x1] =	wrdreg $0xFFFFFFFF  }
0xa7: {  	s28 =	simm.s32 $_size_execute0_lowered;
	s2 =	sadd.s32 s2, s4;
	[dreg:$0x0] =	wrdreg $0x0  }
0xa8: {  	s4 =	sshll.u32 s28, $0x1;
	[dreg:$0x2] =	wrdreg s2  }
0xa9: {  	[dreg:$0x3] =	wrdreg s4  }
0xaa: {  	[dreg:$0x4] =	wrdreg $0xC0  }
0xab: {  	_ =	task [dreg:s6], $0x5FFFF  }
0xac: {  	[dreg:$0x1] =	wrdreg $0xFFFFFFFF  }
0xad: {  	[dreg:$0x0] =	wrdreg $0x60  }
0xae: {  	[dreg:$0x2] =	wrdreg s24  }
0xaf: {  	[dreg:$0x3] =	wrdreg $0x100000  }
0xb0: {  	[dreg:$0x4] =	wrdreg $0x9  }
0xb1: {  	_ =	task.clear_ibuf [dreg:s6], $0x5FFFF;
	_ =	strace $0x90000046  }
0xb2: {  	s29 =	simm.s32 $0x9;
	_ =	strace $0x80000048  }
0xb3: {  	_ =	swait.ge [sflag:s29], $0x1  }
0xb4: {  	[sflag:s29] =	ssyncadd.s32 $0xFFFFFFFF  }
0xb5: {  	_ =	strace $0x90000048  }
0xb6: {  	_ =	sfence  }
0xb7: {  	s30 =	sld [smem:$0x0];
	_ =	sdelay $0x2  }
0xb8: {  	s31 =	sshll.u32 s1, $0xD;
	s1 =	sshrl.u32 s1, $0x2  }
0xb9: {  	s3 =	sand.u32 $0x4000, s31;
	s1 =	sadd.s32 s1, s30  }
0xba: {  	s0 =	sor.u32 s3, s0;
	s1 =	sshll.u32 s1, $0x11  }
0xbb: {  	s0 =	sor.u32 s1, s0  }
0xbc: {  	s0 =	sadd.s32 $0x8F2B, s0  }
0xbd: {  	[sflag:s0] =	ssyncadd.remote.s32 $0x1  }
0xbe: {  	_ =	sfence.sel $0xFFFF  }
0xbf: {  	[dreg:$0x0] =	wrdreg $0xFFFFFFFF;
	(pc) =	sbr.abs _section_cstart, $3  }
0xc0: {  	[dreg:$0x1] =	wrdreg $0xFFFFFFFF  }
0xc1: {  	_ =	task.clear_ibuf [dreg:s6], $0x2FFFF;
	_ =	strace $0x9FFFFFFF  }
0xc2: {  	(tm) =	ssettm $0x7FFFFFFF  }
0xc3: {  	_ =	shalt  }
tec
execute0_lowered:
.L_overlay_start_1:
0x0: {  	(tag) =	ssettag $0x1  }
0x1: {  	s0 =	rddreg [dreg:$0x0];
	s1 =	srdreg.scid  }
0x2: {  	s12 =	stileid.u32;
	s2 =	rddreg [dreg:$0x1]  }
0x3: {  	s3 =	simm.s32 $0x0;
	s18 =	simm.s32 $0xB000;
	s19 =	simm.s32 $0x7  }
0x4: {  	s28 =	simm.s32 $0xA800;
	s29 =	simm.s32 $0x2;
	s30 =	simm.s32 $0x4  }
0x5: {  	s31 =	simm.s32 $0xD800;
	s1 =	sand.u32 $0x1, s1;
	s4 =	sshll.u32 s12, $0x1  }
0x6: {  	[smem:$0x7FF] =	sst s3;
	s7 =	smul.u32 $0x30C00, s12;
	s5 =	sadd.s32 $0x1A600, s0  }
0x7: {  	s10 =	smul.u32 $0xC300, s12;
	s24 =	sadd.s32 $0xC5800, s2;
	p0 =	sne.s32 s12, $0xF  }
0x8: {  	s4 =	sor.u32 s1, s4;
	_ =	strace $0x80000047;
	s21 =	ssub.s32 $0x2, s1  }
0x9: {  	s1 =	smul.u32 $0xC3500, s1;
	[dreg:$0x7] =	wrdreg s24;
	s24 =	simm.s32 $0x1  }
0xa: {  	s6 =	smul.u32 $0x500, s4;
	s9 =	sshrl.u32 s21, $0x1;
	s7 =	sshrl.u32 s7, $0x2  }
0xb: {  	s4 =	sadd.s32 $0x1600, s0;
	s9 =	ssub.s32 s21, s9;
	s7 =	sadd.s32 s7, s2  }
0xc: {  	s25 =	sadd.s32 s10, s1;
	s1 =	sshrl.u32 s1, $0x3;
	s11 =	sadd.s32 $0x2800, s7  }
0xd: {  	s21 =	simm.s32 $0x80;
	s22 =	sadd.s32 $0x5000, s7;
	[dreg:$0x3] =	wrdreg s11  }
0xe: {  	s8 =	sadd.s32 s6, s0;
	s23 =	sadd.s32 $0x7800, s7;
	[dreg:$0x4] =	wrdreg s22  }
0xf: {  	s0 =	sadd.s32 $0x33600, s0;
	s7 =	sadd.s32 $0xA000, s7;
	[dreg:$0x5] =	wrdreg s23  }
0x10: {  	s6 =	sadd.s32 s10, s2;
	s17 =	smax.u32 s9, $0x1;
	[dreg:$0x6] =	wrdreg s7  }
0x11: {  	s11 =	sadd.s32 $0xC3000, s2;
	s26 =	sadd.s32 $0x29600, s8;
	s7 =	sshrl.u32 s25, $0x3  }
0x12: {  	s8 =	sadd.s32 $0x1F600, s8;
	s25 =	simm.s32 $0x3;
	[dreg:$0x8] =	wrdreg s26  }
0x13: {  	v1 =	vlaneseq.u32;
	[dreg:$0x9] =	wrdreg s8;
	s7 =	sadd.s32 s0, s7;
	s0 =	sadd.s32 s0, s1  }
0x14: {  	v0 =	vimm.f32 $0.0e+00;
	v1 =	vshrl.u32 v1, $0x3;
	s22 =	simm.s32 $0x6;
	[dreg:$0xa] =	wrdreg s7;
	s0 =	sadd.s32 $0x18600, s0  }
0x15: {  	v2 =	vor.u32 $0x2, v1;
	v3 =	vor.u32 $0x4, v1;
	v4 =	vor.u32 $0x6, v1;
	s26 =	simm.s32 $0x7800;
	s1 =	simm.s32 $0x5;
	[dreg:$0xb] =	wrdreg s0  }
.LBB2_1:
0x16: {  	s7 =	simm.s32 $0x140;
	s0 =	simm.s32 $0x0  }
.LBB2_2:
0x17: {  	p1 =	sne.s32 s7, $0x9EC0;
	[tilespmem:s0+$0xB040] =	vst v0;
	s8 =	smov.u32 s7;
	s7 =	sadd.s32 $0x140, s7  }
.Ltmp0:
0x18: {  	[tilespmem:s0+$0xB030] =	vst v0;
	(pc) =	sbr.rel @p1 .LBB2_2-.Ltmp0, $4  }
0x19: {  	[tilespmem:s0+$0xB020] =	vst v0  }
0x1a: {  	[tilespmem:s0+$0xB000] =	vst v0  }
0x1b: {  	[tilespmem:s0+$0xB010] =	vst v0  }
0x1c: {  	s0 =	sshra.s32 s8, $0x2  }
0x1d: {  	[tilespmem:s0+$0xB040] =	vst v0  }
0x1e: {  	[tilespmem:s0+$0xB030] =	vst v0  }
0x1f: {  	[tilespmem:s0+$0xB020] =	vst v0  }
0x20: {  	[tilespmem:s0+$0xB000] =	vst v0  }
0x21: {  	[tilespmem:s0+$0xB010] =	vst v0  }
0x22: {  	[spmem:s6] =	stream.linear.scatter [tilespmem:s18], [sflag:$0x7], $0x2800, $0x38;
	[tilespmem:$0x1C800] =	vst v63  }
0x23: {  	_ =	swait.ge [sflag:s19], $0x2800  }
0x24: {  	[sflag:s19] =	ssyncset.done $0x0  }
0x25: {  	s8 =	rddreg [dreg:$0x3];
	[sflag:s19] =	ssyncadd.s32 $0xFFFFD800  }
0x26: {  	[spmem:s8] =	stream.linear.scatter [tilespmem:s18], [sflag:$0x7], $0x2800, $0x38;
	[tilespmem:$0x1C800] =	vst v63  }
0x27: {  	_ =	swait.ge [sflag:s19], $0x2800  }
0x28: {  	[sflag:s19] =	ssyncset.done $0x0  }
0x29: {  	s9 =	rddreg [dreg:$0x4];
	[sflag:s19] =	ssyncadd.s32 $0xFFFFD800  }
0x2a: {  	[spmem:s9] =	stream.linear.scatter [tilespmem:s18], [sflag:$0x7], $0x2800, $0x38;
	[tilespmem:$0x1C800] =	vst v63  }
0x2b: {  	_ =	swait.ge [sflag:s19], $0x2800  }
0x2c: {  	[sflag:s19] =	ssyncset.done $0x0  }
0x2d: {  	s10 =	rddreg [dreg:$0x5];
	[sflag:s19] =	ssyncadd.s32 $0xFFFFD800  }
0x2e: {  	[spmem:s10] =	stream.linear.scatter [tilespmem:s18], [sflag:$0x7], $0x2800, $0x38;
	[tilespmem:$0x1C800] =	vst v63  }
0x2f: {  	_ =	swait.ge [sflag:s19], $0x2800  }
0x30: {  	[sflag:s19] =	ssyncset.done $0x0  }
0x31: {  	s12 =	rddreg [dreg:$0x6];
	[sflag:s19] =	ssyncadd.s32 $0xFFFFD800  }
0x32: {  	[spmem:s12] =	stream.linear.scatter [tilespmem:s18], [sflag:$0x7], $0x2300, $0x38;
	[tilespmem:$0x1C800] =	vst v63  }
0x33: {  	_ =	swait.ge [sflag:s19], $0x2300  }
0x34: {  	[sflag:s19] =	ssyncset.done $0x0  }
0x35: {  	s0 =	simm.s32 @!p0 $0xB000;
	s7 =	simm.s32 @!p0 $0x7;
	[sflag:s19] =	ssyncadd.s32 $0xFFFFDD00  }
0x36: {  	[spmem:s11] =	stream.linear.scatter @!p0 [tilespmem:s0], [sflag:$0x7], $0x2800, $0x38;
	[tilespmem:$0x1C800] =	vst v63  }
0x37: {  	_ =	swait.ge @!p0 [sflag:s7], $0x2800  }
0x38: {  	[sflag:s7] =	ssyncset.done @!p0 $0x0  }
0x39: {  	s8 =	rddreg [dreg:$0x7];
	[sflag:s7] =	ssyncadd.s32 @!p0 $0xFFFFD800  }
0x3a: {  	[spmem:s8] =	stream.linear.scatter @!p0 [tilespmem:s0], [sflag:$0x7], $0x2800, $0x38;
	[tilespmem:$0x1C800] =	vst v63  }
0x3b: {  	_ =	swait.ge @!p0 [sflag:s7], $0x2800  }
0x3c: {  	[sflag:s7] =	ssyncset.done @!p0 $0x0  }
0x3d: {  	[sflag:s7] =	ssyncadd.s32 @!p0 $0xFFFFD800  }
0x3e: {  	[bflag:$0x0] =	sbarrier.arrive $0xFFFF  }
0x3f: {  	s23 =	simm.s32 $0x0;
	s13 =	rddreg [dreg:$0x8]  }
0x40: {  	[tilespmem:s23], [sflag:$0x7] =	stream.linear.gather [hbm4b:s13+s23], $0x2800, $0x38;
	[tilespmem:$0x1C800] =	vst v63  }
0x41: {  	_ =	swait.ge [sflag:s19], $0x2800  }
0x42: {  	[sflag:s19] =	ssyncset.done $0x0  }
0x43: {  	s15 =	simm.s32 $0x2800;
	s14 =	rddreg [dreg:$0x9];
	[sflag:s19] =	ssyncadd.s32 $0xFFFFD800  }
0x44: {  	[tilespmem:s15], [sflag:$0x7] =	stream.linear.gather [hbm4b:s14+s23], $0x2800, $0x38;
	[tilespmem:$0x1C800] =	vst v63  }
0x45: {  	_ =	swait.ge [sflag:s19], $0x2800  }
0x46: {  	[sflag:s19] =	ssyncset.done $0x0  }
0x47: {  	s16 =	simm.s32 $0x5000;
	[sflag:s19] =	ssyncadd.s32 $0xFFFFD800  }
0x48: {  	[tilespmem:s16], [sflag:$0x1] =	stream.indirect.gather [hbm4b:s4+s21], $0x50, s23, s21, $0xb8;
	[tilespmem:$0x1C800] =	vst v63  }
0x49: {  	s20 =	simm.s32 $0xA000  }
0x4a: {  	[tilespmem:s20], [sflag:$0x3] =	stream.indirect.gather [hbm4b:s5+s21], $0x10, s15, s21, $0xb8;
	[tilespmem:$0x1C800] =	vst v63  }
.LBB2_4:
0x4b: {  	_ =	swait.ge [sflag:s24], $0x2800  }
0x4c: {  	[sflag:s24] =	ssyncset.done $0x0  }
0x4d: {  	[sflag:s24] =	ssyncadd.s32 $0xFFFFD800  }
0x4e: {  	_ =	swait.ge [sflag:s25], $0x800  }
0x4f: {  	s0 =	sshllo.u32 s23, $0x1;
	[sflag:s25] =	ssyncset.done $0x0  }
0x50: {  	s0 =	sshll.u32 s0, $0x7;
	[sflag:s25] =	ssyncadd.s32 $0xFFFFF800  }
0x51: {  	[tilespmem:s26], [sflag:$0x2] =	stream.indirect.gather [hbm4b:s4+s21], $0x50, s0, s21, $0xb8;
	[tilespmem:$0x1C800] =	vst v63  }
0x52: {  	p1 =	seq.s32 s23, $0x0;
	s7 =	sadd.s32 $0x2800, s0  }
0x53: {  	[tilespmem:s28], [sflag:$0x4] =	stream.indirect.gather [hbm4b:s5+s21], $0x10, s7, s21, $0xb8;
	[tilespmem:$0x1C800] =	vst v63  }
0x54: {  	s7 =	simm.s32 @!p1 $0x5  }
0x55: {  	_ =	swait.ge @!p1 [sflag:s7], $0x2800  }
0x56: {  	[sflag:s7] =	ssyncset.done @!p1 $0x0  }
0x57: {  	s12 =	simm.s32 $0x50A0;
	[sflag:s7] =	ssyncadd.s32 @!p1 $0xFFFFD800  }
0x58: {  	s20 =	simm.s32 $0xA020;
	v5 =	vld [tilespmem:s12+$0x90]  }
0x59: {  	v6 =	vld [tilespmem:s20+$0x10];
	_ =	sdelay $0x4  }
0x5a: {  	v7 =	vld [tilespmem:s20+$0xFFFFFFE0];
	v5 =	vadd.f32 v6, v5  }
0x5b: {  	v8 =	vld [tilespmem:s20+$0xFFFFFFF0]  }
0x5c: {  	v10 =	vld [tilespmem:s12+$0x40];
	v9 =	vmul.f32 $2.000000030e-01, v5  }
0x5d: {  	v6 =	vld [tilespmem:s12+$0xFFFFFFF0]  }
0x5e: {  	v11 =	vld [tilespmem:s20+$0x0];
	v5 =	vmax.f32 v5, v9  }
0x5f: {  	v9 =	vld [tilespmem:s12+$0xFFFFFFA0];
	v5 =	vmul.f32 $1.442695020e+00, v5;
	_ =	sdelay $0x1  }
0x60: {  	(erf) = vpow2.f32 v5  }
0x61: {  	v5 =	vadd.f32 v8, v6  }
0x62: {  	v6 =	vadd.f32 v11, v10  }
0x63: {  	v8 =	vmul.f32 $2.000000030e-01, v5;
	v7 =	vadd.f32 v7, v9  }
0x64: {  	v9 =	vmul.f32 $2.000000030e-01, v6  }
0x65: {  	v5 =	vmax.f32 v5, v8;
	v8 =	vmul.f32 $2.000000030e-01, v7  }
0x66: {  	v6 =	vmax.f32 v6, v9;
	v5 =	vmul.f32 $1.442695020e+00, v5  }
0x67: {  	v6 =	vmul.f32 $1.442695020e+00, v6;
	v7 =	vmax.f32 v7, v8  }
0x68: {  	s20 =	simm.s32 $0x51E0;
	v7 =	vmul.f32 $1.442695020e+00, v7;
	(erf) = vpow2.f32 v5  }
0x69: {  	s8 =	simm.s32 $0xA060;
	s7 =	simm.s32 $0xB0A0;
	v5 =	vld [tilespmem:s20+$0x90];
	(erf) = vpow2.f32 v6;
	v8 =	vpop (erf)  }
0x6a: {  	v6 =	vld [tilespmem:s8+$0x10];
	(erf) = vpow2.f32 v7;
	[tilespmem:s7+$0x90] =	vst v8  }
0x6b: {  	v7 =	vld [tilespmem:s12+$0x50];
	_ =	sdelay $0x2  }
0x6c: {  	v12 =	vld [tilespmem:s8+$0xFFFFFFF0];
	v10 =	vperm.xlane v8, v1  }
0x6d: {  	v14 =	vld [tilespmem:s8+$0x0]  }
0x6e: {  	v17 =	vld [tilespmem:s20+$0xFFFFFFA0];
	v5 =	vadd.f32 v6, v5;
	v7 =	vmul.f32 v7, v10  }
0x6f: {  	v11 =	vld [tilespmem:s20+$0xFFFFFFF0];
	v6 =	vpop (erf)  }
0x70: {  	v9 =	vld [tilespmem:s8+$0xFFFFFFE0];
	v13 =	vpop (erf);
	[tilespmem:s7+$0x50] =	vst v7;
	v7 =	vmul.f32 $2.000000030e-01, v5  }
0x71: {  	v10 =	vld [tilespmem:s20+$0x40];
	v15 =	vpop (erf)  }
0x72: {  	v16 =	vld [tilespmem:s12+$0x60];
	[tilespmem:s7+$0xFFFFFFA0] =	vst v15;
	v5 =	vmax.f32 v5, v7  }
0x73: {  	v7 =	vld [tilespmem:s12+$0xFFFFFF60];
	v5 =	vmul.f32 $1.442695020e+00, v5  }
0x74: {  	v19 =	vperm.xlane v8, v2;
	[tilespmem:s7+$0xFFFFFFF0] =	vst v6  }
0x75: {  	v20 =	vperm.xlane v6, v1;
	[tilespmem:s7+$0x40] =	vst v13;
	v18 =	vld [tilespmem:s12+$0xFFFFFFB0];
	(erf) = vpow2.f32 v5  }
0x76: {  	v11 =	vadd.f32 v12, v11;
	v23 =	vperm.xlane v6, v3;
	v12 =	vld [tilespmem:s12+$0x0];
	v5 =	vperm.xlane v15, v1  }
0x77: {  	s10 =	simm.s32 $0xA0A0;
	v24 =	vperm.xlane v13, v3;
	v10 =	vadd.f32 v14, v10;
	v14 =	vmul.f32 v16, v19  }
0x78: {  	s9 =	simm.s32 $0x5320;
	v25 =	vld [tilespmem:s10+$0xFFFFFFE0];
	v9 =	vadd.f32 v9, v17;
	v19 =	vmul.f32 $2.000000030e-01, v11;
	v5 =	vmul.f32 v7, v5  }
0x79: {  	v28 =	vld [tilespmem:s9+$0xFFFFFFA0];
	v17 =	vmul.f32 $2.000000030e-01, v10;
	v16 =	vperm.xlane v13, v1;
	[tilespmem:s7+$0x60] =	vst v14  }
0x7a: {  	v7 =	vmax.f32 v11, v19;
	v11 =	vmul.f32 $2.000000030e-01, v9;
	v14 =	vmul.f32 v18, v20;
	v18 =	vld [tilespmem:s12+$0x70];
	[tilespmem:s7+$0xFFFFFF60] =	vst v5  }
0x7b: {  	v10 =	vmax.f32 v10, v17;
	v7 =	vmul.f32 $1.442695020e+00, v7;
	v5 =	vmul.f32 v12, v16;
	v12 =	vld [tilespmem:s12+$0xFFFFFF70]  }
0x7c: {  	v21 =	vperm.xlane v15, v3;
	v10 =	vmul.f32 $1.442695020e+00, v10;
	[tilespmem:s7+$0xFFFFFFB0] =	vst v14;
	v9 =	vmax.f32 v9, v11;
	v11 =	vld [tilespmem:s9+$0x90]  }
0x7d: {  	(erf) = vpow2.f32 v7;
	v7 =	vld [tilespmem:s12+$0xFFFFFFC0];
	[tilespmem:s7+$0x0] =	vst v5;
	v9 =	vmul.f32 $1.442695020e+00, v9  }
0x7e: {  	s8 =	simm.s32 $0xB1E0;
	v5 =	vperm.xlane v8, v3;
	(erf) = vpow2.f32 v10;
	v10 =	vld [tilespmem:s12+$0x10];
	v14 =	vpop (erf)  }
0x7f: {  	v16 =	vperm.xlane v15, v2;
	(erf) = vpow2.f32 v9;
	v9 =	vld [tilespmem:s10+$0x10];
	[tilespmem:s8+$0x90] =	vst v14  }
0x80: {  	v17 =	vperm.xlane v6, v2;
	v5 =	vmul.f32 v18, v5;
	v18 =	vld [tilespmem:s20+$0x50]  }
0x81: {  	s13 =	simm.s32 $0xA0E0;
	v26 =	vld [tilespmem:s10+$0xFFFFFFF0];
	v25 =	vadd.f32 v25, v28;
	v19 =	vperm.xlane v13, v2;
	v12 =	vmul.f32 v12, v16  }
0x82: {  	v38 =	vld [tilespmem:s13+$0x0];
	v20 =	vperm.xlane v15, v4;
	[tilespmem:s7+$0x70] =	vst v5;
	v5 =	vperm.xlane v13, v4  }
0x83: {  	v15 =	vld [tilespmem:s9+$0xFFFFFFF0];
	v13 =	vperm.xlane v14, v1;
	[tilespmem:s7+$0xFFFFFF70] =	vst v12;
	v12 =	vmul.f32 $2.000000030e-01, v25  }
0x84: {  	v7 =	vmul.f32 v7, v17;
	v17 =	vld [tilespmem:s9+$0x40];
	v10 =	vmul.f32 v10, v19  }
0x85: {  	v22 =	vld [tilespmem:s12+$0x80];
	v9 =	vadd.f32 v9, v11;
	v12 =	vmax.f32 v25, v12;
	v13 =	vmul.f32 v18, v13  }
0x86: {  	v6 =	vperm.xlane v6, v4;
	[tilespmem:s7+$0x10] =	vst v10;
	v16 =	vpop (erf);
	v10 =	vmul.f32 $1.442695020e+00, v12;
	v18 =	vld [tilespmem:s10+$0x0]  }
0x87: {  	v8 =	vperm.xlane v8, v4;
	v12 =	vld [tilespmem:s12+$0x20];
	v19 =	vpop (erf);
	s10 =	simm.s32 $0x5460;
	[tilespmem:s8+$0x50] =	vst v13;
	v13 =	vmul.f32 $2.000000030e-01, v9  }
0x88: {  	v15 =	vadd.f32 v26, v15;
	v28 =	vperm.xlane v14, v2;
	v11 =	vperm.xlane v16, v1;
	v39 =	vld [tilespmem:s10+$0xFFFFFFA0];
	v29 =	vpop (erf)  }
0x89: {  	v26 =	vperm.xlane v16, v2;
	v56 =	vperm.xlane v16, v3;
	[tilespmem:s8+$0xFFFFFFA0] =	vst v29;
	v32 =	vld [tilespmem:s20+$0x60];
	v9 =	vmax.f32 v9, v13  }
0x8a: {  	[tilespmem:s8+$0xFFFFFFF0] =	vst v16;
	v22 =	vmul.f32 v22, v8;
	v8 =	vld [tilespmem:s20+$0xFFFFFF60];
	v9 =	vmul.f32 $1.442695020e+00, v9  }
0x8b: {  	v27 =	vperm.xlane v19, v1;
	[tilespmem:s8+$0x40] =	vst v19;
	v13 =	vld [tilespmem:s20+$0xFFFFFFB0];
	v17 =	vadd.f32 v18, v17;
	v18 =	vmul.f32 $2.000000030e-01, v15  }
0x8c: {  	v57 =	vperm.xlane v19, v3;
	v33 =	vld [tilespmem:s20+$0x0];
	(erf) = vpow2.f32 v9  }
0x8d: {  	v30 =	vperm.xlane v29, v1;
	v34 =	vmul.f32 $2.000000030e-01, v17;
	v9 =	vmax.f32 v15, v18;
	v18 =	vld [tilespmem:s12+$0xFFFFFF80]  }
0x8e: {  	v31 =	vperm.xlane v29, v2;
	[tilespmem:s7+$0x80] =	vst v22;
	v22 =	vld [tilespmem:s10+$0x40];
	v15 =	vmul.f32 v32, v28  }
0x8f: {  	[tilespmem:s7+$0xFFFFFFC0] =	vst v7;
	v7 =	vmul.f32 $1.442695020e+00, v9;
	v28 =	vld [tilespmem:s10+$0x90];
	v9 =	vmax.f32 v17, v34;
	v8 =	vmul.f32 v8, v30  }
0x90: {  	v17 =	vld [tilespmem:s12+$0xFFFFFFD0];
	v11 =	vmul.f32 v13, v11;
	v9 =	vmul.f32 $1.442695020e+00, v9;
	[tilespmem:s8+$0x60] =	vst v15  }
0x91: {  	(erf) = vpow2.f32 v7;
	v7 =	vld [tilespmem:s20+$0x70];
	[tilespmem:s8+$0xFFFFFF60] =	vst v8;
	v8 =	vmul.f32 v33, v27  }
0x92: {  	[tilespmem:s8+$0xFFFFFFB0] =	vst v11;
	(erf) = vpow2.f32 v9;
	v25 =	vld [tilespmem:s20+$0xFFFFFF70];
	v18 =	vmul.f32 v18, v21  }
0x93: {  	v24 =	vmul.f32 v12, v24;
	(erf) = vpow2.f32 v10;
	v10 =	vld [tilespmem:s20+$0xFFFFFFC0];
	[tilespmem:s8+$0x0] =	vst v8  }
0x94: {  	v15 =	vperm.xlane v19, v2;
	v8 =	vperm.xlane v14, v3;
	v11 =	vld [tilespmem:s20+$0x10];
	[tilespmem:s7+$0xFFFFFF80] =	vst v18  }
0x95: {  	s14 =	simm.s32 $0xB320;
	v27 =	vperm.xlane v29, v3;
	v9 =	vperm.xlane v29, v4;
	v63 =	vld [tilespmem:s12+$0xFFFFFF90];
	v13 =	vpop (erf)  }
0x96: {  	v29 =	vmul.f32 v7, v8;
	v8 =	vperm.xlane v16, v4;
	v16 =	vld [tilespmem:s13+$0x10];
	[tilespmem:s14+$0x90] =	vst v13  }
0x97: {  	v14 =	vperm.xlane v14, v4;
	v21 =	vmul.f32 v17, v23;
	v17 =	vld [tilespmem:s9+$0x50]  }
0x98: {  	v23 =	vmul.f32 v25, v31;
	v25 =	vmul.f32 v10, v26;
	v26 =	vld [tilespmem:s13+$0xFFFFFFE0]  }
0x99: {  	v7 =	vperm.xlane v19, v4;
	[tilespmem:s8+$0x70] =	vst v29;
	v10 =	vld [tilespmem:s10+$0xFFFFFFF0];
	v30 =	vmul.f32 v11, v15  }
0x9a: {  	v22 =	vadd.f32 v38, v22;
	v12 =	vld [tilespmem:s20+$0x80];
	v11 =	vperm.xlane v13, v1;
	v29 =	vpop (erf);
	v20 =	vmul.f32 v63, v20  }
0x9b: {  	v15 =	vld [tilespmem:s13+$0xFFFFFFF0];
	v31 =	vperm.xlane v29, v1;
	v58 =	vpop (erf);
	v19 =	vperm.xlane v29, v2  }
0x9c: {  	[tilespmem:s8+$0x10] =	vst v30;
	v30 =	vmul.f32 $2.000000030e-01, v22;
	v35 =	vperm.xlane v58, v1;
	v36 =	vpop (erf)  }
0x9d: {  	v16 =	vadd.f32 v16, v28;
	v37 =	vperm.xlane v36, v1;
	v11 =	vmul.f32 v17, v11  }
0x9e: {  	[tilespmem:s8+$0xFFFFFFC0] =	vst v25;
	v18 =	vperm.xlane v36, v2;
	v17 =	vperm.xlane v58, v2  }
0x9f: {  	v28 =	vmul.f32 v12, v14;
	v14 =	vmul.f32 $2.000000030e-01, v16;
	[tilespmem:s14+$0x50] =	vst v11  }
0xa0: {  	[tilespmem:s14+$0xFFFFFFA0] =	vst v36;
	v25 =	vadd.f32 v26, v39;
	v26 =	vperm.xlane v13, v2;
	v41 =	vadd.f32 v15, v10;
	v42 =	vld [tilespmem:s9+$0x60]  }
0xa1: {  	[tilespmem:s14+$0xFFFFFFF0] =	vst v29;
	v40 =	vld [tilespmem:s9+$0xFFFFFF60];
	v12 =	vperm.xlane v29, v3;
	v10 =	vperm.xlane v58, v3;
	v16 =	vmax.f32 v16, v14  }
0xa2: {  	[tilespmem:s8+$0xFFFFFF70] =	vst v23;
	v59 =	vld [tilespmem:s9+$0xFFFFFFB0];
	v14 =	vperm.xlane v29, v4;
	v29 =	vmul.f32 $1.442695020e+00, v16  }
0xa3: {  	v61 =	vld [tilespmem:s20+$0xFFFFFF80];
	[tilespmem:s14+$0x40] =	vst v58;
	v22 =	vmax.f32 v22, v30;
	v15 =	vperm.xlane v36, v4;
	v23 =	vmul.f32 $2.000000030e-01, v41  }
0xa4: {  	v60 =	vld [tilespmem:s9+$0x0];
	v22 =	vmul.f32 $1.442695020e+00, v22;
	(erf) = vpow2.f32 v29  }
0xa5: {  	[tilespmem:s7+$0xFFFFFFD0] =	vst v21;
	v62 =	vld [tilespmem:s20+$0x20];
	v21 =	vmax.f32 v41, v23;
	v23 =	vmul.f32 $2.000000030e-01, v25;
	v26 =	vmul.f32 v42, v26  }
0xa6: {  	[tilespmem:s8+$0x80] =	vst v28;
	v29 =	vld [tilespmem:s20+$0xFFFFFFD0];
	v21 =	vmul.f32 $1.442695020e+00, v21;
	v28 =	vmul.f32 v40, v37  }
0xa7: {  	v11 =	vperm.xlane v36, v3;
	v30 =	vmul.f32 v59, v31;
	v25 =	vmax.f32 v25, v23;
	v23 =	vld [tilespmem:s12+$0xFFFFFFE0];
	[tilespmem:s14+$0x60] =	vst v26  }
0xa8: {  	(erf) = vpow2.f32 v21;
	[tilespmem:s14+$0xFFFFFF60] =	vst v28;
	v26 =	vmul.f32 $1.442695020e+00, v25;
	v28 =	vld [tilespmem:s9+$0x70]  }
0xa9: {  	[tilespmem:s14+$0xFFFFFFB0] =	vst v30;
	v21 =	vmul.f32 v60, v35;
	(erf) = vpow2.f32 v22;
	v25 =	vld [tilespmem:s9+$0xFFFFFF70]  }
0xaa: {  	[tilespmem:s7+$0x20] =	vst v24;
	v22 =	vmul.f32 v61, v27;
	(erf) = vpow2.f32 v26;
	v26 =	vld [tilespmem:s9+$0xFFFFFFC0]  }
0xab: {  	v24 =	vld [tilespmem:s12+$0x30];
	v30 =	vperm.xlane v13, v3;
	[tilespmem:s14+$0x0] =	vst v21;
	v29 =	vmul.f32 v29, v56  }
0xac: {  	s15 =	simm.s32 $0xC;
	s16 =	simm.s32 $0x55A0;
	v16 =	vperm.xlane v58, v4;
	s12 =	simm.s32 $0xB320;
	v27 =	vld [tilespmem:s9+$0x10];
	[tilespmem:s8+$0xFFFFFF80] =	vst v22;
	v22 =	vmul.f32 v62, v57  }
.LBB2_5:
0xad: {  	v31 =	vld [tilespmem:s16+$0x90];
	s13 =	sadd.s32 $0x40, s13;
	v32 =	vpop (erf);
	v28 =	vmul.f32 v28, v30;
	s14 =	sadd.s32 $0x140, s14;
	[tilespmem:s8+$0xFFFFFFD0] =	vst v29;
	v23 =	vmul.f32 v23, v6;
	v21 =	vmov v15  }
0xae: {  	v6 =	vmov v8;
	v8 =	vmov v14;
	v15 =	vld [tilespmem:s13+$0x10];
	[tilespmem:s14+$0x90] =	vst v32;
	v18 =	vmul.f32 v25, v18  }
0xaf: {  	v14 =	vld [tilespmem:s10+$0x50];
	v19 =	vmul.f32 v26, v19;
	[tilespmem:s12+$0x70] =	vst v28  }
0xb0: {  	[tilespmem:s12+$0xFFFFFF70] =	vst v18;
	v25 =	vld [tilespmem:s9+$0x80];
	v24 =	vmul.f32 v24, v5;
	v5 =	vmov v7;
	v7 =	vmov v16  }
0xb1: {  	s15 =	sadd.s32 $0x4, s15;
	v16 =	vld [tilespmem:s13+$0xFFFFFFE0];
	v26 =	vpop (erf);
	[tilespmem:s12+$0xFFFFFFC0] =	vst v19;
	v17 =	vmul.f32 v27, v17  }
0xb2: {  	p1 =	slt.u32 s15, $0x7C;
	v18 =	vperm.xlane v32, v1;
	v27 =	vld [tilespmem:s16+$0xFFFFFFF0];
	[tilespmem:s14+$0xFFFFFFF0] =	vst v26;
	v28 =	vperm.xlane v26, v1;
	v29 =	vpop (erf)  }
0xb3: {  	v19 =	vperm.xlane v13, v4;
	v13 =	vmov v32;
	v30 =	vld [tilespmem:s13+$0xFFFFFFF0];
	[tilespmem:s14+$0x40] =	vst v29;
	v33 =	vperm.xlane v29, v1;
	v34 =	vpop (erf)  }
0xb4: {  	v32 =	vld [tilespmem:s16+$0x40];
	[tilespmem:s14+$0xFFFFFFA0] =	vst v34;
	v35 =	vperm.xlane v34, v1;
	v14 =	vmul.f32 v14, v18  }
0xb5: {  	v15 =	vadd.f32 v15, v31;
	v18 =	vperm.xlane v34, v2;
	v36 =	vld [tilespmem:s13+$0x0];
	[tilespmem:s12+$0x10] =	vst v17;
	v25 =	vmul.f32 v25, v19  }
0xb6: {  	v19 =	vperm.xlane v26, v2;
	v17 =	vperm.xlane v29, v2;
	v31 =	vld [tilespmem:s16+$0xFFFFFFA0];
	[tilespmem:s14+$0x50] =	vst v14  }
0xb7: {  	v38 =	vperm.xlane v34, v3;
	v14 =	vmul.f32 $2.000000030e-01, v15;
	v37 =	vld [tilespmem:s10+$0xFFFFFF60];
	[tilespmem:s12+$0x80] =	vst v25  }
0xb8: {  	v39 =	vperm.xlane v29, v3;
	v25 =	vadd.f32 v30, v27;
	v27 =	vperm.xlane v26, v3;
	v30 =	vld [tilespmem:s10+$0x60];
	[tilespmem:s8+$0x20] =	vst v22  }
0xb9: {  	v22 =	vmax.f32 v15, v14;
	v15 =	vperm.xlane v34, v4;
	v14 =	vperm.xlane v26, v4;
	v34 =	vld [tilespmem:s10+$0xFFFFFFB0];
	[tilespmem:s7+$0xFFFFFF90] =	vst v20  }
0xba: {  	v22 =	vmul.f32 $1.442695020e+00, v22;
	v20 =	vmul.f32 $2.000000030e-01, v25;
	v26 =	vadd.f32 v36, v32;
	v32 =	vld [tilespmem:s10+$0x0];
	[tilespmem:s7+$0xFFFFFFE0] =	vst v23  }
0xbb: {  	v23 =	vadd.f32 v16, v31;
	v16 =	vperm.xlane v29, v4;
	v29 =	vperm.xlane v13, v2;
	v31 =	vld [tilespmem:s9+$0xFFFFFF80];
	[tilespmem:s7+$0x30] =	vst v24;
	s7 =	smov.u32 s8;
	s8 =	smov.u32 s12;
	s12 =	smov.u32 s14  }
0xbc: {  	v20 =	vmax.f32 v25, v20;
	v24 =	vmul.f32 $2.000000030e-01, v26;
	(erf) = vpow2.f32 v22;
	v22 =	vld [tilespmem:s9+$0xFFFFFFD0]  }
0xbd: {  	v25 =	vmul.f32 $2.000000030e-01, v23;
	v29 =	vmul.f32 v30, v29;
	v36 =	vld [tilespmem:s9+$0x20]  }
0xbe: {  	v20 =	vmul.f32 $1.442695020e+00, v20;
	v24 =	vmax.f32 v26, v24;
	v26 =	vmul.f32 v37, v35;
	v35 =	vld [tilespmem:s20+$0xFFFFFF90]  }
0xbf: {  	v30 =	vmul.f32 v34, v28;
	v25 =	vmax.f32 v23, v25;
	v24 =	vmul.f32 $1.442695020e+00, v24;
	[tilespmem:s14+$0x60] =	vst v29;
	v23 =	vld [tilespmem:s20+$0xFFFFFFE0]  }
.Ltmp1:
0xc0: {  	v29 =	vmul.f32 $1.442695020e+00, v25;
	(erf) = vpow2.f32 v20;
	[tilespmem:s14+$0xFFFFFF60] =	vst v26;
	v28 =	vld [tilespmem:s10+$0x70];
	(pc) =	sbr.rel @p1 .LBB2_5-.Ltmp1, $4  }
0xc1: {  	v20 =	vmul.f32 v32, v33;
	(erf) = vpow2.f32 v24;
	v25 =	vld [tilespmem:s10+$0xFFFFFF70];
	[tilespmem:s14+$0xFFFFFFB0] =	vst v30  }
0xc2: {  	v31 =	vmul.f32 v31, v11;
	v11 =	vmov v38;
	(erf) = vpow2.f32 v29;
	v26 =	vld [tilespmem:s10+$0xFFFFFFC0]  }
0xc3: {  	v30 =	vperm.xlane v13, v3;
	v29 =	vmul.f32 v22, v12;
	v12 =	vmov v27;
	[tilespmem:s14+$0x0] =	vst v20;
	v24 =	vld [tilespmem:s20+$0x30];
	s20 =	smov.u32 s9;
	s9 =	smov.u32 s10;
	s10 =	smov.u32 s16  }
0xc4: {  	v22 =	vmul.f32 v36, v10;
	v10 =	vmovc v39;
	s16 =	sadd.s32 $0x140, s16;
	v20 =	vmul.f32 v35, v9;
	v9 =	vmov v21;
	v27 =	vld [tilespmem:s9+$0x10];
	[tilespmem:s8+$0xFFFFFF80] =	vst v31  }
0xc5: {  	v21 =	vpop (erf);
	s13 =	sadd.s32 $0x140, s14  }
0xc6: {  	[tilespmem:s13+$0x90] =	vst v21  }
0xc7: {  	v31 =	vld [tilespmem:s10+$0x50];
	_ =	sdelay $0x2  }
0xc8: {  	v32 =	vperm.xlane v21, v1;
	_ =	sdelay $0x1  }
0xc9: {  	v28 =	vmul.f32 v28, v30;
	v31 =	vmul.f32 v31, v32  }
0xca: {  	[tilespmem:s8+$0xFFFFFFD0] =	vst v29  }
0xcb: {  	v30 =	vpop (erf);
	[tilespmem:s13+$0x50] =	vst v31  }
0xcc: {  	[tilespmem:s7+$0xFFFFFF90] =	vst v20;
	v29 =	vpop (erf);
	v31 =	vld [tilespmem:s10+$0x60]  }
0xcd: {  	[tilespmem:s12+$0x70] =	vst v28;
	v28 =	vpop (erf)  }
0xce: {  	v53 =	vld [tilespmem:s9+$0x80];
	[tilespmem:s13+$0xFFFFFFA0] =	vst v28  }
0xcf: {  	v18 =	vmul.f32 v25, v18;
	v33 =	vperm.xlane v21, v2;
	[tilespmem:s13+$0xFFFFFFF0] =	vst v30;
	v25 =	vld [tilespmem:s10+$0xFFFFFF60]  }
0xd0: {  	v19 =	vmul.f32 v26, v19;
	[tilespmem:s13+$0x40] =	vst v29;
	v26 =	vld [tilespmem:s10+$0xFFFFFFB0]  }
0xd1: {  	v13 =	vperm.xlane v13, v4;
	[tilespmem:s12+$0xFFFFFF70] =	vst v18;
	v18 =	vld [tilespmem:s10+$0x0];
	v31 =	vmul.f32 v31, v33  }
0xd2: {  	[tilespmem:s12+$0xFFFFFFC0] =	vst v19;
	v17 =	vmul.f32 v27, v17;
	v19 =	vperm.xlane v28, v1  }
0xd3: {  	v27 =	vperm.xlane v30, v1;
	v13 =	vmul.f32 v53, v13;
	[tilespmem:s13+$0x60] =	vst v31  }
0xd4: {  	[tilespmem:s12+$0x10] =	vst v17;
	v17 =	vmul.f32 v25, v19;
	v31 =	vperm.xlane v29, v1;
	v19 =	vld [tilespmem:s10+$0x70]  }
0xd5: {  	[tilespmem:s12+$0x80] =	vst v13;
	v13 =	vmul.f32 v26, v27  }
0xd6: {  	v20 =	vld [tilespmem:s9+$0xFFFFFF80];
	[tilespmem:s13+$0xFFFFFF60] =	vst v17;
	v17 =	vmul.f32 v18, v31  }
0xd7: {  	[tilespmem:s13+$0xFFFFFFB0] =	vst v13;
	v13 =	vperm.xlane v21, v3;
	v18 =	vld [tilespmem:s10+$0xFFFFFF70]  }
0xd8: {  	v5 =	vmul.f32 v24, v5;
	v25 =	vld [tilespmem:s10+$0xFFFFFFC0];
	[tilespmem:s13+$0x0] =	vst v17  }
0xd9: {  	[tilespmem:s8+$0x20] =	vst v22;
	v17 =	vld [tilespmem:s10+$0x10];
	v13 =	vmul.f32 v19, v13  }
0xda: {  	v6 =	vmul.f32 v23, v6;
	v23 =	vld [tilespmem:s9+$0xFFFFFFD0];
	[tilespmem:s7+$0x30] =	vst v5;
	v19 =	vperm.xlane v28, v2  }
0xdb: {  	v22 =	vperm.xlane v30, v2;
	v5 =	vld [tilespmem:s9+$0x20];
	[tilespmem:s13+$0x70] =	vst v13  }
0xdc: {  	[tilespmem:s7+$0xFFFFFFE0] =	vst v6;
	v13 =	vperm.xlane v29, v2;
	v6 =	vmul.f32 v18, v19;
	v18 =	vld [tilespmem:s10+$0x80]  }
0xdd: {  	v19 =	vmul.f32 v25, v22  }
0xde: {  	v22 =	vld [tilespmem:s20+$0xFFFFFF90];
	[tilespmem:s13+$0xFFFFFF70] =	vst v6;
	v6 =	vmul.f32 v17, v13  }
0xdf: {  	v11 =	vmul.f32 v20, v11;
	[tilespmem:s13+$0xFFFFFFC0] =	vst v19;
	v13 =	vperm.xlane v21, v4;
	v17 =	vld [tilespmem:s10+$0xFFFFFF80]  }
0xe0: {  	v12 =	vmul.f32 v23, v12;
	[tilespmem:s13+$0x10] =	vst v6;
	v6 =	vld [tilespmem:s10+$0xFFFFFFD0]  }
0xe1: {  	[tilespmem:s12+$0xFFFFFF80] =	vst v11;
	v5 =	vmul.f32 v5, v10;
	v11 =	vmul.f32 v18, v13;
	v13 =	vld [tilespmem:s10+$0x20]  }
0xe2: {  	[tilespmem:s12+$0xFFFFFFD0] =	vst v12;
	v19 =	vld [tilespmem:s20+$0xFFFFFFE0];
	v18 =	vperm.xlane v28, v3  }
0xe3: {  	v10 =	vperm.xlane v30, v3;
	v12 =	vld [tilespmem:s20+$0x30];
	[tilespmem:s12+$0x20] =	vst v5;
	v9 =	vmul.f32 v22, v9  }
0xe4: {  	v5 =	vld [tilespmem:s9+$0xFFFFFF90];
	[tilespmem:s13+$0x80] =	vst v11;
	v11 =	vperm.xlane v29, v3;
	v17 =	vmul.f32 v17, v18  }
0xe5: {  	[tilespmem:s8+$0xFFFFFF90] =	vst v9;
	v9 =	vld [tilespmem:s9+$0xFFFFFFE0];
	v6 =	vmul.f32 v6, v10  }
0xe6: {  	v10 =	vld [tilespmem:s9+$0x30];
	[tilespmem:s13+$0xFFFFFF80] =	vst v17;
	v11 =	vmul.f32 v13, v11  }
0xe7: {  	v8 =	vmul.f32 v19, v8;
	[tilespmem:s13+$0xFFFFFFD0] =	vst v6;
	v6 =	vld [tilespmem:s10+$0xFFFFFF90]  }
0xe8: {  	v7 =	vmul.f32 v12, v7;
	[tilespmem:s13+$0x20] =	vst v11;
	v11 =	vld [tilespmem:s10+$0xFFFFFFE0]  }
0xe9: {  	v5 =	vmul.f32 v5, v15;
	[tilespmem:s8+$0xFFFFFFE0] =	vst v8;
	v8 =	vld [tilespmem:s10+$0x30]  }
0xea: {  	v12 =	vperm.xlane v28, v4;
	[tilespmem:s8+$0x30] =	vst v7;
	v7 =	vmul.f32 v9, v14  }
0xeb: {  	[tilespmem:s12+$0xFFFFFF90] =	vst v5;
	v9 =	vperm.xlane v30, v4;
	v10 =	vmul.f32 v10, v16  }
0xec: {  	v5 =	vperm.xlane v29, v4;
	[tilespmem:s12+$0xFFFFFFE0] =	vst v7;
	v6 =	vmul.f32 v6, v12  }
0xed: {  	[tilespmem:s12+$0x30] =	vst v10;
	v7 =	vmul.f32 v11, v9  }
0xee: {  	s12 =	sshll.u32 s23, $0x8;
	[tilespmem:s13+$0xFFFFFF90] =	vst v6;
	v5 =	vmul.f32 v8, v5  }
0xef: {  	s7 =	sand.u32 $0x3FFFFF00, s12;
	[tilespmem:s13+$0xFFFFFFE0] =	vst v7  }
0xf0: {  	s7 =	sadd.s32 $0x2800, s7;
	[tilespmem:s13+$0x30] =	vst v5  }
0xf1: {  	[spmem:s2] =	stream.indirect.scatter.add.f32 [tilespmem:s18], [sflag:$0x5], $0x50, s7, s21, $0xb8;
	[tilespmem:$0x1C800] =	vst v63  }
0xf2: {  	_ =	swait.ge [sflag:s29], $0x2800  }
0xf3: {  	[sflag:s29] =	ssyncset.done $0x0  }
0xf4: {  	[sflag:s29] =	ssyncadd.s32 $0xFFFFD800  }
0xf5: {  	p1 =	seq.s32 s23, $0x27;
	_ =	swait.ge [sflag:s30], $0x800  }
0xf6: {  	s9 =	simm.s32 @!p1 $0x80;
	s7 =	sshll.u32 @!p1 s23, $0x8;
	[sflag:s30] =	ssyncset.done $0x0  }
0xf7: {  	s10 =	simm.s32 @!p1 $0x5000;
	s8 =	sadd.s32 @!p1 $0x100, s7;
	[sflag:s30] =	ssyncadd.s32 $0xFFFFF800  }
0xf8: {  	[tilespmem:s10], [sflag:$0x1] =	stream.indirect.gather @!p1 [hbm4b:s4+s9], $0x50, s8, s9, $0xb8;
	[tilespmem:$0x1C800] =	vst v63  }
0xf9: {  	p2 =	seq.s32 @!p1 s23, $0x0;
	s7 =	sadd.s32 @!p1 $0x2900, s7;
	s8 =	simm.s32 @!p1 $0xA000  }
0xfa: {  	[tilespmem:s8], [sflag:$0x3] =	stream.indirect.gather @!p1 [hbm4b:s5+s9], $0x10, s7, s9, $0xb8;
	[tilespmem:$0x1C800] =	vst v63  }
0xfb: {  	p1 =	por p1, !p2  }
0xfc: {  	_ =	swait.ge @p1 [sflag:s22], $0x2800  }
0xfd: {  	[sflag:s22] =	ssyncset.done @p1 $0x0  }
0xfe: {  	s12 =	simm.s32 $0x78A0;
	[sflag:s22] =	ssyncadd.s32 @p1 $0xFFFFD800  }
0xff: {  	s14 =	simm.s32 $0xA820;
	v5 =	vld [tilespmem:s12+$0x90]  }
0x100: {  	v6 =	vld [tilespmem:s14+$0x10];
	_ =	sdelay $0x4  }
0x101: {  	v7 =	vld [tilespmem:s14+$0xFFFFFFE0];
	v5 =	vadd.f32 v6, v5  }
0x102: {  	v8 =	vld [tilespmem:s14+$0xFFFFFFF0]  }
0x103: {  	v10 =	vld [tilespmem:s12+$0x40];
	v9 =	vmul.f32 $2.000000030e-01, v5  }
0x104: {  	v6 =	vld [tilespmem:s12+$0xFFFFFFF0]  }
0x105: {  	v11 =	vld [tilespmem:s14+$0x0];
	v5 =	vmax.f32 v5, v9  }
0x106: {  	v9 =	vld [tilespmem:s12+$0xFFFFFFA0];
	v5 =	vmul.f32 $1.442695020e+00, v5;
	_ =	sdelay $0x1  }
0x107: {  	(erf) = vpow2.f32 v5  }
0x108: {  	v5 =	vadd.f32 v8, v6  }
0x109: {  	v6 =	vadd.f32 v11, v10  }
0x10a: {  	v8 =	vmul.f32 $2.000000030e-01, v5;
	v7 =	vadd.f32 v7, v9  }
0x10b: {  	v9 =	vmul.f32 $2.000000030e-01, v6  }
0x10c: {  	v5 =	vmax.f32 v5, v8;
	v8 =	vmul.f32 $2.000000030e-01, v7  }
0x10d: {  	v6 =	vmax.f32 v6, v9;
	v5 =	vmul.f32 $1.442695020e+00, v5  }
0x10e: {  	v6 =	vmul.f32 $1.442695020e+00, v6;
	v7 =	vmax.f32 v7, v8  }
0x10f: {  	s20 =	simm.s32 $0x79E0;
	v7 =	vmul.f32 $1.442695020e+00, v7;
	(erf) = vpow2.f32 v5  }
0x110: {  	s15 =	simm.s32 $0xA860;
	s7 =	simm.s32 $0xD8A0;
	v5 =	vld [tilespmem:s20+$0x90];
	(erf) = vpow2.f32 v6;
	v8 =	vpop (erf)  }
0x111: {  	v6 =	vld [tilespmem:s15+$0x10];
	(erf) = vpow2.f32 v7;
	[tilespmem:s7+$0x90] =	vst v8  }
0x112: {  	v7 =	vld [tilespmem:s12+$0x50];
	_ =	sdelay $0x2  }
0x113: {  	v12 =	vld [tilespmem:s15+$0xFFFFFFF0];
	v10 =	vperm.xlane v8, v1  }
0x114: {  	v14 =	vld [tilespmem:s15+$0x0]  }
0x115: {  	v17 =	vld [tilespmem:s20+$0xFFFFFFA0];
	v5 =	vadd.f32 v6, v5;
	v7 =	vmul.f32 v7, v10  }
0x116: {  	v11 =	vld [tilespmem:s20+$0xFFFFFFF0];
	v6 =	vpop (erf)  }
0x117: {  	v9 =	vld [tilespmem:s15+$0xFFFFFFE0];
	v13 =	vpop (erf);
	[tilespmem:s7+$0x50] =	vst v7;
	v7 =	vmul.f32 $2.000000030e-01, v5  }
0x118: {  	v10 =	vld [tilespmem:s20+$0x40];
	v15 =	vpop (erf)  }
0x119: {  	v16 =	vld [tilespmem:s12+$0x60];
	[tilespmem:s7+$0xFFFFFFA0] =	vst v15;
	v5 =	vmax.f32 v5, v7  }
0x11a: {  	v7 =	vld [tilespmem:s12+$0xFFFFFF60];
	v5 =	vmul.f32 $1.442695020e+00, v5  }
0x11b: {  	[tilespmem:s7+$0xFFFFFFF0] =	vst v6  }
0x11c: {  	v19 =	vperm.xlane v8, v2;
	[tilespmem:s7+$0x40] =	vst v13;
	v18 =	vld [tilespmem:s12+$0xFFFFFFB0];
	(erf) = vpow2.f32 v5  }
0x11d: {  	v11 =	vadd.f32 v12, v11;
	v20 =	vperm.xlane v6, v1;
	v12 =	vld [tilespmem:s12+$0x0];
	v5 =	vperm.xlane v15, v1  }
0x11e: {  	s16 =	simm.s32 $0xA8A0;
	v23 =	vperm.xlane v6, v3;
	v10 =	vadd.f32 v14, v10;
	v14 =	vmul.f32 v16, v19  }
0x11f: {  	s9 =	simm.s32 $0x7B20;
	v25 =	vld [tilespmem:s16+$0xFFFFFFE0];
	v9 =	vadd.f32 v9, v17;
	v19 =	vmul.f32 $2.000000030e-01, v11;
	v5 =	vmul.f32 v7, v5  }
0x120: {  	v28 =	vld [tilespmem:s9+$0xFFFFFFA0];
	v17 =	vmul.f32 $2.000000030e-01, v10;
	v16 =	vperm.xlane v13, v1;
	[tilespmem:s7+$0x60] =	vst v14  }
0x121: {  	v7 =	vmax.f32 v11, v19;
	v11 =	vmul.f32 $2.000000030e-01, v9;
	v14 =	vmul.f32 v18, v20;
	v18 =	vld [tilespmem:s12+$0x70];
	[tilespmem:s7+$0xFFFFFF60] =	vst v5  }
0x122: {  	v10 =	vmax.f32 v10, v17;
	v7 =	vmul.f32 $1.442695020e+00, v7;
	v5 =	vmul.f32 v12, v16;
	v12 =	vld [tilespmem:s12+$0xFFFFFF70]  }
0x123: {  	v24 =	vperm.xlane v13, v3;
	v10 =	vmul.f32 $1.442695020e+00, v10;
	[tilespmem:s7+$0xFFFFFFB0] =	vst v14;
	v9 =	vmax.f32 v9, v11;
	v11 =	vld [tilespmem:s9+$0x90]  }
0x124: {  	(erf) = vpow2.f32 v7;
	v7 =	vld [tilespmem:s12+$0xFFFFFFC0];
	[tilespmem:s7+$0x0] =	vst v5;
	v9 =	vmul.f32 $1.442695020e+00, v9  }
0x125: {  	s8 =	simm.s32 $0xD9E0;
	v5 =	vperm.xlane v8, v3;
	(erf) = vpow2.f32 v10;
	v10 =	vld [tilespmem:s12+$0x10];
	v14 =	vpop (erf)  }
0x126: {  	v21 =	vperm.xlane v15, v3;
	(erf) = vpow2.f32 v9;
	v9 =	vld [tilespmem:s16+$0x10];
	[tilespmem:s8+$0x90] =	vst v14  }
0x127: {  	v16 =	vperm.xlane v15, v2;
	v5 =	vmul.f32 v18, v5;
	v18 =	vld [tilespmem:s20+$0x50]  }
0x128: {  	s13 =	simm.s32 $0xA8E0;
	v26 =	vld [tilespmem:s16+$0xFFFFFFF0];
	v17 =	vperm.xlane v6, v2;
	v19 =	vperm.xlane v13, v2  }
0x129: {  	v38 =	vld [tilespmem:s13+$0x0];
	v20 =	vperm.xlane v15, v4;
	v12 =	vmul.f32 v12, v16  }
0x12a: {  	v25 =	vadd.f32 v25, v28;
	v15 =	vld [tilespmem:s9+$0xFFFFFFF0];
	[tilespmem:s7+$0x70] =	vst v5;
	v5 =	vperm.xlane v13, v4;
	v13 =	vperm.xlane v14, v1  }
0x12b: {  	v7 =	vmul.f32 v7, v17;
	v17 =	vld [tilespmem:s9+$0x40];
	v10 =	vmul.f32 v10, v19  }
0x12c: {  	v22 =	vld [tilespmem:s12+$0x80];
	[tilespmem:s7+$0xFFFFFF70] =	vst v12;
	v12 =	vmul.f32 $2.000000030e-01, v25;
	v9 =	vadd.f32 v9, v11;
	v13 =	vmul.f32 v18, v13  }
0x12d: {  	s10 =	simm.s32 $0x7C60;
	v6 =	vperm.xlane v6, v4;
	v8 =	vperm.xlane v8, v4;
	[tilespmem:s7+$0x10] =	vst v10;
	v16 =	vpop (erf);
	v18 =	vld [tilespmem:s16+$0x0]  }
0x12e: {  	v39 =	vld [tilespmem:s10+$0xFFFFFFA0];
	v28 =	vperm.xlane v14, v2;
	v12 =	vmax.f32 v25, v12;
	v19 =	vpop (erf);
	[tilespmem:s8+$0x50] =	vst v13;
	v13 =	vmul.f32 $2.000000030e-01, v9  }
0x12f: {  	v15 =	vadd.f32 v26, v15;
	v10 =	vmul.f32 $1.442695020e+00, v12;
	v12 =	vld [tilespmem:s12+$0x20];
	v11 =	vperm.xlane v16, v1;
	v29 =	vpop (erf)  }
0x130: {  	v26 =	vperm.xlane v16, v2;
	v56 =	vperm.xlane v16, v3;
	[tilespmem:s8+$0xFFFFFFA0] =	vst v29;
	v54 =	vld [tilespmem:s20+$0x60];
	v9 =	vmax.f32 v9, v13  }
0x131: {  	[tilespmem:s8+$0xFFFFFFF0] =	vst v16;
	v22 =	vmul.f32 v22, v8;
	v8 =	vld [tilespmem:s20+$0xFFFFFF60];
	v9 =	vmul.f32 $1.442695020e+00, v9  }
0x132: {  	v27 =	vperm.xlane v19, v1;
	[tilespmem:s8+$0x40] =	vst v19;
	v13 =	vld [tilespmem:s20+$0xFFFFFFB0];
	v17 =	vadd.f32 v18, v17;
	v18 =	vmul.f32 $2.000000030e-01, v15  }
0x133: {  	v57 =	vperm.xlane v19, v3;
	v55 =	vld [tilespmem:s20+$0x0];
	(erf) = vpow2.f32 v9  }
0x134: {  	v30 =	vperm.xlane v29, v1;
	v34 =	vmul.f32 $2.000000030e-01, v17;
	v9 =	vmax.f32 v15, v18;
	v18 =	vld [tilespmem:s12+$0xFFFFFF80]  }
0x135: {  	v31 =	vperm.xlane v29, v2;
	[tilespmem:s7+$0x80] =	vst v22;
	v22 =	vld [tilespmem:s10+$0x40];
	v15 =	vmul.f32 v54, v28  }
0x136: {  	[tilespmem:s7+$0xFFFFFFC0] =	vst v7;
	v7 =	vmul.f32 $1.442695020e+00, v9;
	v28 =	vld [tilespmem:s10+$0x90];
	v9 =	vmax.f32 v17, v34;
	v8 =	vmul.f32 v8, v30  }
0x137: {  	v17 =	vld [tilespmem:s12+$0xFFFFFFD0];
	v11 =	vmul.f32 v13, v11;
	v9 =	vmul.f32 $1.442695020e+00, v9;
	[tilespmem:s8+$0x60] =	vst v15  }
0x138: {  	(erf) = vpow2.f32 v7;
	v7 =	vld [tilespmem:s20+$0x70];
	[tilespmem:s8+$0xFFFFFF60] =	vst v8;
	v8 =	vmul.f32 v55, v27  }
0x139: {  	[tilespmem:s8+$0xFFFFFFB0] =	vst v11;
	(erf) = vpow2.f32 v9;
	v25 =	vld [tilespmem:s20+$0xFFFFFF70];
	v18 =	vmul.f32 v18, v21  }
0x13a: {  	v24 =	vmul.f32 v12, v24;
	(erf) = vpow2.f32 v10;
	v10 =	vld [tilespmem:s20+$0xFFFFFFC0];
	[tilespmem:s8+$0x0] =	vst v8  }
0x13b: {  	v15 =	vperm.xlane v19, v2;
	v8 =	vperm.xlane v14, v3;
	v11 =	vld [tilespmem:s20+$0x10];
	[tilespmem:s7+$0xFFFFFF80] =	vst v18  }
0x13c: {  	s14 =	simm.s32 $0xDB20;
	v27 =	vperm.xlane v29, v3;
	v9 =	vperm.xlane v29, v4;
	v63 =	vld [tilespmem:s12+$0xFFFFFF90];
	v13 =	vpop (erf)  }
0x13d: {  	v29 =	vmul.f32 v7, v8;
	v8 =	vperm.xlane v16, v4;
	v16 =	vld [tilespmem:s13+$0x10];
	[tilespmem:s14+$0x90] =	vst v13  }
0x13e: {  	v14 =	vperm.xlane v14, v4;
	v21 =	vmul.f32 v17, v23;
	v17 =	vld [tilespmem:s9+$0x50]  }
0x13f: {  	v23 =	vmul.f32 v25, v31;
	v25 =	vmul.f32 v10, v26;
	v26 =	vld [tilespmem:s13+$0xFFFFFFE0]  }
0x140: {  	v7 =	vperm.xlane v19, v4;
	[tilespmem:s8+$0x70] =	vst v29;
	v10 =	vld [tilespmem:s10+$0xFFFFFFF0];
	v30 =	vmul.f32 v11, v15  }
0x141: {  	v22 =	vadd.f32 v38, v22;
	v12 =	vld [tilespmem:s20+$0x80];
	v11 =	vperm.xlane v13, v1;
	v29 =	vpop (erf);
	v20 =	vmul.f32 v63, v20  }
0x142: {  	v15 =	vld [tilespmem:s13+$0xFFFFFFF0];
	v31 =	vperm.xlane v29, v1;
	v58 =	vpop (erf);
	v19 =	vperm.xlane v29, v2  }
0x143: {  	[tilespmem:s8+$0x10] =	vst v30;
	v30 =	vmul.f32 $2.000000030e-01, v22;
	v35 =	vperm.xlane v58, v1;
	v36 =	vpop (erf)  }
0x144: {  	v16 =	vadd.f32 v16, v28;
	v37 =	vperm.xlane v36, v1;
	v11 =	vmul.f32 v17, v11  }
0x145: {  	[tilespmem:s8+$0xFFFFFFC0] =	vst v25;
	v18 =	vperm.xlane v36, v2;
	v17 =	vperm.xlane v58, v2  }
0x146: {  	v28 =	vmul.f32 v12, v14;
	v14 =	vmul.f32 $2.000000030e-01, v16;
	[tilespmem:s14+$0x50] =	vst v11  }
0x147: {  	[tilespmem:s14+$0xFFFFFFA0] =	vst v36;
	v25 =	vadd.f32 v26, v39;
	v26 =	vperm.xlane v13, v2;
	v41 =	vadd.f32 v15, v10;
	v42 =	vld [tilespmem:s9+$0x60]  }
0x148: {  	[tilespmem:s14+$0xFFFFFFF0] =	vst v29;
	v40 =	vld [tilespmem:s9+$0xFFFFFF60];
	v12 =	vperm.xlane v29, v3;
	v10 =	vperm.xlane v58, v3;
	v16 =	vmax.f32 v16, v14  }
0x149: {  	[tilespmem:s8+$0xFFFFFF70] =	vst v23;
	v59 =	vld [tilespmem:s9+$0xFFFFFFB0];
	v14 =	vperm.xlane v29, v4;
	v29 =	vmul.f32 $1.442695020e+00, v16  }
0x14a: {  	v61 =	vld [tilespmem:s20+$0xFFFFFF80];
	[tilespmem:s14+$0x40] =	vst v58;
	v22 =	vmax.f32 v22, v30;
	v15 =	vperm.xlane v36, v4;
	v23 =	vmul.f32 $2.000000030e-01, v41  }
0x14b: {  	v60 =	vld [tilespmem:s9+$0x0];
	v22 =	vmul.f32 $1.442695020e+00, v22;
	(erf) = vpow2.f32 v29  }
0x14c: {  	[tilespmem:s7+$0xFFFFFFD0] =	vst v21;
	v62 =	vld [tilespmem:s20+$0x20];
	v21 =	vmax.f32 v41, v23;
	v23 =	vmul.f32 $2.000000030e-01, v25;
	v26 =	vmul.f32 v42, v26  }
0x14d: {  	[tilespmem:s8+$0x80] =	vst v28;
	v29 =	vld [tilespmem:s20+$0xFFFFFFD0];
	v21 =	vmul.f32 $1.442695020e+00, v21;
	v28 =	vmul.f32 v40, v37  }
0x14e: {  	v11 =	vperm.xlane v36, v3;
	v30 =	vmul.f32 v59, v31;
	v25 =	vmax.f32 v25, v23;
	v23 =	vld [tilespmem:s12+$0xFFFFFFE0];
	[tilespmem:s14+$0x60] =	vst v26  }
0x14f: {  	(erf) = vpow2.f32 v21;
	[tilespmem:s14+$0xFFFFFF60] =	vst v28;
	v26 =	vmul.f32 $1.442695020e+00, v25;
	v28 =	vld [tilespmem:s9+$0x70]  }
0x150: {  	[tilespmem:s14+$0xFFFFFFB0] =	vst v30;
	v21 =	vmul.f32 v60, v35;
	(erf) = vpow2.f32 v22;
	v25 =	vld [tilespmem:s9+$0xFFFFFF70]  }
0x151: {  	[tilespmem:s7+$0x20] =	vst v24;
	v22 =	vmul.f32 v61, v27;
	(erf) = vpow2.f32 v26;
	v26 =	vld [tilespmem:s9+$0xFFFFFFC0]  }
0x152: {  	v24 =	vld [tilespmem:s12+$0x30];
	v30 =	vperm.xlane v13, v3;
	[tilespmem:s14+$0x0] =	vst v21;
	v29 =	vmul.f32 v29, v56  }
0x153: {  	s15 =	simm.s32 $0xC;
	s16 =	simm.s32 $0x7DA0;
	v16 =	vperm.xlane v58, v4;
	s12 =	simm.s32 $0xDB20;
	v27 =	vld [tilespmem:s9+$0x10];
	[tilespmem:s8+$0xFFFFFF80] =	vst v22;
	v22 =	vmul.f32 v62, v57  }
.LBB2_7:
0x154: {  	v31 =	vld [tilespmem:s16+$0x90];
	s13 =	sadd.s32 $0x40, s13;
	v32 =	vpop (erf);
	v28 =	vmul.f32 v28, v30;
	s14 =	sadd.s32 $0x140, s14;
	[tilespmem:s8+$0xFFFFFFD0] =	vst v29;
	v23 =	vmul.f32 v23, v6;
	v21 =	vmov v15  }
0x155: {  	v6 =	vmov v8;
	v8 =	vmov v14;
	v15 =	vld [tilespmem:s13+$0x10];
	[tilespmem:s14+$0x90] =	vst v32;
	v18 =	vmul.f32 v25, v18  }
0x156: {  	v14 =	vld [tilespmem:s10+$0x50];
	v19 =	vmul.f32 v26, v19;
	[tilespmem:s12+$0x70] =	vst v28  }
0x157: {  	[tilespmem:s12+$0xFFFFFF70] =	vst v18;
	v25 =	vld [tilespmem:s9+$0x80];
	v24 =	vmul.f32 v24, v5;
	v5 =	vmov v7;
	v7 =	vmov v16  }
0x158: {  	s15 =	sadd.s32 $0x4, s15;
	v16 =	vld [tilespmem:s13+$0xFFFFFFE0];
	v26 =	vpop (erf);
	[tilespmem:s12+$0xFFFFFFC0] =	vst v19;
	v17 =	vmul.f32 v27, v17  }
0x159: {  	p1 =	slt.u32 s15, $0x7C;
	v18 =	vperm.xlane v32, v1;
	v27 =	vld [tilespmem:s16+$0xFFFFFFF0];
	[tilespmem:s14+$0xFFFFFFF0] =	vst v26;
	v28 =	vperm.xlane v26, v1;
	v29 =	vpop (erf)  }
0x15a: {  	v19 =	vperm.xlane v13, v4;
	v13 =	vmov v32;
	v30 =	vld [tilespmem:s13+$0xFFFFFFF0];
	[tilespmem:s14+$0x40] =	vst v29;
	v33 =	vperm.xlane v29, v1;
	v34 =	vpop (erf)  }
0x15b: {  	v32 =	vld [tilespmem:s16+$0x40];
	[tilespmem:s14+$0xFFFFFFA0] =	vst v34;
	v35 =	vperm.xlane v34, v1;
	v14 =	vmul.f32 v14, v18  }
0x15c: {  	v15 =	vadd.f32 v15, v31;
	v18 =	vperm.xlane v34, v2;
	v36 =	vld [tilespmem:s13+$0x0];
	[tilespmem:s12+$0x10] =	vst v17;
	v25 =	vmul.f32 v25, v19  }
0x15d: {  	v19 =	vperm.xlane v26, v2;
	v17 =	vperm.xlane v29, v2;
	v31 =	vld [tilespmem:s16+$0xFFFFFFA0];
	[tilespmem:s14+$0x50] =	vst v14  }
0x15e: {  	v38 =	vperm.xlane v34, v3;
	v14 =	vmul.f32 $2.000000030e-01, v15;
	v37 =	vld [tilespmem:s10+$0xFFFFFF60];
	[tilespmem:s12+$0x80] =	vst v25  }
0x15f: {  	v39 =	vperm.xlane v29, v3;
	v25 =	vadd.f32 v30, v27;
	v27 =	vperm.xlane v26, v3;
	v30 =	vld [tilespmem:s10+$0x60];
	[tilespmem:s8+$0x20] =	vst v22  }
0x160: {  	v22 =	vmax.f32 v15, v14;
	v15 =	vperm.xlane v34, v4;
	v14 =	vperm.xlane v26, v4;
	v34 =	vld [tilespmem:s10+$0xFFFFFFB0];
	[tilespmem:s7+$0xFFFFFF90] =	vst v20  }
0x161: {  	v22 =	vmul.f32 $1.442695020e+00, v22;
	v20 =	vmul.f32 $2.000000030e-01, v25;
	v26 =	vadd.f32 v36, v32;
	v32 =	vld [tilespmem:s10+$0x0];
	[tilespmem:s7+$0xFFFFFFE0] =	vst v23  }
0x162: {  	v23 =	vadd.f32 v16, v31;
	v16 =	vperm.xlane v29, v4;
	v29 =	vperm.xlane v13, v2;
	v31 =	vld [tilespmem:s9+$0xFFFFFF80];
	[tilespmem:s7+$0x30] =	vst v24;
	s7 =	smov.u32 s8;
	s8 =	smov.u32 s12;
	s12 =	smov.u32 s14  }
0x163: {  	v20 =	vmax.f32 v25, v20;
	v24 =	vmul.f32 $2.000000030e-01, v26;
	(erf) = vpow2.f32 v22;
	v22 =	vld [tilespmem:s9+$0xFFFFFFD0]  }
0x164: {  	v25 =	vmul.f32 $2.000000030e-01, v23;
	v29 =	vmul.f32 v30, v29;
	v36 =	vld [tilespmem:s9+$0x20]  }
0x165: {  	v20 =	vmul.f32 $1.442695020e+00, v20;
	v24 =	vmax.f32 v26, v24;
	v26 =	vmul.f32 v37, v35;
	v35 =	vld [tilespmem:s20+$0xFFFFFF90]  }
0x166: {  	v30 =	vmul.f32 v34, v28;
	v25 =	vmax.f32 v23, v25;
	v24 =	vmul.f32 $1.442695020e+00, v24;
	[tilespmem:s14+$0x60] =	vst v29;
	v23 =	vld [tilespmem:s20+$0xFFFFFFE0]  }
.Ltmp2:
0x167: {  	v29 =	vmul.f32 $1.442695020e+00, v25;
	(erf) = vpow2.f32 v20;
	[tilespmem:s14+$0xFFFFFF60] =	vst v26;
	v28 =	vld [tilespmem:s10+$0x70];
	(pc) =	sbr.rel @p1 .LBB2_7-.Ltmp2, $4  }
0x168: {  	v20 =	vmul.f32 v32, v33;
	(erf) = vpow2.f32 v24;
	v25 =	vld [tilespmem:s10+$0xFFFFFF70];
	[tilespmem:s14+$0xFFFFFFB0] =	vst v30  }
0x169: {  	v31 =	vmul.f32 v31, v11;
	v11 =	vmov v38;
	(erf) = vpow2.f32 v29;
	v26 =	vld [tilespmem:s10+$0xFFFFFFC0]  }
0x16a: {  	v30 =	vperm.xlane v13, v3;
	v29 =	vmul.f32 v22, v12;
	v12 =	vmov v27;
	[tilespmem:s14+$0x0] =	vst v20;
	v24 =	vld [tilespmem:s20+$0x30];
	s20 =	smov.u32 s9;
	s9 =	smov.u32 s10;
	s10 =	smov.u32 s16  }
0x16b: {  	v22 =	vmul.f32 v36, v10;
	v10 =	vmovc v39;
	s16 =	sadd.s32 $0x140, s16;
	v20 =	vmul.f32 v35, v9;
	v9 =	vmov v21;
	v27 =	vld [tilespmem:s9+$0x10];
	[tilespmem:s8+$0xFFFFFF80] =	vst v31  }
0x16c: {  	v21 =	vpop (erf);
	s13 =	sadd.s32 $0x140, s14  }
0x16d: {  	[tilespmem:s13+$0x90] =	vst v21  }
0x16e: {  	v31 =	vld [tilespmem:s10+$0x50]  }
0x16f: {  	v28 =	vmul.f32 v28, v30;
	_ =	sdelay $0x1  }
0x170: {  	v32 =	vperm.xlane v21, v1;
	v30 =	vpop (erf)  }
0x171: {  	[tilespmem:s8+$0xFFFFFFD0] =	vst v29;
	v29 =	vpop (erf)  }
0x172: {  	[tilespmem:s12+$0x70] =	vst v28;
	v28 =	vpop (erf);
	v31 =	vmul.f32 v31, v32  }
0x173: {  	[tilespmem:s13+$0xFFFFFFA0] =	vst v28  }
0x174: {  	v59 =	vld [tilespmem:s10+$0xFFFFFF60];
	[tilespmem:s13+$0x50] =	vst v31  }
0x175: {  	[tilespmem:s13+$0xFFFFFFF0] =	vst v30;
	v31 =	vld [tilespmem:s10+$0x60]  }
0x176: {  	v6 =	vmul.f32 v23, v6;
	[tilespmem:s13+$0x40] =	vst v29;
	v60 =	vld [tilespmem:s10+$0xFFFFFFB0]  }
0x177: {  	v18 =	vmul.f32 v25, v18;
	[tilespmem:s8+$0x20] =	vst v22;
	v61 =	vld [tilespmem:s10+$0x0];
	v62 =	vperm.xlane v28, v1  }
0x178: {  	v33 =	vperm.xlane v21, v2;
	[tilespmem:s7+$0xFFFFFF90] =	vst v20;
	v19 =	vmul.f32 v26, v19  }
0x179: {  	[tilespmem:s7+$0xFFFFFFE0] =	vst v6;
	v63 =	vperm.xlane v30, v1;
	v34 =	vmul.f32 v59, v62  }
0x17a: {  	v48 =	vld [tilespmem:s20+$0xFFFFFF90];
	[tilespmem:s12+$0xFFFFFF70] =	vst v18;
	v31 =	vmul.f32 v31, v33;
	v33 =	vperm.xlane v29, v1  }
0x17b: {  	v56 =	vld [tilespmem:s20+$0x30];
	[tilespmem:s12+$0xFFFFFFC0] =	vst v19;
	v36 =	vmul.f32 v60, v63  }
0x17c: {  	[tilespmem:s13+$0xFFFFFF60] =	vst v34;
	v37 =	vmul.f32 v61, v33  }
0x17d: {  	v17 =	vmul.f32 v27, v17;
	[tilespmem:s13+$0xFFFFFFB0] =	vst v36;
	v38 =	vld [tilespmem:s10+$0xFFFFFF70]  }
0x17e: {  	v5 =	vmul.f32 v24, v5;
	v40 =	vld [tilespmem:s10+$0xFFFFFFC0];
	[tilespmem:s13+$0x0] =	vst v37  }
0x17f: {  	v9 =	vmul.f32 v48, v9;
	[tilespmem:s12+$0x10] =	vst v17;
	v17 =	vld [tilespmem:s10+$0x10]  }
0x180: {  	v58 =	vld [tilespmem:s9+$0x80];
	[tilespmem:s7+$0x30] =	vst v5;
	v41 =	vperm.xlane v28, v2;
	v7 =	vmul.f32 v56, v7  }
0x181: {  	v43 =	vperm.xlane v30, v2;
	v44 =	vld [tilespmem:s9+$0xFFFFFFD0];
	[tilespmem:s8+$0xFFFFFF90] =	vst v9  }
0x182: {  	v42 =	vld [tilespmem:s9+$0xFFFFFF80];
	v45 =	vperm.xlane v29, v2;
	[tilespmem:s8+$0x30] =	vst v7;
	v6 =	vmul.f32 v38, v41  }
0x183: {  	v13 =	vperm.xlane v13, v4;
	v5 =	vld [tilespmem:s9+$0x20];
	[tilespmem:s13+$0x60] =	vst v31;
	v47 =	vmul.f32 v40, v43  }
0x184: {  	v35 =	vld [tilespmem:s10+$0x70];
	[tilespmem:s13+$0xFFFFFF70] =	vst v6;
	v6 =	vmul.f32 v17, v45  }
0x185: {  	v13 =	vmul.f32 v58, v13;
	[tilespmem:s13+$0xFFFFFFC0] =	vst v47;
	v50 =	vld [tilespmem:s10+$0xFFFFFF80]  }
0x186: {  	v12 =	vmul.f32 v44, v12;
	[tilespmem:s13+$0x10] =	vst v6;
	v6 =	vld [tilespmem:s10+$0xFFFFFFD0]  }
0x187: {  	v39 =	vperm.xlane v21, v3;
	v11 =	vmul.f32 v42, v11;
	[tilespmem:s12+$0x80] =	vst v13;
	v52 =	vld [tilespmem:s10+$0x20]  }
0x188: {  	v54 =	vld [tilespmem:s20+$0xFFFFFFE0];
	v53 =	vperm.xlane v28, v3;
	v5 =	vmul.f32 v5, v10;
	[tilespmem:s12+$0xFFFFFFD0] =	vst v12  }
0x189: {  	v55 =	vperm.xlane v30, v3;
	[tilespmem:s12+$0xFFFFFF80] =	vst v11;
	v58 =	vld [tilespmem:s9+$0xFFFFFFE0];
	v13 =	vmul.f32 v35, v39  }
0x18a: {  	v57 =	vperm.xlane v29, v3;
	[tilespmem:s12+$0x20] =	vst v5;
	v5 =	vld [tilespmem:s9+$0xFFFFFF90];
	v17 =	vmul.f32 v50, v53  }
0x18b: {  	v59 =	vld [tilespmem:s9+$0x30];
	[tilespmem:s13+$0x70] =	vst v13;
	v6 =	vmul.f32 v6, v55  }
0x18c: {  	v46 =	vld [tilespmem:s10+$0x80];
	[tilespmem:s13+$0xFFFFFF80] =	vst v17;
	v11 =	vmul.f32 v52, v57  }
0x18d: {  	v8 =	vmul.f32 v54, v8;
	[tilespmem:s13+$0xFFFFFFD0] =	vst v6;
	v6 =	vld [tilespmem:s10+$0xFFFFFF90]  }
0x18e: {  	v7 =	vmul.f32 v58, v14;
	[tilespmem:s13+$0x20] =	vst v11;
	v60 =	vld [tilespmem:s10+$0xFFFFFFE0]  }
0x18f: {  	v49 =	vperm.xlane v21, v4;
	[tilespmem:s8+$0xFFFFFFE0] =	vst v8;
	v5 =	vmul.f32 v5, v15;
	v61 =	vld [tilespmem:s10+$0x30]  }
0x190: {  	v62 =	vperm.xlane v28, v4;
	v10 =	vmul.f32 v59, v16;
	[tilespmem:s12+$0xFFFFFFE0] =	vst v7  }
0x191: {  	s23 =	sadd.s32 $0x1, s23;
	v63 =	vperm.xlane v30, v4;
	[tilespmem:s12+$0xFFFFFF90] =	vst v5;
	v51 =	vmul.f32 v46, v49  }
0x192: {  	p1 =	sne.s32 s23, $0x28;
	v5 =	vperm.xlane v29, v4;
	[tilespmem:s12+$0x30] =	vst v10;
	v6 =	vmul.f32 v6, v62  }
.Ltmp3:
0x193: {  	[tilespmem:s13+$0x80] =	vst v51;
	v7 =	vmul.f32 v60, v63;
	(pc) =	sbr.rel @p1 .LBB2_4-.Ltmp3, $4  }
0x194: {  	v5 =	vmul.f32 v61, v5;
	[tilespmem:s13+$0xFFFFFF90] =	vst v6  }
0x195: {  	s0 =	sand.u32 $0x3FFFFF80, s0;
	[tilespmem:s13+$0xFFFFFFE0] =	vst v7  }
0x196: {  	s0 =	sadd.s32 $0x2800, s0;
	[tilespmem:s13+$0x30] =	vst v5  }
0x197: {  	[spmem:s2] =	stream.indirect.scatter.add.f32 [tilespmem:s31], [sflag:$0x6], $0x50, s0, s21, $0xb8;
	[tilespmem:$0x1C800] =	vst v63  }
0x198: {  	_ =	swait.ge [sflag:s1], $0x2800  }
0x199: {  	[sflag:s1] =	ssyncset.done $0x0  }
0x19a: {  	[sflag:s1] =	ssyncadd.s32 $0xFFFFD800  }
0x19b: {  	_ =	swait.ge [sflag:s22], $0x2800  }
0x19c: {  	[sflag:s22] =	ssyncset.done $0x0  }
0x19d: {  	s0 =	stileid.u32;
	[sflag:s22] =	ssyncadd.s32 $0xFFFFD800  }
0x19e: {  	s0 =	sshll.u32 s0, $0x6;
	[bflag:$0x0] =	sbarrier.arrive $0xFFFF  }
0x19f: {  	s7 =	sshrl.u32 s6, $0x3;
	s0 =	sor.u32 $0x1C07, s0;
	s8 =	rddreg [dreg:$0xa]  }
0x1a0: {  	[hbm:s8], [sflag:s0] =	dma.local [spmem:s7], $0x1860  }
0x1a1: {  	s3 =	sadd.s32 $0x1, s3;
	_ =	swait.ge [sflag:s19], $0x1860  }
0x1a2: {  	p1 =	sne.s32 s3, s17;
	[sflag:s19] =	ssyncset.done $0x0  }
0x1a3: {  	s7 =	sshrl.u32 @!p0 s11, $0x3;
	s8 =	rddreg [dreg:$0xb];
	[sflag:s19] =	ssyncadd.s32 $0xFFFFE7A0  }
0x1a4: {  	[hbm:s8], [sflag:s0] =	dma.local @!p0 [spmem:s7], $0xA0  }
.Ltmp4:
0x1a5: {  	_ = 	snop;
	(pc) =	sbr.rel @p1 .LBB2_1-.Ltmp4, $4  }
0x1a6: {  	s0 =	simm.s32 @!p0 $0x7  }
0x1a7: {  	_ =	swait.ge @!p0 [sflag:s0], $0xA0  }
0x1a8: {  	[sflag:s0] =	ssyncset.done @!p0 $0x0  }
0x1a9: {  	[sflag:s0] =	ssyncadd.s32 @!p0 $0xFFFFFF60  }
0x1aa: {  	_ =	sfence.sel $0x180000  }
0x1ab: {  	[bflag:$0x0] =	sbarrier.arrive $0xFFFF  }
0x1ac: {  	_ =	strace $0x90000047  }
0x1ad: {  	s0 =	stileid.u32;
	[bflag:$0x2] =	sbarrier.arrive $0xFFFF  }
0x1ae: {  	p0 =	sne.s32 s0, $0x0;
	s0 =	rddreg [dreg:$0x2]  }
0x1af: {  	s0 =	sadd.s32 @!p0 $0x100000, s0  }
0x1b0: {  	[sflag:s0] =	ssyncadd.tile.s32 @!p0 $0x1;
	_ =	shalt  }
.Lfunc_end2:
_tile_overlayer_lowered:
.L_overlay_start_2:
0x1b1: {  	(tag) =	ssettag $0x2  }
0x1b2: {  	s0 =	rddreg [dreg:$0x0];
	s2 =	stileid.u32  }
0x1b3: {  	s1 =	rddreg [dreg:$0x1];
	p0 =	sne.s32 s2, $0x0  }
0x1b4: {  	s3 =	rddreg [dreg:$0x2];
	[bflag:$0x3] =	sbarrier.arrive $0xFFFF;
	s2 =	simm.s32 @!p0 $0x1C07  }
0x1b5: {  	[timem:s3], [sflag:s2] =	dma.local @!p0 [hbm:s0], s1  }
0x1b6: {  	s0 =	simm.s32 @!p0 $0x7  }
0x1b7: {  	_ =	swait.ge @!p0 [sflag:s0], s1  }
0x1b8: {  	s1 =	ssub.s32 @!p0 $0x0, s1;
	[sflag:s0] =	ssyncset.done @!p0 $0x0  }
0x1b9: {  	[sflag:s0] =	ssyncadd.s32 @!p0 s1  }
0x1ba: {  	[bflag:$0x3] =	sbarrier.arrive $0xFFFF  }
0x1bb: {  	_ =	shalt  }

</sc_bundles>
